<compile_context>
chip_gen: v7x
topology: tpu7x:2x2x1
jax: 0.10.2.dev20260603
libtpu: 0.0.44.dev20260713+nightly
codegen_flags: <defaults>
</compile_context>

<pallas_src>
import functools

import jax
import jax.numpy as jnp
from jax import lax
from jax.experimental import pallas as pl
from jax.experimental.pallas import tpu as pltpu
from jax.experimental.pallas import tpu_sc as plsc

N = 10000
IN_DIM = 128
HID_DIM = 64

NC = 2
NS = 16
NW = NC * NS
L = 16

CHUNK = 128
N_ACC = 10112
ROWS_PER_TILE = N_ACC // NS


def _flat_tile_id():
    return lax.axis_index("c") * NS + lax.axis_index("s")


def _deg_body(nch16, dst_hbm, out_hbm, dst_v, acc):
    wid = _flat_tile_id()
    pltpu.sync_copy(dst_hbm.at[wid], dst_v)

    zero16 = jnp.zeros((L,), jnp.float32)

    @pl.loop(0, N_ACC // L)
    def _(i):
        acc[pl.ds(i * L, L)] = zero16

    ones16 = jnp.ones((L,), jnp.float32)

    @pl.loop(0, nch16)
    def _(k):
        idx = dst_v[k]
        plsc.addupdate_scatter(acc, [idx], ones16)

    pltpu.sync_copy(acc, out_hbm.at[wid])


def _make_deg_call(nch16):
    mesh = plsc.VectorSubcoreMesh(core_axis_name="c", subcore_axis_name="s")
    return pl.kernel(
        functools.partial(_deg_body, nch16),
        out_type=jax.ShapeDtypeStruct((NW, N_ACC), jnp.float32),
        mesh=mesh,
        scratch_types=[
            pltpu.VMEM((nch16, L), jnp.int32),
            pltpu.VMEM((N_ACC,), jnp.float32),
        ],
        compiler_params=pltpu.CompilerParams(needs_layout_passes=False),
    )


DEPTH = 8


def _prop_body(nchunk, hs_hbm, src_hbm, dst_hbm, out_hbm,
               src_v, dst_v, bufs, accum, gsems, ssems):
    c = lax.axis_index("c")
    s = lax.axis_index("s")
    wid = c * NS + s

    pltpu.sync_copy(src_hbm.at[wid], src_v)
    pltpu.sync_copy(dst_hbm.at[wid], dst_v)

    zero16 = jnp.zeros((L,), jnp.float32)
    zrow = bufs.at[0]

    @pl.loop(0, CHUNK)
    def _(r):
        for q in range(HID_DIM // L):
            zrow[r, pl.ds(q * L, L)] = zero16

    base = s * ROWS_PER_TILE
    nfull = ROWS_PER_TILE // CHUNK
    rem = ROWS_PER_TILE - nfull * CHUNK
    for p in range(nfull):
        pltpu.sync_copy(zrow, accum.at[pl.ds(base + p * CHUNK, CHUNK)])
    if rem:
        pltpu.sync_copy(zrow.at[pl.ds(0, rem)],
                        accum.at[pl.ds(base + nfull * CHUNK, rem)])

    plsc.subcore_barrier()

    @pl.loop(0, nchunk // DEPTH)
    def _(t):
        j0 = DEPTH * t
        gd = [pltpu.async_copy(hs_hbm.at[src_v.at[j0 + k]], bufs.at[k],
                               gsems.at[k])
              for k in range(DEPTH)]
        sd = []
        for k in range(DEPTH):
            gd[k].wait()
            sd.append(pltpu.async_copy(bufs.at[k],
                                       accum.at[dst_v.at[j0 + k]],
                                       ssems.at[k], add=True))
        for k in range(DEPTH):
            sd[k].wait()

    plsc.subcore_barrier()

    pltpu.sync_copy(accum.at[pl.ds(base, ROWS_PER_TILE)],
                    out_hbm.at[c, pl.ds(base, ROWS_PER_TILE)])


def _make_prop_call(nchunk):
    mesh = plsc.VectorSubcoreMesh(core_axis_name="c", subcore_axis_name="s")
    return pl.kernel(
        functools.partial(_prop_body, nchunk),
        out_type=jax.ShapeDtypeStruct((NC, N_ACC, HID_DIM), jnp.float32),
        mesh=mesh,
        scratch_types=[
            pltpu.VMEM((nchunk, CHUNK), jnp.int32),
            pltpu.VMEM((nchunk, CHUNK), jnp.int32),
            pltpu.VMEM((DEPTH, CHUNK, HID_DIM), jnp.float32),
            pltpu.VMEM_SHARED((N_ACC, HID_DIM), jnp.float32),
            pltpu.SemaphoreType.DMA((DEPTH,)),
            pltpu.SemaphoreType.DMA((DEPTH,)),
        ],
        compiler_params=pltpu.CompilerParams(use_tc_tiling_on_sc=False),
    )


ROW_BLK = 2000
GRID = N // ROW_BLK


def _dinv_body(degp_ref, ones_ref, dinv_ref):
    deg_col = lax.dot_general(degp_ref[...], ones_ref[...],
                              (((0,), (0,)), ((), ())),
                              precision=lax.Precision.HIGHEST,
                              preferred_element_type=jnp.float32)
    e = lax.rsqrt(deg_col[:N_ACC // 2] + 1.0)
    o = lax.rsqrt(deg_col[N_ACC // 2:] + 1.0)
    lanes = lax.broadcasted_iota(jnp.int32, (N_ACC // 2, 2 * HID_DIM), 1)
    dinv_ref[...] = jnp.where(lanes < HID_DIM, e, o)


_dinv_call = pl.pallas_call(
    _dinv_body,
    out_shape=jax.ShapeDtypeStruct((N_ACC // 2, 2 * HID_DIM), jnp.float32),
)




def _m1_body(xp_ref, w1bd_ref, dinv_ref, hs_ref):
    hs_ref[...] = dinv_ref[...] * jnp.dot(xp_ref[...], w1bd_ref[...],
                                          preferred_element_type=jnp.float32)


def _m2_body(s1_ref, hs1_ref, dinv_ref, w2bd_ref, b1_ref, hs2_ref):
    dinv = dinv_ref[...]
    h1 = dinv * (s1_ref[0] + s1_ref[1] + hs1_ref[...]) + b1_ref[...]
    hs2_ref[...] = dinv * jnp.dot(h1, w2bd_ref[...],
                                  preferred_element_type=jnp.float32)


def _m3_body(s2_ref, hs2_ref, dinv_ref, b2_ref, out_ref):
    out_ref[...] = (dinv_ref[...] * (s2_ref[0] + s2_ref[1] + hs2_ref[...])
                    + b2_ref[...])


HB = ROW_BLK // 2
PK = 2 * HID_DIM

_m1_call = pl.pallas_call(
    _m1_body,
    grid=(GRID,),
    in_specs=[
        pl.BlockSpec((HB, 2 * IN_DIM), lambda i: (i, 0)),
        pl.BlockSpec((2 * IN_DIM, PK), lambda i: (0, 0)),
        pl.BlockSpec((HB, PK), lambda i: (i, 0)),
    ],
    out_specs=pl.BlockSpec((HB, PK), lambda i: (i, 0)),
    out_shape=jax.ShapeDtypeStruct((N_ACC // 2, PK), jnp.float32),
)

_m2_call = pl.pallas_call(
    _m2_body,
    grid=(GRID,),
    in_specs=[
        pl.BlockSpec((NC, HB, PK), lambda i: (0, i, 0)),
        pl.BlockSpec((HB, PK), lambda i: (i, 0)),
        pl.BlockSpec((HB, PK), lambda i: (i, 0)),
        pl.BlockSpec((PK, PK), lambda i: (0, 0)),
        pl.BlockSpec((1, PK), lambda i: (0, 0)),
    ],
    out_specs=pl.BlockSpec((HB, PK), lambda i: (i, 0)),
    out_shape=jax.ShapeDtypeStruct((N_ACC // 2, PK), jnp.float32),
)

_m3_call = pl.pallas_call(
    _m3_body,
    grid=(GRID,),
    in_specs=[
        pl.BlockSpec((NC, HB, PK), lambda i: (0, i, 0)),
        pl.BlockSpec((HB, PK), lambda i: (i, 0)),
        pl.BlockSpec((HB, PK), lambda i: (i, 0)),
        pl.BlockSpec((1, PK), lambda i: (0, 0)),
    ],
    out_specs=pl.BlockSpec((HB, PK), lambda i: (i, 0)),
    out_shape=jax.ShapeDtypeStruct((N // 2, PK), jnp.float32),
)


@jax.jit
def kernel(x, edge_index, W1, b1, W2, b2):
    E = edge_index.shape[1]
    grain = NW * CHUNK * DEPTH
    e_pad = ((E + grain - 1) // grain) * grain
    nchunk = e_pad // (NW * CHUNK)
    pad = e_pad - E

    ei = edge_index.reshape(2, E // CHUNK, CHUNK)
    src = ei[0].reshape(E)
    dst = ei[1].reshape(E)
    ar = jnp.arange(pad, dtype=dst.dtype)
    dump = N + jax.lax.rem(ar, jnp.asarray(N_ACC - N, dst.dtype))
    fake_src = jax.lax.rem(ar * 257, jnp.asarray(N, src.dtype))
    src_p = jnp.concatenate([src, fake_src])
    dst_p = jnp.concatenate([dst, dump])
    src_g = src_p.reshape(NW, nchunk, CHUNK)
    dst_g = dst_p.reshape(NW, nchunk, CHUNK)
    dst_k = (dst_p & 1) * (N_ACC // 2) + (dst_p >> 1)
    dst_d = dst_k.reshape(NW, e_pad // (NW * L), L)

    degp = _make_deg_call(e_pad // (NW * L))(dst_d)
    dinvp = _dinv_call(degp, jnp.ones((NW, 1), jnp.float32))
    prop = _make_prop_call(nchunk)

    xp = x.reshape(N // 2, 2 * IN_DIM)
    zji = jnp.zeros((IN_DIM, HID_DIM), jnp.float32)
    w1bd = jnp.block([[W1, zji], [zji, W1]])
    zjj = jnp.zeros((HID_DIM, HID_DIM), jnp.float32)
    w2bd = jnp.block([[W2, zjj], [zjj, W2]])
    b1p = jnp.concatenate([b1, b1]).reshape(1, PK)
    b2p = jnp.concatenate([b2, b2]).reshape(1, PK)

    hs1p = _m1_call(xp, w1bd, dinvp)
    s1 = prop(hs1p.reshape(N_ACC, HID_DIM), src_g, dst_g)
    s1p = s1.reshape(NC, N_ACC // 2, PK)
    hs2p = _m2_call(s1p, hs1p, dinvp, w2bd, b1p)
    s2 = prop(hs2p.reshape(N_ACC, HID_DIM), src_g, dst_g)
    s2p = s2.reshape(NC, N_ACC // 2, PK)
    outp = _m3_call(s2p, hs2p, dinvp, b2p)
    return outp.reshape(N, HID_DIM)

# --- scband reference (transcript-rebuilt; emitter-appended) ---
"""Pipeline reference for scband-fair-inv-53171695124560 (READ-ONLY COPY).

The authoritative reference and input builder live on the scoring server;
editing this copy changes nothing except your own understanding.
"""

import jax, jax.numpy as jnp
import numpy as np

N = 10000
E = 320000
IN_DIM = 128
HID_DIM = 64


def _glorot(key, shape):
    limit = np.sqrt(6.0 / (shape[0] + shape[1]))
    return jax.random.uniform(key, shape, jnp.float32, -limit, limit)


def setup_inputs(seed: int = 0) -> dict:
    key = jax.random.key(seed)
    k1, k2, k3, k4 = jax.random.split(key, 4)
    x = jax.random.normal(k1, (N, IN_DIM), jnp.float32)
    edge_index = jax.random.randint(k2, (2, E), 0, N, jnp.int32)
    # Learned parameters for the 2-layer GCN backbone (layer_num=3 -> layer_num-1=2 GCNConv)
    W1 = _glorot(k3, (IN_DIM, HID_DIM))
    b1 = jnp.zeros((HID_DIM,), jnp.float32)
    W2 = _glorot(k4, (HID_DIM, HID_DIM))
    b2 = jnp.zeros((HID_DIM,), jnp.float32)
    return {"x": x, "edge_index": edge_index, "W1": W1, "b1": b1, "W2": W2, "b2": b2}


def reference(x, edge_index, W1, b1, W2, b2):
    # FairINV gnn_backbone forward with encoder='gcn': two stacked GCNConv layers,
    # no nonlinearity between them (faithful to ConstructModel's gcn branch).
    src = edge_index[0]
    dst = edge_index[1]
    # add self loops (PyG GCNConv default add_self_loops=True)
    loop = jnp.arange(N, dtype=src.dtype)
    src = jnp.concatenate([src, loop])
    dst = jnp.concatenate([dst, loop])
    ew = jnp.ones((src.shape[0],), jnp.float32)
    # symmetric gcn_norm: deg over dst (col), norm = d^{-1/2}[src] * d^{-1/2}[dst]
    deg = jnp.zeros((N,), jnp.float32).at[dst].add(ew)
    deg_inv_sqrt = jnp.where(deg > 0, jax.lax.rsqrt(jnp.maximum(deg, 1e-12)), 0.0)
    norm = deg_inv_sqrt[src] * ew * deg_inv_sqrt[dst]

    def gcn_layer(h, W, b):
        h = h @ W
        msgs = jnp.take(h, src, axis=0) * norm[:, None]
        agg = jax.ops.segment_sum(msgs, dst, num_segments=N)
        return agg + b

    h = gcn_layer(x, W1, b1)
    h = gcn_layer(h, W2, b2)
    return h

if __name__ == "__main__":
    import jax
    _d = setup_inputs()
    print(jax.jit(kernel)(*tuple(_d.values())))

</pallas_src>

<mosaic_0001>
#map = affine_map<(d0, d1) -> (0, 0, 0)>
#map1 = affine_map<(d0, d1) -> (0, 0)>
module attributes {stable_mosaic.version = 14 : i64} {
  func.func @_deg_body(%arg0: i32, %arg1: i32, %arg2: memref<32x640x16xi32, #tpu.memory_space<hbm>>, %arg3: memref<32x10112xf32, #tpu.memory_space<hbm>>, %arg4: memref<640x16xi32, #tpu.memory_space<vmem>>, %arg5: memref<10112xf32, #tpu.memory_space<vmem>>) attributes {dimension_semantics = [#tpu.dimension_semantics<core_parallel>, #tpu.dimension_semantics<subcore_parallel>], iteration_bounds = array<i64: 2, 16>, scalar_prefetch = 0 : i64, scratch_operands = 2 : i64, tpu.core_type = #tpu.core_type<sc_vector_subcore>, window_params = [{transform_indices = #map}, {transform_indices = #map1}]} {
    %mul3A = arith.constant 16 : i32
    %mul3A_0 = arith.muli %arg0, %mul3A : i32
    %add3A = arith.addi %mul3A_0, %arg1 : i32
    "tpu.region"() ({
      %run_scoped3A = tpu.sem_alloc : memref<!tpu.dma_semaphore, #tpu.memory_space<semaphore_mem>>
      %dma_start3A = arith.constant 0 : i32
      %dma_start3A_13 = arith.constant 0 : i32
      %dma_start3A_14 = tpu.memref_slice %arg2[%add3A, %dma_start3A, %dma_start3A_13] : memref<32x640x16xi32, #tpu.memory_space<hbm>> -> memref<1x640x16xi32, #tpu.memory_space<hbm>>
      %dma_start3A_15 = tpu.memref_squeeze %dma_start3A_14 : memref<1x640x16xi32, #tpu.memory_space<hbm>> -> memref<640x16xi32, #tpu.memory_space<hbm>>
      %dma_start3A_16 = arith.constant 0 : i32
      %dma_start3A_17 = arith.constant 0 : i32
      %dma_start3A_18 = tpu.memref_slice %arg2[%add3A, %dma_start3A_16, %dma_start3A_17] : memref<32x640x16xi32, #tpu.memory_space<hbm>> -> memref<1x640x16xi32, #tpu.memory_space<hbm>>
      %dma_start3A_19 = tpu.memref_squeeze %dma_start3A_18 : memref<1x640x16xi32, #tpu.memory_space<hbm>> -> memref<640x16xi32, #tpu.memory_space<hbm>>
      tpu.enqueue_dma source(%dma_start3A_19 : memref<640x16xi32, #tpu.memory_space<hbm>>) target(%arg4 : memref<640x16xi32, #tpu.memory_space<vmem>>) target_semaphore(%run_scoped3A : memref<!tpu.dma_semaphore, #tpu.memory_space<semaphore_mem>>)
      %dma_wait3A = arith.constant 0 : i32
      %dma_wait3A_20 = arith.constant 0 : i32
      %dma_wait3A_21 = tpu.memref_slice %arg2[%add3A, %dma_wait3A, %dma_wait3A_20] : memref<32x640x16xi32, #tpu.memory_space<hbm>> -> memref<1x640x16xi32, #tpu.memory_space<hbm>>
      %dma_wait3A_22 = tpu.memref_squeeze %dma_wait3A_21 : memref<1x640x16xi32, #tpu.memory_space<hbm>> -> memref<640x16xi32, #tpu.memory_space<hbm>>
      %dma_wait3A_23 = arith.constant 0 : i32
      %dma_wait3A_24 = arith.constant 0 : i32
      %dma_wait3A_25 = tpu.memref_slice %arg2[%add3A, %dma_wait3A_23, %dma_wait3A_24] : memref<32x640x16xi32, #tpu.memory_space<hbm>> -> memref<1x640x16xi32, #tpu.memory_space<hbm>>
      %dma_wait3A_26 = tpu.memref_squeeze %dma_wait3A_25 : memref<1x640x16xi32, #tpu.memory_space<hbm>> -> memref<640x16xi32, #tpu.memory_space<hbm>>
      tpu.wait_dma2 semaphore(%run_scoped3A : memref<!tpu.dma_semaphore, #tpu.memory_space<semaphore_mem>>) src(%dma_wait3A_26 : memref<640x16xi32, #tpu.memory_space<hbm>>) dst(%arg4 : memref<640x16xi32, #tpu.memory_space<vmem>>)
      tpu.yield
    }) : () -> ()
    %broadcast_in_dim3A = arith.constant 0.000000e+00 : f32
    %broadcast_in_dim3A_1 = vector.broadcast %broadcast_in_dim3A : f32 to vector<16xf32>
    %scan3A = arith.constant 0 : i32
    %scan3A_2 = arith.constant 632 : i32
    %scan3A_3 = arith.addi %scan3A, %scan3A_2 : i32
    %scan3A_4 = arith.constant 1 : i32
    scf.for %scan3A_13 = %scan3A to %scan3A_3 step %scan3A_4  : i32 {
      %mul3A_14 = arith.constant 1 : i32
      %mul3A_15 = arith.muli %scan3A_13, %mul3A_14 : i32
      %add3A_16 = arith.constant 0 : i32
      %add3A_17 = arith.addi %add3A_16, %mul3A_15 : i32
      %mul3A_18 = arith.constant 16 : i32
      %mul3A_19 = arith.muli %add3A_17, %mul3A_18 : i32
      %swap3A = arith.index_cast %mul3A_19 : i32 to index
      %swap3A_20 = tpu.vector_load %arg5[%swap3A] {strides = array<i32>} : memref<10112xf32, #tpu.memory_space<vmem>>, vector<16xf32>,
      tpu.vector_store %arg5[%swap3A], %broadcast_in_dim3A_1 {strides = array<i32>} : memref<10112xf32, #tpu.memory_space<vmem>>, vector<16xf32>,
    }
    %scan3A_5 = arith.constant 632 : i32
    %broadcast_in_dim3A_6 = arith.constant 1.000000e+00 : f32
    %broadcast_in_dim3A_7 = vector.broadcast %broadcast_in_dim3A_6 : f32 to vector<16xf32>
    %scan3A_8 = arith.constant 0 : i32
    %scan3A_9 = arith.constant 640 : i32
    %scan3A_10 = arith.addi %scan3A_8, %scan3A_9 : i32
    %scan3A_11 = arith.constant 1 : i32
    scf.for %scan3A_13 = %scan3A_8 to %scan3A_10 step %scan3A_11  : i32 {
      %mul3A_14 = arith.constant 1 : i32
      %mul3A_15 = arith.muli %scan3A_13, %mul3A_14 : i32
      %add3A_16 = arith.constant 0 : i32
      %add3A_17 = arith.addi %add3A_16, %mul3A_15 : i32
      %get3A = arith.index_cast %add3A_17 : i32 to index
      %get3A_18 = arith.constant 0 : index
      %get3A_19 = tpu.vector_load %arg4[%get3A, %get3A_18] {strides = array<i32>} : memref<640x16xi32, #tpu.memory_space<vmem>>, vector<16xi32>,
      tpu.vector_store_idx %arg5[%get3A_19], %broadcast_in_dim3A_7 {add = true} : memref<10112xf32, #tpu.memory_space<vmem>>[vector<16xi32>], vector<16xf32>,
    }
    %scan3A_12 = arith.constant 640 : i32
    "tpu.region"() ({
      %run_scoped3A = tpu.sem_alloc : memref<!tpu.dma_semaphore, #tpu.memory_space<semaphore_mem>>
      %dma_start3A = arith.constant 0 : i32
      %dma_start3A_13 = tpu.memref_slice %arg3[%add3A, %dma_start3A] : memref<32x10112xf32, #tpu.memory_space<hbm>> -> memref<1x10112xf32, #tpu.memory_space<hbm>>
      %dma_start3A_14 = tpu.memref_squeeze %dma_start3A_13 : memref<1x10112xf32, #tpu.memory_space<hbm>> -> memref<10112xf32, #tpu.memory_space<hbm>>
      %dma_start3A_15 = arith.constant 0 : i32
      %dma_start3A_16 = tpu.memref_slice %arg3[%add3A, %dma_start3A_15] : memref<32x10112xf32, #tpu.memory_space<hbm>> -> memref<1x10112xf32, #tpu.memory_space<hbm>>
      %dma_start3A_17 = tpu.memref_squeeze %dma_start3A_16 : memref<1x10112xf32, #tpu.memory_space<hbm>> -> memref<10112xf32, #tpu.memory_space<hbm>>
      tpu.enqueue_dma source(%arg5 : memref<10112xf32, #tpu.memory_space<vmem>>) target(%dma_start3A_17 : memref<10112xf32, #tpu.memory_space<hbm>>) target_semaphore(%run_scoped3A : memref<!tpu.dma_semaphore, #tpu.memory_space<semaphore_mem>>)
      %dma_wait3A = arith.constant 0 : i32
      %dma_wait3A_18 = tpu.memref_slice %arg3[%add3A, %dma_wait3A] : memref<32x10112xf32, #tpu.memory_space<hbm>> -> memref<1x10112xf32, #tpu.memory_space<hbm>>
      %dma_wait3A_19 = tpu.memref_squeeze %dma_wait3A_18 : memref<1x10112xf32, #tpu.memory_space<hbm>> -> memref<10112xf32, #tpu.memory_space<hbm>>
      %dma_wait3A_20 = arith.constant 0 : i32
      %dma_wait3A_21 = tpu.memref_slice %arg3[%add3A, %dma_wait3A_20] : memref<32x10112xf32, #tpu.memory_space<hbm>> -> memref<1x10112xf32, #tpu.memory_space<hbm>>
      %dma_wait3A_22 = tpu.memref_squeeze %dma_wait3A_21 : memref<1x10112xf32, #tpu.memory_space<hbm>> -> memref<10112xf32, #tpu.memory_space<hbm>>
      tpu.wait_dma2 semaphore(%run_scoped3A : memref<!tpu.dma_semaphore, #tpu.memory_space<semaphore_mem>>) src(%arg5 : memref<10112xf32, #tpu.memory_space<vmem>>) dst(%dma_wait3A_22 : memref<10112xf32, #tpu.memory_space<hbm>>)
      tpu.yield
    }) : () -> ()
    return
  }
}

#map = affine_map<(d0, d1) -> (0, 0)>
#map1 = affine_map<(d0, d1) -> (0, 0, 0)>
module attributes {stable_mosaic.version = 14 : i64} {
  func.func @_prop_body(%arg0: i32, %arg1: i32, %arg2: memref<10112x64xf32, #tpu.memory_space<hbm>>, %arg3: memref<32x80x128xi32, #tpu.memory_space<hbm>>, %arg4: memref<32x80x128xi32, #tpu.memory_space<hbm>>, %arg5: memref<2x10112x64xf32, #tpu.memory_space<hbm>>, %arg6: memref<80x128xi32, #tpu.memory_space<vmem>>, %arg7: memref<80x128xi32, #tpu.memory_space<vmem>>, %arg8: memref<8x128x64xf32, #tpu.memory_space<vmem>>, %arg9: memref<10112x64xf32, #tpu.memory_space<vmem_shared>>, %arg10: memref<8x!tpu.dma_semaphore, #tpu.memory_space<semaphore_mem>>, %arg11: memref<8x!tpu.dma_semaphore, #tpu.memory_space<semaphore_mem>>) attributes {dimension_semantics = [#tpu.dimension_semantics<core_parallel>, #tpu.dimension_semantics<subcore_parallel>], iteration_bounds = array<i64: 2, 16>, scalar_prefetch = 0 : i64, scratch_operands = 6 : i64, tpu.core_type = #tpu.core_type<sc_vector_subcore>, window_params = [{transform_indices = #map}, {transform_indices = #map1}, {transform_indices = #map1}, {transform_indices = #map1}]} {
    %mul3A = arith.constant 16 : i32
    %mul3A_0 = arith.muli %arg0, %mul3A : i32
    %add3A = arith.addi %mul3A_0, %arg1 : i32
    "tpu.region"() ({
      %run_scoped3A_29 = tpu.sem_alloc : memref<!tpu.dma_semaphore, #tpu.memory_space<semaphore_mem>>
      %dma_start3A = arith.constant 0 : i32
      %dma_start3A_30 = arith.constant 0 : i32
      %dma_start3A_31 = tpu.memref_slice %arg3[%add3A, %dma_start3A, %dma_start3A_30] : memref<32x80x128xi32, #tpu.memory_space<hbm>> -> memref<1x80x128xi32, #tpu.memory_space<hbm>>
      %dma_start3A_32 = tpu.memref_squeeze %dma_start3A_31 : memref<1x80x128xi32, #tpu.memory_space<hbm>> -> memref<80x128xi32, #tpu.memory_space<hbm>>
      %dma_start3A_33 = arith.constant 0 : i32
      %dma_start3A_34 = arith.constant 0 : i32
      %dma_start3A_35 = tpu.memref_slice %arg3[%add3A, %dma_start3A_33, %dma_start3A_34] : memref<32x80x128xi32, #tpu.memory_space<hbm>> -> memref<1x80x128xi32, #tpu.memory_space<hbm>>
      %dma_start3A_36 = tpu.memref_squeeze %dma_start3A_35 : memref<1x80x128xi32, #tpu.memory_space<hbm>> -> memref<80x128xi32, #tpu.memory_space<hbm>>
      tpu.enqueue_dma source(%dma_start3A_36 : memref<80x128xi32, #tpu.memory_space<hbm>>) target(%arg6 : memref<80x128xi32, #tpu.memory_space<vmem>>) target_semaphore(%run_scoped3A_29 : memref<!tpu.dma_semaphore, #tpu.memory_space<semaphore_mem>>)
      %dma_wait3A = arith.constant 0 : i32
      %dma_wait3A_37 = arith.constant 0 : i32
      %dma_wait3A_38 = tpu.memref_slice %arg3[%add3A, %dma_wait3A, %dma_wait3A_37] : memref<32x80x128xi32, #tpu.memory_space<hbm>> -> memref<1x80x128xi32, #tpu.memory_space<hbm>>
      %dma_wait3A_39 = tpu.memref_squeeze %dma_wait3A_38 : memref<1x80x128xi32, #tpu.memory_space<hbm>> -> memref<80x128xi32, #tpu.memory_space<hbm>>
      %dma_wait3A_40 = arith.constant 0 : i32
      %dma_wait3A_41 = arith.constant 0 : i32
      %dma_wait3A_42 = tpu.memref_slice %arg3[%add3A, %dma_wait3A_40, %dma_wait3A_41] : memref<32x80x128xi32, #tpu.memory_space<hbm>> -> memref<1x80x128xi32, #tpu.memory_space<hbm>>
      %dma_wait3A_43 = tpu.memref_squeeze %dma_wait3A_42 : memref<1x80x128xi32, #tpu.memory_space<hbm>> -> memref<80x128xi32, #tpu.memory_space<hbm>>
      tpu.wait_dma2 semaphore(%run_scoped3A_29 : memref<!tpu.dma_semaphore, #tpu.memory_space<semaphore_mem>>) src(%dma_wait3A_43 : memref<80x128xi32, #tpu.memory_space<hbm>>) dst(%arg6 : memref<80x128xi32, #tpu.memory_space<vmem>>)
      tpu.yield
    }) : () -> ()
    "tpu.region"() ({
      %run_scoped3A_29 = tpu.sem_alloc : memref<!tpu.dma_semaphore, #tpu.memory_space<semaphore_mem>>
      %dma_start3A = arith.constant 0 : i32
      %dma_start3A_30 = arith.constant 0 : i32
      %dma_start3A_31 = tpu.memref_slice %arg4[%add3A, %dma_start3A, %dma_start3A_30] : memref<32x80x128xi32, #tpu.memory_space<hbm>> -> memref<1x80x128xi32, #tpu.memory_space<hbm>>
      %dma_start3A_32 = tpu.memref_squeeze %dma_start3A_31 : memref<1x80x128xi32, #tpu.memory_space<hbm>> -> memref<80x128xi32, #tpu.memory_space<hbm>>
      %dma_start3A_33 = arith.constant 0 : i32
      %dma_start3A_34 = arith.constant 0 : i32
      %dma_start3A_35 = tpu.memref_slice %arg4[%add3A, %dma_start3A_33, %dma_start3A_34] : memref<32x80x128xi32, #tpu.memory_space<hbm>> -> memref<1x80x128xi32, #tpu.memory_space<hbm>>
      %dma_start3A_36 = tpu.memref_squeeze %dma_start3A_35 : memref<1x80x128xi32, #tpu.memory_space<hbm>> -> memref<80x128xi32, #tpu.memory_space<hbm>>
      tpu.enqueue_dma source(%dma_start3A_36 : memref<80x128xi32, #tpu.memory_space<hbm>>) target(%arg7 : memref<80x128xi32, #tpu.memory_space<vmem>>) target_semaphore(%run_scoped3A_29 : memref<!tpu.dma_semaphore, #tpu.memory_space<semaphore_mem>>)
      %dma_wait3A = arith.constant 0 : i32
      %dma_wait3A_37 = arith.constant 0 : i32
      %dma_wait3A_38 = tpu.memref_slice %arg4[%add3A, %dma_wait3A, %dma_wait3A_37] : memref<32x80x128xi32, #tpu.memory_space<hbm>> -> memref<1x80x128xi32, #tpu.memory_space<hbm>>
      %dma_wait3A_39 = tpu.memref_squeeze %dma_wait3A_38 : memref<1x80x128xi32, #tpu.memory_space<hbm>> -> memref<80x128xi32, #tpu.memory_space<hbm>>
      %dma_wait3A_40 = arith.constant 0 : i32
      %dma_wait3A_41 = arith.constant 0 : i32
      %dma_wait3A_42 = tpu.memref_slice %arg4[%add3A, %dma_wait3A_40, %dma_wait3A_41] : memref<32x80x128xi32, #tpu.memory_space<hbm>> -> memref<1x80x128xi32, #tpu.memory_space<hbm>>
      %dma_wait3A_43 = tpu.memref_squeeze %dma_wait3A_42 : memref<1x80x128xi32, #tpu.memory_space<hbm>> -> memref<80x128xi32, #tpu.memory_space<hbm>>
      tpu.wait_dma2 semaphore(%run_scoped3A_29 : memref<!tpu.dma_semaphore, #tpu.memory_space<semaphore_mem>>) src(%dma_wait3A_43 : memref<80x128xi32, #tpu.memory_space<hbm>>) dst(%arg7 : memref<80x128xi32, #tpu.memory_space<vmem>>)
      tpu.yield
    }) : () -> ()
    %broadcast_in_dim3A = arith.constant 0.000000e+00 : f32
    %broadcast_in_dim3A_1 = vector.broadcast %broadcast_in_dim3A : f32 to vector<16xf32>
    %scan3A = arith.constant 0 : i32
    %scan3A_2 = arith.constant 0 : i32
    %scan3A_3 = arith.constant 128 : i32
    %scan3A_4 = arith.addi %scan3A_2, %scan3A_3 : i32
    %scan3A_5 = arith.constant 1 : i32
    scf.for %scan3A_29 = %scan3A_2 to %scan3A_4 step %scan3A_5  : i32 {
      %mul3A_30 = arith.constant 1 : i32
      %mul3A_31 = arith.muli %scan3A_29, %mul3A_30 : i32
      %add3A_32 = arith.constant 0 : i32
      %add3A_33 = arith.addi %add3A_32, %mul3A_31 : i32
      %swap3A = arith.constant 0 : i32
      %swap3A_34 = arith.constant 0 : i32
      %swap3A_35 = tpu.memref_slice %arg8[%scan3A, %swap3A, %swap3A_34] : memref<8x128x64xf32, #tpu.memory_space<vmem>> -> memref<1x128x64xf32, #tpu.memory_space<vmem>>
      %swap3A_36 = tpu.memref_squeeze %swap3A_35 : memref<1x128x64xf32, #tpu.memory_space<vmem>> -> memref<128x64xf32, #tpu.memory_space<vmem>>
      %swap3A_37 = arith.index_cast %add3A_33 : i32 to index
      %swap3A_38 = arith.constant 0 : index
      %swap3A_39 = tpu.vector_load %swap3A_36[%swap3A_37, %swap3A_38] {strides = array<i32>} : memref<128x64xf32, #tpu.memory_space<vmem>>, vector<1x16xf32>,
      %swap3A_40 = vector.shape_cast %swap3A_39 : vector<1x16xf32> to vector<16xf32>
      %swap3A_41 = vector.shape_cast %broadcast_in_dim3A_1 : vector<16xf32> to vector<1x16xf32>
      tpu.vector_store %swap3A_36[%swap3A_37, %swap3A_38], %swap3A_41 {strides = array<i32>} : memref<128x64xf32, #tpu.memory_space<vmem>>, vector<1x16xf32>,
      %swap3A_42 = arith.constant 0 : i32
      %swap3A_43 = arith.constant 0 : i32
      %swap3A_44 = tpu.memref_slice %arg8[%scan3A, %swap3A_42, %swap3A_43] : memref<8x128x64xf32, #tpu.memory_space<vmem>> -> memref<1x128x64xf32, #tpu.memory_space<vmem>>
      %swap3A_45 = tpu.memref_squeeze %swap3A_44 : memref<1x128x64xf32, #tpu.memory_space<vmem>> -> memref<128x64xf32, #tpu.memory_space<vmem>>
      %swap3A_46 = arith.index_cast %add3A_33 : i32 to index
      %swap3A_47 = arith.constant 16 : index
      %swap3A_48 = tpu.vector_load %swap3A_45[%swap3A_46, %swap3A_47] {strides = array<i32>} : memref<128x64xf32, #tpu.memory_space<vmem>>, vector<1x16xf32>,
      %swap3A_49 = vector.shape_cast %swap3A_48 : vector<1x16xf32> to vector<16xf32>
      %swap3A_50 = vector.shape_cast %broadcast_in_dim3A_1 : vector<16xf32> to vector<1x16xf32>
      tpu.vector_store %swap3A_45[%swap3A_46, %swap3A_47], %swap3A_50 {strides = array<i32>} : memref<128x64xf32, #tpu.memory_space<vmem>>, vector<1x16xf32>,
      %swap3A_51 = arith.constant 0 : i32
      %swap3A_52 = arith.constant 0 : i32
      %swap3A_53 = tpu.memref_slice %arg8[%scan3A, %swap3A_51, %swap3A_52] : memref<8x128x64xf32, #tpu.memory_space<vmem>> -> memref<1x128x64xf32, #tpu.memory_space<vmem>>
      %swap3A_54 = tpu.memref_squeeze %swap3A_53 : memref<1x128x64xf32, #tpu.memory_space<vmem>> -> memref<128x64xf32, #tpu.memory_space<vmem>>
      %swap3A_55 = arith.index_cast %add3A_33 : i32 to index
      %swap3A_56 = arith.constant 32 : index
      %swap3A_57 = tpu.vector_load %swap3A_54[%swap3A_55, %swap3A_56] {strides = array<i32>} : memref<128x64xf32, #tpu.memory_space<vmem>>, vector<1x16xf32>,
      %swap3A_58 = vector.shape_cast %swap3A_57 : vector<1x16xf32> to vector<16xf32>
      %swap3A_59 = vector.shape_cast %broadcast_in_dim3A_1 : vector<16xf32> to vector<1x16xf32>
      tpu.vector_store %swap3A_54[%swap3A_55, %swap3A_56], %swap3A_59 {strides = array<i32>} : memref<128x64xf32, #tpu.memory_space<vmem>>, vector<1x16xf32>,
      %swap3A_60 = arith.constant 0 : i32
      %swap3A_61 = arith.constant 0 : i32
      %swap3A_62 = tpu.memref_slice %arg8[%scan3A, %swap3A_60, %swap3A_61] : memref<8x128x64xf32, #tpu.memory_space<vmem>> -> memref<1x128x64xf32, #tpu.memory_space<vmem>>
      %swap3A_63 = tpu.memref_squeeze %swap3A_62 : memref<1x128x64xf32, #tpu.memory_space<vmem>> -> memref<128x64xf32, #tpu.memory_space<vmem>>
      %swap3A_64 = arith.index_cast %add3A_33 : i32 to index
      %swap3A_65 = arith.constant 48 : index
      %swap3A_66 = tpu.vector_load %swap3A_63[%swap3A_64, %swap3A_65] {strides = array<i32>} : memref<128x64xf32, #tpu.memory_space<vmem>>, vector<1x16xf32>,
      %swap3A_67 = vector.shape_cast %swap3A_66 : vector<1x16xf32> to vector<16xf32>
      %swap3A_68 = vector.shape_cast %broadcast_in_dim3A_1 : vector<16xf32> to vector<1x16xf32>
      tpu.vector_store %swap3A_63[%swap3A_64, %swap3A_65], %swap3A_68 {strides = array<i32>} : memref<128x64xf32, #tpu.memory_space<vmem>>, vector<1x16xf32>,
    }
    %scan3A_6 = arith.constant 128 : i32
    %mul3A_7 = arith.constant 632 : i32
    %mul3A_8 = arith.muli %arg1, %mul3A_7 : i32
    %add3A_9 = arith.constant 0 : i32
    %add3A_10 = arith.addi %mul3A_8, %add3A_9 : i32
    %run_scoped3A = arith.constant 0 : i32
    "tpu.region"() ({
      %run_scoped3A_29 = tpu.sem_alloc : memref<!tpu.dma_semaphore, #tpu.memory_space<semaphore_mem>>
      %dma_start3A = arith.constant 0 : i32
      %dma_start3A_30 = arith.constant 0 : i32
      %dma_start3A_31 = tpu.memref_slice %arg8[%run_scoped3A, %dma_start3A, %dma_start3A_30] : memref<8x128x64xf32, #tpu.memory_space<vmem>> -> memref<1x128x64xf32, #tpu.memory_space<vmem>>
      %dma_start3A_32 = tpu.memref_squeeze %dma_start3A_31 : memref<1x128x64xf32, #tpu.memory_space<vmem>> -> memref<128x64xf32, #tpu.memory_space<vmem>>
      %dma_start3A_33 = arith.constant 0 : i32
      %dma_start3A_34 = tpu.memref_slice %arg9[%add3A_10, %dma_start3A_33] : memref<10112x64xf32, #tpu.memory_space<vmem_shared>> -> memref<128x64xf32, #tpu.memory_space<vmem_shared>>
      %dma_start3A_35 = arith.constant 0 : i32
      %dma_start3A_36 = tpu.memref_slice %arg9[%add3A_10, %dma_start3A_35] : memref<10112x64xf32, #tpu.memory_space<vmem_shared>> -> memref<128x64xf32, #tpu.memory_space<vmem_shared>>
      %dma_start3A_37 = arith.constant 0 : i32
      %dma_start3A_38 = arith.constant 0 : i32
      %dma_start3A_39 = tpu.memref_slice %arg8[%run_scoped3A, %dma_start3A_37, %dma_start3A_38] : memref<8x128x64xf32, #tpu.memory_space<vmem>> -> memref<1x128x64xf32, #tpu.memory_space<vmem>>
      %dma_start3A_40 = tpu.memref_squeeze %dma_start3A_39 : memref<1x128x64xf32, #tpu.memory_space<vmem>> -> memref<128x64xf32, #tpu.memory_space<vmem>>
      tpu.enqueue_dma source(%dma_start3A_40 : memref<128x64xf32, #tpu.memory_space<vmem>>) target(%dma_start3A_36 : memref<128x64xf32, #tpu.memory_space<vmem_shared>>) target_semaphore(%run_scoped3A_29 : memref<!tpu.dma_semaphore, #tpu.memory_space<semaphore_mem>>)
      %dma_wait3A = arith.constant 0 : i32
      %dma_wait3A_41 = arith.constant 0 : i32
      %dma_wait3A_42 = tpu.memref_slice %arg8[%run_scoped3A, %dma_wait3A, %dma_wait3A_41] : memref<8x128x64xf32, #tpu.memory_space<vmem>> -> memref<1x128x64xf32, #tpu.memory_space<vmem>>
      %dma_wait3A_43 = tpu.memref_squeeze %dma_wait3A_42 : memref<1x128x64xf32, #tpu.memory_space<vmem>> -> memref<128x64xf32, #tpu.memory_space<vmem>>
      %dma_wait3A_44 = arith.constant 0 : i32
      %dma_wait3A_45 = tpu.memref_slice %arg9[%add3A_10, %dma_wait3A_44] : memref<10112x64xf32, #tpu.memory_space<vmem_shared>> -> memref<128x64xf32, #tpu.memory_space<vmem_shared>>
      %dma_wait3A_46 = arith.constant 0 : i32
      %dma_wait3A_47 = tpu.memref_slice %arg9[%add3A_10, %dma_wait3A_46] : memref<10112x64xf32, #tpu.memory_space<vmem_shared>> -> memref<128x64xf32, #tpu.memory_space<vmem_shared>>
      %dma_wait3A_48 = arith.constant 0 : i32
      %dma_wait3A_49 = arith.constant 0 : i32
      %dma_wait3A_50 = tpu.memref_slice %arg8[%run_scoped3A, %dma_wait3A_48, %dma_wait3A_49] : memref<8x128x64xf32, #tpu.memory_space<vmem>> -> memref<1x128x64xf32, #tpu.memory_space<vmem>>
      %dma_wait3A_51 = tpu.memref_squeeze %dma_wait3A_50 : memref<1x128x64xf32, #tpu.memory_space<vmem>> -> memref<128x64xf32, #tpu.memory_space<vmem>>
      tpu.wait_dma2 semaphore(%run_scoped3A_29 : memref<!tpu.dma_semaphore, #tpu.memory_space<semaphore_mem>>) src(%dma_wait3A_51 : memref<128x64xf32, #tpu.memory_space<vmem>>) dst(%dma_wait3A_47 : memref<128x64xf32, #tpu.memory_space<vmem_shared>>)
      tpu.yield
    }) : () -> ()
    %add3A_11 = arith.constant 128 : i32
    %add3A_12 = arith.addi %mul3A_8, %add3A_11 : i32
    %run_scoped3A_13 = arith.constant 0 : i32
    "tpu.region"() ({
      %run_scoped3A_29 = tpu.sem_alloc : memref<!tpu.dma_semaphore, #tpu.memory_space<semaphore_mem>>
      %dma_start3A = arith.constant 0 : i32
      %dma_start3A_30 = arith.constant 0 : i32
      %dma_start3A_31 = tpu.memref_slice %arg8[%run_scoped3A_13, %dma_start3A, %dma_start3A_30] : memref<8x128x64xf32, #tpu.memory_space<vmem>> -> memref<1x128x64xf32, #tpu.memory_space<vmem>>
      %dma_start3A_32 = tpu.memref_squeeze %dma_start3A_31 : memref<1x128x64xf32, #tpu.memory_space<vmem>> -> memref<128x64xf32, #tpu.memory_space<vmem>>
      %dma_start3A_33 = arith.constant 0 : i32
      %dma_start3A_34 = tpu.memref_slice %arg9[%add3A_12, %dma_start3A_33] : memref<10112x64xf32, #tpu.memory_space<vmem_shared>> -> memref<128x64xf32, #tpu.memory_space<vmem_shared>>
      %dma_start3A_35 = arith.constant 0 : i32
      %dma_start3A_36 = tpu.memref_slice %arg9[%add3A_12, %dma_start3A_35] : memref<10112x64xf32, #tpu.memory_space<vmem_shared>> -> memref<128x64xf32, #tpu.memory_space<vmem_shared>>
      %dma_start3A_37 = arith.constant 0 : i32
      %dma_start3A_38 = arith.constant 0 : i32
      %dma_start3A_39 = tpu.memref_slice %arg8[%run_scoped3A_13, %dma_start3A_37, %dma_start3A_38] : memref<8x128x64xf32, #tpu.memory_space<vmem>> -> memref<1x128x64xf32, #tpu.memory_space<vmem>>
      %dma_start3A_40 = tpu.memref_squeeze %dma_start3A_39 : memref<1x128x64xf32, #tpu.memory_space<vmem>> -> memref<128x64xf32, #tpu.memory_space<vmem>>
      tpu.enqueue_dma source(%dma_start3A_40 : memref<128x64xf32, #tpu.memory_space<vmem>>) target(%dma_start3A_36 : memref<128x64xf32, #tpu.memory_space<vmem_shared>>) target_semaphore(%run_scoped3A_29 : memref<!tpu.dma_semaphore, #tpu.memory_space<semaphore_mem>>)
      %dma_wait3A = arith.constant 0 : i32
      %dma_wait3A_41 = arith.constant 0 : i32
      %dma_wait3A_42 = tpu.memref_slice %arg8[%run_scoped3A_13, %dma_wait3A, %dma_wait3A_41] : memref<8x128x64xf32, #tpu.memory_space<vmem>> -> memref<1x128x64xf32, #tpu.memory_space<vmem>>
      %dma_wait3A_43 = tpu.memref_squeeze %dma_wait3A_42 : memref<1x128x64xf32, #tpu.memory_space<vmem>> -> memref<128x64xf32, #tpu.memory_space<vmem>>
      %dma_wait3A_44 = arith.constant 0 : i32
      %dma_wait3A_45 = tpu.memref_slice %arg9[%add3A_12, %dma_wait3A_44] : memref<10112x64xf32, #tpu.memory_space<vmem_shared>> -> memref<128x64xf32, #tpu.memory_space<vmem_shared>>
      %dma_wait3A_46 = arith.constant 0 : i32
      %dma_wait3A_47 = tpu.memref_slice %arg9[%add3A_12, %dma_wait3A_46] : memref<10112x64xf32, #tpu.memory_space<vmem_shared>> -> memref<128x64xf32, #tpu.memory_space<vmem_shared>>
      %dma_wait3A_48 = arith.constant 0 : i32
      %dma_wait3A_49 = arith.constant 0 : i32
      %dma_wait3A_50 = tpu.memref_slice %arg8[%run_scoped3A_13, %dma_wait3A_48, %dma_wait3A_49] : memref<8x128x64xf32, #tpu.memory_space<vmem>> -> memref<1x128x64xf32, #tpu.memory_space<vmem>>
      %dma_wait3A_51 = tpu.memref_squeeze %dma_wait3A_50 : memref<1x128x64xf32, #tpu.memory_space<vmem>> -> memref<128x64xf32, #tpu.memory_space<vmem>>
      tpu.wait_dma2 semaphore(%run_scoped3A_29 : memref<!tpu.dma_semaphore, #tpu.memory_space<semaphore_mem>>) src(%dma_wait3A_51 : memref<128x64xf32, #tpu.memory_space<vmem>>) dst(%dma_wait3A_47 : memref<128x64xf32, #tpu.memory_space<vmem_shared>>)
      tpu.yield
    }) : () -> ()
    %add3A_14 = arith.constant 256 : i32
    %add3A_15 = arith.addi %mul3A_8, %add3A_14 : i32
    %run_scoped3A_16 = arith.constant 0 : i32
    "tpu.region"() ({
      %run_scoped3A_29 = tpu.sem_alloc : memref<!tpu.dma_semaphore, #tpu.memory_space<semaphore_mem>>
      %dma_start3A = arith.constant 0 : i32
      %dma_start3A_30 = arith.constant 0 : i32
      %dma_start3A_31 = tpu.memref_slice %arg8[%run_scoped3A_16, %dma_start3A, %dma_start3A_30] : memref<8x128x64xf32, #tpu.memory_space<vmem>> -> memref<1x128x64xf32, #tpu.memory_space<vmem>>
      %dma_start3A_32 = tpu.memref_squeeze %dma_start3A_31 : memref<1x128x64xf32, #tpu.memory_space<vmem>> -> memref<128x64xf32, #tpu.memory_space<vmem>>
      %dma_start3A_33 = arith.constant 0 : i32
      %dma_start3A_34 = tpu.memref_slice %arg9[%add3A_15, %dma_start3A_33] : memref<10112x64xf32, #tpu.memory_space<vmem_shared>> -> memref<128x64xf32, #tpu.memory_space<vmem_shared>>
      %dma_start3A_35 = arith.constant 0 : i32
      %dma_start3A_36 = tpu.memref_slice %arg9[%add3A_15, %dma_start3A_35] : memref<10112x64xf32, #tpu.memory_space<vmem_shared>> -> memref<128x64xf32, #tpu.memory_space<vmem_shared>>
      %dma_start3A_37 = arith.constant 0 : i32
      %dma_start3A_38 = arith.constant 0 : i32
      %dma_start3A_39 = tpu.memref_slice %arg8[%run_scoped3A_16, %dma_start3A_37, %dma_start3A_38] : memref<8x128x64xf32, #tpu.memory_space<vmem>> -> memref<1x128x64xf32, #tpu.memory_space<vmem>>
      %dma_start3A_40 = tpu.memref_squeeze %dma_start3A_39 : memref<1x128x64xf32, #tpu.memory_space<vmem>> -> memref<128x64xf32, #tpu.memory_space<vmem>>
      tpu.enqueue_dma source(%dma_start3A_40 : memref<128x64xf32, #tpu.memory_space<vmem>>) target(%dma_start3A_36 : memref<128x64xf32, #tpu.memory_space<vmem_shared>>) target_semaphore(%run_scoped3A_29 : memref<!tpu.dma_semaphore, #tpu.memory_space<semaphore_mem>>)
      %dma_wait3A = arith.constant 0 : i32
      %dma_wait3A_41 = arith.constant 0 : i32
      %dma_wait3A_42 = tpu.memref_slice %arg8[%run_scoped3A_16, %dma_wait3A, %dma_wait3A_41] : memref<8x128x64xf32, #tpu.memory_space<vmem>> -> memref<1x128x64xf32, #tpu.memory_space<vmem>>
      %dma_wait3A_43 = tpu.memref_squeeze %dma_wait3A_42 : memref<1x128x64xf32, #tpu.memory_space<vmem>> -> memref<128x64xf32, #tpu.memory_space<vmem>>
      %dma_wait3A_44 = arith.constant 0 : i32
      %dma_wait3A_45 = tpu.memref_slice %arg9[%add3A_15, %dma_wait3A_44] : memref<10112x64xf32, #tpu.memory_space<vmem_shared>> -> memref<128x64xf32, #tpu.memory_space<vmem_shared>>
      %dma_wait3A_46 = arith.constant 0 : i32
      %dma_wait3A_47 = tpu.memref_slice %arg9[%add3A_15, %dma_wait3A_46] : memref<10112x64xf32, #tpu.memory_space<vmem_shared>> -> memref<128x64xf32, #tpu.memory_space<vmem_shared>>
      %dma_wait3A_48 = arith.constant 0 : i32
      %dma_wait3A_49 = arith.constant 0 : i32
      %dma_wait3A_50 = tpu.memref_slice %arg8[%run_scoped3A_16, %dma_wait3A_48, %dma_wait3A_49] : memref<8x128x64xf32, #tpu.memory_space<vmem>> -> memref<1x128x64xf32, #tpu.memory_space<vmem>>
      %dma_wait3A_51 = tpu.memref_squeeze %dma_wait3A_50 : memref<1x128x64xf32, #tpu.memory_space<vmem>> -> memref<128x64xf32, #tpu.memory_space<vmem>>
      tpu.wait_dma2 semaphore(%run_scoped3A_29 : memref<!tpu.dma_semaphore, #tpu.memory_space<semaphore_mem>>) src(%dma_wait3A_51 : memref<128x64xf32, #tpu.memory_space<vmem>>) dst(%dma_wait3A_47 : memref<128x64xf32, #tpu.memory_space<vmem_shared>>)
      tpu.yield
    }) : () -> ()
    %add3A_17 = arith.constant 384 : i32
    %add3A_18 = arith.addi %mul3A_8, %add3A_17 : i32
    %run_scoped3A_19 = arith.constant 0 : i32
    "tpu.region"() ({
      %run_scoped3A_29 = tpu.sem_alloc : memref<!tpu.dma_semaphore, #tpu.memory_space<semaphore_mem>>
      %dma_start3A = arith.constant 0 : i32
      %dma_start3A_30 = arith.constant 0 : i32
      %dma_start3A_31 = tpu.memref_slice %arg8[%run_scoped3A_19, %dma_start3A, %dma_start3A_30] : memref<8x128x64xf32, #tpu.memory_space<vmem>> -> memref<1x128x64xf32, #tpu.memory_space<vmem>>
      %dma_start3A_32 = tpu.memref_squeeze %dma_start3A_31 : memref<1x128x64xf32, #tpu.memory_space<vmem>> -> memref<128x64xf32, #tpu.memory_space<vmem>>
      %dma_start3A_33 = arith.constant 0 : i32
      %dma_start3A_34 = tpu.memref_slice %arg9[%add3A_18, %dma_start3A_33] : memref<10112x64xf32, #tpu.memory_space<vmem_shared>> -> memref<128x64xf32, #tpu.memory_space<vmem_shared>>
      %dma_start3A_35 = arith.constant 0 : i32
      %dma_start3A_36 = tpu.memref_slice %arg9[%add3A_18, %dma_start3A_35] : memref<10112x64xf32, #tpu.memory_space<vmem_shared>> -> memref<128x64xf32, #tpu.memory_space<vmem_shared>>
      %dma_start3A_37 = arith.constant 0 : i32
      %dma_start3A_38 = arith.constant 0 : i32
      %dma_start3A_39 = tpu.memref_slice %arg8[%run_scoped3A_19, %dma_start3A_37, %dma_start3A_38] : memref<8x128x64xf32, #tpu.memory_space<vmem>> -> memref<1x128x64xf32, #tpu.memory_space<vmem>>
      %dma_start3A_40 = tpu.memref_squeeze %dma_start3A_39 : memref<1x128x64xf32, #tpu.memory_space<vmem>> -> memref<128x64xf32, #tpu.memory_space<vmem>>
      tpu.enqueue_dma source(%dma_start3A_40 : memref<128x64xf32, #tpu.memory_space<vmem>>) target(%dma_start3A_36 : memref<128x64xf32, #tpu.memory_space<vmem_shared>>) target_semaphore(%run_scoped3A_29 : memref<!tpu.dma_semaphore, #tpu.memory_space<semaphore_mem>>)
      %dma_wait3A = arith.constant 0 : i32
      %dma_wait3A_41 = arith.constant 0 : i32
      %dma_wait3A_42 = tpu.memref_slice %arg8[%run_scoped3A_19, %dma_wait3A, %dma_wait3A_41] : memref<8x128x64xf32, #tpu.memory_space<vmem>> -> memref<1x128x64xf32, #tpu.memory_space<vmem>>
      %dma_wait3A_43 = tpu.memref_squeeze %dma_wait3A_42 : memref<1x128x64xf32, #tpu.memory_space<vmem>> -> memref<128x64xf32, #tpu.memory_space<vmem>>
      %dma_wait3A_44 = arith.constant 0 : i32
      %dma_wait3A_45 = tpu.memref_slice %arg9[%add3A_18, %dma_wait3A_44] : memref<10112x64xf32, #tpu.memory_space<vmem_shared>> -> memref<128x64xf32, #tpu.memory_space<vmem_shared>>
      %dma_wait3A_46 = arith.constant 0 : i32
      %dma_wait3A_47 = tpu.memref_slice %arg9[%add3A_18, %dma_wait3A_46] : memref<10112x64xf32, #tpu.memory_space<vmem_shared>> -> memref<128x64xf32, #tpu.memory_space<vmem_shared>>
      %dma_wait3A_48 = arith.constant 0 : i32
      %dma_wait3A_49 = arith.constant 0 : i32
      %dma_wait3A_50 = tpu.memref_slice %arg8[%run_scoped3A_19, %dma_wait3A_48, %dma_wait3A_49] : memref<8x128x64xf32, #tpu.memory_space<vmem>> -> memref<1x128x64xf32, #tpu.memory_space<vmem>>
      %dma_wait3A_51 = tpu.memref_squeeze %dma_wait3A_50 : memref<1x128x64xf32, #tpu.memory_space<vmem>> -> memref<128x64xf32, #tpu.memory_space<vmem>>
      tpu.wait_dma2 semaphore(%run_scoped3A_29 : memref<!tpu.dma_semaphore, #tpu.memory_space<semaphore_mem>>) src(%dma_wait3A_51 : memref<128x64xf32, #tpu.memory_space<vmem>>) dst(%dma_wait3A_47 : memref<128x64xf32, #tpu.memory_space<vmem_shared>>)
      tpu.yield
    }) : () -> ()
    %add3A_20 = arith.constant 512 : i32
    %add3A_21 = arith.addi %mul3A_8, %add3A_20 : i32
    %run_scoped3A_22 = arith.constant 0 : i32
    "tpu.region"() ({
      %run_scoped3A_29 = tpu.sem_alloc : memref<!tpu.dma_semaphore, #tpu.memory_space<semaphore_mem>>
      %dma_start3A = arith.constant 0 : i32
      %dma_start3A_30 = arith.constant 0 : i32
      %dma_start3A_31 = tpu.memref_slice %arg8[%run_scoped3A_22, %dma_start3A, %dma_start3A_30] : memref<8x128x64xf32, #tpu.memory_space<vmem>> -> memref<1x128x64xf32, #tpu.memory_space<vmem>>
      %dma_start3A_32 = tpu.memref_squeeze %dma_start3A_31 : memref<1x128x64xf32, #tpu.memory_space<vmem>> -> memref<128x64xf32, #tpu.memory_space<vmem>>
      %dma_start3A_33 = arith.constant 0 : i32
      %dma_start3A_34 = arith.constant 0 : i32
      %dma_start3A_35 = tpu.memref_slice %dma_start3A_32[%dma_start3A_33, %dma_start3A_34] : memref<128x64xf32, #tpu.memory_space<vmem>> -> memref<120x64xf32, #tpu.memory_space<vmem>>
      %dma_start3A_36 = arith.constant 0 : i32
      %dma_start3A_37 = tpu.memref_slice %arg9[%add3A_21, %dma_start3A_36] : memref<10112x64xf32, #tpu.memory_space<vmem_shared>> -> memref<120x64xf32, #tpu.memory_space<vmem_shared>>
      %dma_start3A_38 = arith.constant 0 : i32
      %dma_start3A_39 = tpu.memref_slice %arg9[%add3A_21, %dma_start3A_38] : memref<10112x64xf32, #tpu.memory_space<vmem_shared>> -> memref<120x64xf32, #tpu.memory_space<vmem_shared>>
      %dma_start3A_40 = arith.constant 0 : i32
      %dma_start3A_41 = arith.constant 0 : i32
      %dma_start3A_42 = tpu.memref_slice %arg8[%run_scoped3A_22, %dma_start3A_40, %dma_start3A_41] : memref<8x128x64xf32, #tpu.memory_space<vmem>> -> memref<1x128x64xf32, #tpu.memory_space<vmem>>
      %dma_start3A_43 = tpu.memref_squeeze %dma_start3A_42 : memref<1x128x64xf32, #tpu.memory_space<vmem>> -> memref<128x64xf32, #tpu.memory_space<vmem>>
      %dma_start3A_44 = arith.constant 0 : i32
      %dma_start3A_45 = arith.constant 0 : i32
      %dma_start3A_46 = tpu.memref_slice %dma_start3A_43[%dma_start3A_44, %dma_start3A_45] : memref<128x64xf32, #tpu.memory_space<vmem>> -> memref<120x64xf32, #tpu.memory_space<vmem>>
      tpu.enqueue_dma source(%dma_start3A_46 : memref<120x64xf32, #tpu.memory_space<vmem>>) target(%dma_start3A_39 : memref<120x64xf32, #tpu.memory_space<vmem_shared>>) target_semaphore(%run_scoped3A_29 : memref<!tpu.dma_semaphore, #tpu.memory_space<semaphore_mem>>)
      %dma_wait3A = arith.constant 0 : i32
      %dma_wait3A_47 = arith.constant 0 : i32
      %dma_wait3A_48 = tpu.memref_slice %arg8[%run_scoped3A_22, %dma_wait3A, %dma_wait3A_47] : memref<8x128x64xf32, #tpu.memory_space<vmem>> -> memref<1x128x64xf32, #tpu.memory_space<vmem>>
      %dma_wait3A_49 = tpu.memref_squeeze %dma_wait3A_48 : memref<1x128x64xf32, #tpu.memory_space<vmem>> -> memref<128x64xf32, #tpu.memory_space<vmem>>
      %dma_wait3A_50 = arith.constant 0 : i32
      %dma_wait3A_51 = arith.constant 0 : i32
      %dma_wait3A_52 = tpu.memref_slice %dma_wait3A_49[%dma_wait3A_50, %dma_wait3A_51] : memref<128x64xf32, #tpu.memory_space<vmem>> -> memref<120x64xf32, #tpu.memory_space<vmem>>
      %dma_wait3A_53 = arith.constant 0 : i32
      %dma_wait3A_54 = tpu.memref_slice %arg9[%add3A_21, %dma_wait3A_53] : memref<10112x64xf32, #tpu.memory_space<vmem_shared>> -> memref<120x64xf32, #tpu.memory_space<vmem_shared>>
      %dma_wait3A_55 = arith.constant 0 : i32
      %dma_wait3A_56 = tpu.memref_slice %arg9[%add3A_21, %dma_wait3A_55] : memref<10112x64xf32, #tpu.memory_space<vmem_shared>> -> memref<120x64xf32, #tpu.memory_space<vmem_shared>>
      %dma_wait3A_57 = arith.constant 0 : i32
      %dma_wait3A_58 = arith.constant 0 : i32
      %dma_wait3A_59 = tpu.memref_slice %arg8[%run_scoped3A_22, %dma_wait3A_57, %dma_wait3A_58] : memref<8x128x64xf32, #tpu.memory_space<vmem>> -> memref<1x128x64xf32, #tpu.memory_space<vmem>>
      %dma_wait3A_60 = tpu.memref_squeeze %dma_wait3A_59 : memref<1x128x64xf32, #tpu.memory_space<vmem>> -> memref<128x64xf32, #tpu.memory_space<vmem>>
      %dma_wait3A_61 = arith.constant 0 : i32
      %dma_wait3A_62 = arith.constant 0 : i32
      %dma_wait3A_63 = tpu.memref_slice %dma_wait3A_60[%dma_wait3A_61, %dma_wait3A_62] : memref<128x64xf32, #tpu.memory_space<vmem>> -> memref<120x64xf32, #tpu.memory_space<vmem>>
      tpu.wait_dma2 semaphore(%run_scoped3A_29 : memref<!tpu.dma_semaphore, #tpu.memory_space<semaphore_mem>>) src(%dma_wait3A_63 : memref<120x64xf32, #tpu.memory_space<vmem>>) dst(%dma_wait3A_56 : memref<120x64xf32, #tpu.memory_space<vmem_shared>>)
      tpu.yield
    }) : () -> ()
    %barrier3A = arith.constant 0 : index
    tpu.barrier barrier_id(%barrier3A)
    %scan3A_23 = arith.constant 0 : i32
    %scan3A_24 = arith.constant 10 : i32
    %scan3A_25 = arith.addi %scan3A_23, %scan3A_24 : i32
    %scan3A_26 = arith.constant 1 : i32
    scf.for %scan3A_29 = %scan3A_23 to %scan3A_25 step %scan3A_26  : i32 {
      %mul3A_30 = arith.constant 1 : i32
      %mul3A_31 = arith.muli %scan3A_29, %mul3A_30 : i32
      %add3A_32 = arith.constant 0 : i32
      %add3A_33 = arith.addi %add3A_32, %mul3A_31 : i32
      %mul3A_34 = arith.constant 8 : i32
      %mul3A_35 = arith.muli %mul3A_34, %add3A_33 : i32
      %add3A_36 = arith.constant 0 : i32
      %add3A_37 = arith.addi %mul3A_35, %add3A_36 : i32
      %dma_start3A = arith.constant 0 : i32
      %dma_start3A_38 = arith.constant 0 : i32
      %dma_start3A_39 = arith.constant 0 : i32
      %dma_start3A_40 = arith.constant 0 : i32
      %dma_start3A_41 = tpu.memref_slice %arg8[%dma_start3A, %dma_start3A_39, %dma_start3A_40] : memref<8x128x64xf32, #tpu.memory_space<vmem>> -> memref<1x128x64xf32, #tpu.memory_space<vmem>>
      %dma_start3A_42 = tpu.memref_squeeze %dma_start3A_41 : memref<1x128x64xf32, #tpu.memory_space<vmem>> -> memref<128x64xf32, #tpu.memory_space<vmem>>
      %dma_start3A_43 = arith.constant 0 : i32
      %dma_start3A_44 = tpu.memref_slice %arg6[%add3A_37, %dma_start3A_43] : memref<80x128xi32, #tpu.memory_space<vmem>> -> memref<1x128xi32, #tpu.memory_space<vmem>>
      %dma_start3A_45 = tpu.memref_squeeze %dma_start3A_44 : memref<1x128xi32, #tpu.memory_space<vmem>> -> memref<128xi32, #tpu.memory_space<vmem>>
      %dma_start3A_46 = arith.constant 0 : i32
      %dma_start3A_47 = arith.constant 0 : i32
      %dma_start3A_48 = tpu.memref_slice %arg2[%dma_start3A_46, %dma_start3A_47] : memref<10112x64xf32, #tpu.memory_space<hbm>> -> memref<10112x64xf32, #tpu.memory_space<hbm>>
      %dma_start3A_49 = tpu.memref_slice %arg10[%dma_start3A_38] : memref<8x!tpu.dma_semaphore, #tpu.memory_space<semaphore_mem>> -> memref<1x!tpu.dma_semaphore, #tpu.memory_space<semaphore_mem>>
      %dma_start3A_50 = tpu.memref_squeeze %dma_start3A_49 : memref<1x!tpu.dma_semaphore, #tpu.memory_space<semaphore_mem>> -> memref<!tpu.dma_semaphore, #tpu.memory_space<semaphore_mem>>
      tpu.enqueue_indirect_dma source(%dma_start3A_48 : memref<10112x64xf32, #tpu.memory_space<hbm>>) target(%dma_start3A_42 : memref<128x64xf32, #tpu.memory_space<vmem>>) offsets(%dma_start3A_45 : memref<128xi32, #tpu.memory_space<vmem>>) semaphore(%dma_start3A_50 : memref<!tpu.dma_semaphore, #tpu.memory_space<semaphore_mem>>)
      %add3A_51 = arith.constant 1 : i32
      %add3A_52 = arith.addi %mul3A_35, %add3A_51 : i32
      %dma_start3A_53 = arith.constant 1 : i32
      %dma_start3A_54 = arith.constant 1 : i32
      %dma_start3A_55 = arith.constant 0 : i32
      %dma_start3A_56 = arith.constant 0 : i32
      %dma_start3A_57 = tpu.memref_slice %arg8[%dma_start3A_53, %dma_start3A_55, %dma_start3A_56] : memref<8x128x64xf32, #tpu.memory_space<vmem>> -> memref<1x128x64xf32, #tpu.memory_space<vmem>>
      %dma_start3A_58 = tpu.memref_squeeze %dma_start3A_57 : memref<1x128x64xf32, #tpu.memory_space<vmem>> -> memref<128x64xf32, #tpu.memory_space<vmem>>
      %dma_start3A_59 = arith.constant 0 : i32
      %dma_start3A_60 = tpu.memref_slice %arg6[%add3A_52, %dma_start3A_59] : memref<80x128xi32, #tpu.memory_space<vmem>> -> memref<1x128xi32, #tpu.memory_space<vmem>>
      %dma_start3A_61 = tpu.memref_squeeze %dma_start3A_60 : memref<1x128xi32, #tpu.memory_space<vmem>> -> memref<128xi32, #tpu.memory_space<vmem>>
      %dma_start3A_62 = arith.constant 0 : i32
      %dma_start3A_63 = arith.constant 0 : i32
      %dma_start3A_64 = tpu.memref_slice %arg2[%dma_start3A_62, %dma_start3A_63] : memref<10112x64xf32, #tpu.memory_space<hbm>> -> memref<10112x64xf32, #tpu.memory_space<hbm>>
      %dma_start3A_65 = tpu.memref_slice %arg10[%dma_start3A_54] : memref<8x!tpu.dma_semaphore, #tpu.memory_space<semaphore_mem>> -> memref<1x!tpu.dma_semaphore, #tpu.memory_space<semaphore_mem>>
      %dma_start3A_66 = tpu.memref_squeeze %dma_start3A_65 : memref<1x!tpu.dma_semaphore, #tpu.memory_space<semaphore_mem>> -> memref<!tpu.dma_semaphore, #tpu.memory_space<semaphore_mem>>
      tpu.enqueue_indirect_dma source(%dma_start3A_64 : memref<10112x64xf32, #tpu.memory_space<hbm>>) target(%dma_start3A_58 : memref<128x64xf32, #tpu.memory_space<vmem>>) offsets(%dma_start3A_61 : memref<128xi32, #tpu.memory_space<vmem>>) semaphore(%dma_start3A_66 : memref<!tpu.dma_semaphore, #tpu.memory_space<semaphore_mem>>)
      %add3A_67 = arith.constant 2 : i32
      %add3A_68 = arith.addi %mul3A_35, %add3A_67 : i32
      %dma_start3A_69 = arith.constant 2 : i32
      %dma_start3A_70 = arith.constant 2 : i32
      %dma_start3A_71 = arith.constant 0 : i32
      %dma_start3A_72 = arith.constant 0 : i32
      %dma_start3A_73 = tpu.memref_slice %arg8[%dma_start3A_69, %dma_start3A_71, %dma_start3A_72] : memref<8x128x64xf32, #tpu.memory_space<vmem>> -> memref<1x128x64xf32, #tpu.memory_space<vmem>>
      %dma_start3A_74 = tpu.memref_squeeze %dma_start3A_73 : memref<1x128x64xf32, #tpu.memory_space<vmem>> -> memref<128x64xf32, #tpu.memory_space<vmem>>
      %dma_start3A_75 = arith.constant 0 : i32
      %dma_start3A_76 = tpu.memref_slice %arg6[%add3A_68, %dma_start3A_75] : memref<80x128xi32, #tpu.memory_space<vmem>> -> memref<1x128xi32, #tpu.memory_space<vmem>>
      %dma_start3A_77 = tpu.memref_squeeze %dma_start3A_76 : memref<1x128xi32, #tpu.memory_space<vmem>> -> memref<128xi32, #tpu.memory_space<vmem>>
      %dma_start3A_78 = arith.constant 0 : i32
      %dma_start3A_79 = arith.constant 0 : i32
      %dma_start3A_80 = tpu.memref_slice %arg2[%dma_start3A_78, %dma_start3A_79] : memref<10112x64xf32, #tpu.memory_space<hbm>> -> memref<10112x64xf32, #tpu.memory_space<hbm>>
      %dma_start3A_81 = tpu.memref_slice %arg10[%dma_start3A_70] : memref<8x!tpu.dma_semaphore, #tpu.memory_space<semaphore_mem>> -> memref<1x!tpu.dma_semaphore, #tpu.memory_space<semaphore_mem>>
      %dma_start3A_82 = tpu.memref_squeeze %dma_start3A_81 : memref<1x!tpu.dma_semaphore, #tpu.memory_space<semaphore_mem>> -> memref<!tpu.dma_semaphore, #tpu.memory_space<semaphore_mem>>
      tpu.enqueue_indirect_dma source(%dma_start3A_80 : memref<10112x64xf32, #tpu.memory_space<hbm>>) target(%dma_start3A_74 : memref<128x64xf32, #tpu.memory_space<vmem>>) offsets(%dma_start3A_77 : memref<128xi32, #tpu.memory_space<vmem>>) semaphore(%dma_start3A_82 : memref<!tpu.dma_semaphore, #tpu.memory_space<semaphore_mem>>)
      %add3A_83 = arith.constant 3 : i32
      %add3A_84 = arith.addi %mul3A_35, %add3A_83 : i32
      %dma_start3A_85 = arith.constant 3 : i32
      %dma_start3A_86 = arith.constant 3 : i32
      %dma_start3A_87 = arith.constant 0 : i32
      %dma_start3A_88 = arith.constant 0 : i32
      %dma_start3A_89 = tpu.memref_slice %arg8[%dma_start3A_85, %dma_start3A_87, %dma_start3A_88] : memref<8x128x64xf32, #tpu.memory_space<vmem>> -> memref<1x128x64xf32, #tpu.memory_space<vmem>>
      %dma_start3A_90 = tpu.memref_squeeze %dma_start3A_89 : memref<1x128x64xf32, #tpu.memory_space<vmem>> -> memref<128x64xf32, #tpu.memory_space<vmem>>
      %dma_start3A_91 = arith.constant 0 : i32
      %dma_start3A_92 = tpu.memref_slice %arg6[%add3A_84, %dma_start3A_91] : memref<80x128xi32, #tpu.memory_space<vmem>> -> memref<1x128xi32, #tpu.memory_space<vmem>>
      %dma_start3A_93 = tpu.memref_squeeze %dma_start3A_92 : memref<1x128xi32, #tpu.memory_space<vmem>> -> memref<128xi32, #tpu.memory_space<vmem>>
      %dma_start3A_94 = arith.constant 0 : i32
      %dma_start3A_95 = arith.constant 0 : i32
      %dma_start3A_96 = tpu.memref_slice %arg2[%dma_start3A_94, %dma_start3A_95] : memref<10112x64xf32, #tpu.memory_space<hbm>> -> memref<10112x64xf32, #tpu.memory_space<hbm>>
      %dma_start3A_97 = tpu.memref_slice %arg10[%dma_start3A_86] : memref<8x!tpu.dma_semaphore, #tpu.memory_space<semaphore_mem>> -> memref<1x!tpu.dma_semaphore, #tpu.memory_space<semaphore_mem>>
      %dma_start3A_98 = tpu.memref_squeeze %dma_start3A_97 : memref<1x!tpu.dma_semaphore, #tpu.memory_space<semaphore_mem>> -> memref<!tpu.dma_semaphore, #tpu.memory_space<semaphore_mem>>
      tpu.enqueue_indirect_dma source(%dma_start3A_96 : memref<10112x64xf32, #tpu.memory_space<hbm>>) target(%dma_start3A_90 : memref<128x64xf32, #tpu.memory_space<vmem>>) offsets(%dma_start3A_93 : memref<128xi32, #tpu.memory_space<vmem>>) semaphore(%dma_start3A_98 : memref<!tpu.dma_semaphore, #tpu.memory_space<semaphore_mem>>)
      %add3A_99 = arith.constant 4 : i32
      %add3A_100 = arith.addi %mul3A_35, %add3A_99 : i32
      %dma_start3A_101 = arith.constant 4 : i32
      %dma_start3A_102 = arith.constant 4 : i32
      %dma_start3A_103 = arith.constant 0 : i32
      %dma_start3A_104 = arith.constant 0 : i32
      %dma_start3A_105 = tpu.memref_slice %arg8[%dma_start3A_101, %dma_start3A_103, %dma_start3A_104] : memref<8x128x64xf32, #tpu.memory_space<vmem>> -> memref<1x128x64xf32, #tpu.memory_space<vmem>>
      %dma_start3A_106 = tpu.memref_squeeze %dma_start3A_105 : memref<1x128x64xf32, #tpu.memory_space<vmem>> -> memref<128x64xf32, #tpu.memory_space<vmem>>
      %dma_start3A_107 = arith.constant 0 : i32
      %dma_start3A_108 = tpu.memref_slice %arg6[%add3A_100, %dma_start3A_107] : memref<80x128xi32, #tpu.memory_space<vmem>> -> memref<1x128xi32, #tpu.memory_space<vmem>>
      %dma_start3A_109 = tpu.memref_squeeze %dma_start3A_108 : memref<1x128xi32, #tpu.memory_space<vmem>> -> memref<128xi32, #tpu.memory_space<vmem>>
      %dma_start3A_110 = arith.constant 0 : i32
      %dma_start3A_111 = arith.constant 0 : i32
      %dma_start3A_112 = tpu.memref_slice %arg2[%dma_start3A_110, %dma_start3A_111] : memref<10112x64xf32, #tpu.memory_space<hbm>> -> memref<10112x64xf32, #tpu.memory_space<hbm>>
      %dma_start3A_113 = tpu.memref_slice %arg10[%dma_start3A_102] : memref<8x!tpu.dma_semaphore, #tpu.memory_space<semaphore_mem>> -> memref<1x!tpu.dma_semaphore, #tpu.memory_space<semaphore_mem>>
      %dma_start3A_114 = tpu.memref_squeeze %dma_start3A_113 : memref<1x!tpu.dma_semaphore, #tpu.memory_space<semaphore_mem>> -> memref<!tpu.dma_semaphore, #tpu.memory_space<semaphore_mem>>
      tpu.enqueue_indirect_dma source(%dma_start3A_112 : memref<10112x64xf32, #tpu.memory_space<hbm>>) target(%dma_start3A_106 : memref<128x64xf32, #tpu.memory_space<vmem>>) offsets(%dma_start3A_109 : memref<128xi32, #tpu.memory_space<vmem>>) semaphore(%dma_start3A_114 : memref<!tpu.dma_semaphore, #tpu.memory_space<semaphore_mem>>)
      %add3A_115 = arith.constant 5 : i32
      %add3A_116 = arith.addi %mul3A_35, %add3A_115 : i32
      %dma_start3A_117 = arith.constant 5 : i32
      %dma_start3A_118 = arith.constant 5 : i32
      %dma_start3A_119 = arith.constant 0 : i32
      %dma_start3A_120 = arith.constant 0 : i32
      %dma_start3A_121 = tpu.memref_slice %arg8[%dma_start3A_117, %dma_start3A_119, %dma_start3A_120] : memref<8x128x64xf32, #tpu.memory_space<vmem>> -> memref<1x128x64xf32, #tpu.memory_space<vmem>>
      %dma_start3A_122 = tpu.memref_squeeze %dma_start3A_121 : memref<1x128x64xf32, #tpu.memory_space<vmem>> -> memref<128x64xf32, #tpu.memory_space<vmem>>
      %dma_start3A_123 = arith.constant 0 : i32
      %dma_start3A_124 = tpu.memref_slice %arg6[%add3A_116, %dma_start3A_123] : memref<80x128xi32, #tpu.memory_space<vmem>> -> memref<1x128xi32, #tpu.memory_space<vmem>>
      %dma_start3A_125 = tpu.memref_squeeze %dma_start3A_124 : memref<1x128xi32, #tpu.memory_space<vmem>> -> memref<128xi32, #tpu.memory_space<vmem>>
      %dma_start3A_126 = arith.constant 0 : i32
      %dma_start3A_127 = arith.constant 0 : i32
      %dma_start3A_128 = tpu.memref_slice %arg2[%dma_start3A_126, %dma_start3A_127] : memref<10112x64xf32, #tpu.memory_space<hbm>> -> memref<10112x64xf32, #tpu.memory_space<hbm>>
      %dma_start3A_129 = tpu.memref_slice %arg10[%dma_start3A_118] : memref<8x!tpu.dma_semaphore, #tpu.memory_space<semaphore_mem>> -> memref<1x!tpu.dma_semaphore, #tpu.memory_space<semaphore_mem>>
      %dma_start3A_130 = tpu.memref_squeeze %dma_start3A_129 : memref<1x!tpu.dma_semaphore, #tpu.memory_space<semaphore_mem>> -> memref<!tpu.dma_semaphore, #tpu.memory_space<semaphore_mem>>
      tpu.enqueue_indirect_dma source(%dma_start3A_128 : memref<10112x64xf32, #tpu.memory_space<hbm>>) target(%dma_start3A_122 : memref<128x64xf32, #tpu.memory_space<vmem>>) offsets(%dma_start3A_125 : memref<128xi32, #tpu.memory_space<vmem>>) semaphore(%dma_start3A_130 : memref<!tpu.dma_semaphore, #tpu.memory_space<semaphore_mem>>)
      %add3A_131 = arith.constant 6 : i32
      %add3A_132 = arith.addi %mul3A_35, %add3A_131 : i32
      %dma_start3A_133 = arith.constant 6 : i32
      %dma_start3A_134 = arith.constant 6 : i32
      %dma_start3A_135 = arith.constant 0 : i32
      %dma_start3A_136 = arith.constant 0 : i32
      %dma_start3A_137 = tpu.memref_slice %arg8[%dma_start3A_133, %dma_start3A_135, %dma_start3A_136] : memref<8x128x64xf32, #tpu.memory_space<vmem>> -> memref<1x128x64xf32, #tpu.memory_space<vmem>>
      %dma_start3A_138 = tpu.memref_squeeze %dma_start3A_137 : memref<1x128x64xf32, #tpu.memory_space<vmem>> -> memref<128x64xf32, #tpu.memory_space<vmem>>
      %dma_start3A_139 = arith.constant 0 : i32
      %dma_start3A_140 = tpu.memref_slice %arg6[%add3A_132, %dma_start3A_139] : memref<80x128xi32, #tpu.memory_space<vmem>> -> memref<1x128xi32, #tpu.memory_space<vmem>>
      %dma_start3A_141 = tpu.memref_squeeze %dma_start3A_140 : memref<1x128xi32, #tpu.memory_space<vmem>> -> memref<128xi32, #tpu.memory_space<vmem>>
      %dma_start3A_142 = arith.constant 0 : i32
      %dma_start3A_143 = arith.constant 0 : i32
      %dma_start3A_144 = tpu.memref_slice %arg2[%dma_start3A_142, %dma_start3A_143] : memref<10112x64xf32, #tpu.memory_space<hbm>> -> memref<10112x64xf32, #tpu.memory_space<hbm>>
      %dma_start3A_145 = tpu.memref_slice %arg10[%dma_start3A_134] : memref<8x!tpu.dma_semaphore, #tpu.memory_space<semaphore_mem>> -> memref<1x!tpu.dma_semaphore, #tpu.memory_space<semaphore_mem>>
      %dma_start3A_146 = tpu.memref_squeeze %dma_start3A_145 : memref<1x!tpu.dma_semaphore, #tpu.memory_space<semaphore_mem>> -> memref<!tpu.dma_semaphore, #tpu.memory_space<semaphore_mem>>
      tpu.enqueue_indirect_dma source(%dma_start3A_144 : memref<10112x64xf32, #tpu.memory_space<hbm>>) target(%dma_start3A_138 : memref<128x64xf32, #tpu.memory_space<vmem>>) offsets(%dma_start3A_141 : memref<128xi32, #tpu.memory_space<vmem>>) semaphore(%dma_start3A_146 : memref<!tpu.dma_semaphore, #tpu.memory_space<semaphore_mem>>)
      %add3A_147 = arith.constant 7 : i32
      %add3A_148 = arith.addi %mul3A_35, %add3A_147 : i32
      %dma_start3A_149 = arith.constant 7 : i32
      %dma_start3A_150 = arith.constant 7 : i32
      %dma_start3A_151 = arith.constant 0 : i32
      %dma_start3A_152 = arith.constant 0 : i32
      %dma_start3A_153 = tpu.memref_slice %arg8[%dma_start3A_149, %dma_start3A_151, %dma_start3A_152] : memref<8x128x64xf32, #tpu.memory_space<vmem>> -> memref<1x128x64xf32, #tpu.memory_space<vmem>>
      %dma_start3A_154 = tpu.memref_squeeze %dma_start3A_153 : memref<1x128x64xf32, #tpu.memory_space<vmem>> -> memref<128x64xf32, #tpu.memory_space<vmem>>
      %dma_start3A_155 = arith.constant 0 : i32
      %dma_start3A_156 = tpu.memref_slice %arg6[%add3A_148, %dma_start3A_155] : memref<80x128xi32, #tpu.memory_space<vmem>> -> memref<1x128xi32, #tpu.memory_space<vmem>>
      %dma_start3A_157 = tpu.memref_squeeze %dma_start3A_156 : memref<1x128xi32, #tpu.memory_space<vmem>> -> memref<128xi32, #tpu.memory_space<vmem>>
      %dma_start3A_158 = arith.constant 0 : i32
      %dma_start3A_159 = arith.constant 0 : i32
      %dma_start3A_160 = tpu.memref_slice %arg2[%dma_start3A_158, %dma_start3A_159] : memref<10112x64xf32, #tpu.memory_space<hbm>> -> memref<10112x64xf32, #tpu.memory_space<hbm>>
      %dma_start3A_161 = tpu.memref_slice %arg10[%dma_start3A_150] : memref<8x!tpu.dma_semaphore, #tpu.memory_space<semaphore_mem>> -> memref<1x!tpu.dma_semaphore, #tpu.memory_space<semaphore_mem>>
      %dma_start3A_162 = tpu.memref_squeeze %dma_start3A_161 : memref<1x!tpu.dma_semaphore, #tpu.memory_space<semaphore_mem>> -> memref<!tpu.dma_semaphore, #tpu.memory_space<semaphore_mem>>
      tpu.enqueue_indirect_dma source(%dma_start3A_160 : memref<10112x64xf32, #tpu.memory_space<hbm>>) target(%dma_start3A_154 : memref<128x64xf32, #tpu.memory_space<vmem>>) offsets(%dma_start3A_157 : memref<128xi32, #tpu.memory_space<vmem>>) semaphore(%dma_start3A_162 : memref<!tpu.dma_semaphore, #tpu.memory_space<semaphore_mem>>)
      %dma_wait3A = arith.constant 0 : i32
      %dma_wait3A_163 = arith.constant 0 : i32
      %dma_wait3A_164 = arith.constant 0 : i32
      %dma_wait3A_165 = arith.constant 0 : i32
      %dma_wait3A_166 = tpu.memref_slice %arg8[%dma_wait3A, %dma_wait3A_164, %dma_wait3A_165] : memref<8x128x64xf32, #tpu.memory_space<vmem>> -> memref<1x128x64xf32, #tpu.memory_space<vmem>>
      %dma_wait3A_167 = tpu.memref_squeeze %dma_wait3A_166 : memref<1x128x64xf32, #tpu.memory_space<vmem>> -> memref<128x64xf32, #tpu.memory_space<vmem>>
      %dma_wait3A_168 = arith.constant 0 : i32
      %dma_wait3A_169 = tpu.memref_slice %arg6[%add3A_37, %dma_wait3A_168] : memref<80x128xi32, #tpu.memory_space<vmem>> -> memref<1x128xi32, #tpu.memory_space<vmem>>
      %dma_wait3A_170 = tpu.memref_squeeze %dma_wait3A_169 : memref<1x128xi32, #tpu.memory_space<vmem>> -> memref<128xi32, #tpu.memory_space<vmem>>
      %dma_wait3A_171 = arith.constant 0 : i32
      %dma_wait3A_172 = arith.constant 0 : i32
      %dma_wait3A_173 = tpu.memref_slice %arg2[%dma_wait3A_171, %dma_wait3A_172] : memref<10112x64xf32, #tpu.memory_space<hbm>> -> memref<10112x64xf32, #tpu.memory_space<hbm>>
      %dma_wait3A_174 = tpu.memref_slice %arg10[%dma_wait3A_163] : memref<8x!tpu.dma_semaphore, #tpu.memory_space<semaphore_mem>> -> memref<1x!tpu.dma_semaphore, #tpu.memory_space<semaphore_mem>>
      %dma_wait3A_175 = tpu.memref_squeeze %dma_wait3A_174 : memref<1x!tpu.dma_semaphore, #tpu.memory_space<semaphore_mem>> -> memref<!tpu.dma_semaphore, #tpu.memory_space<semaphore_mem>>
      tpu.wait_indirect_dma semaphore(%dma_wait3A_175 : memref<!tpu.dma_semaphore, #tpu.memory_space<semaphore_mem>>) src(%dma_wait3A_173 : memref<10112x64xf32, #tpu.memory_space<hbm>>) dst(%dma_wait3A_167 : memref<128x64xf32, #tpu.memory_space<vmem>>)
      %add3A_176 = arith.constant 0 : i32
      %add3A_177 = arith.addi %mul3A_35, %add3A_176 : i32
      %dma_start3A_178 = arith.constant 0 : i32
      %dma_start3A_179 = arith.constant 0 : i32
      %dma_start3A_180 = arith.constant 0 : i32
      %dma_start3A_181 = arith.constant 0 : i32
      %dma_start3A_182 = tpu.memref_slice %arg8[%dma_start3A_178, %dma_start3A_180, %dma_start3A_181] : memref<8x128x64xf32, #tpu.memory_space<vmem>> -> memref<1x128x64xf32, #tpu.memory_space<vmem>>
      %dma_start3A_183 = tpu.memref_squeeze %dma_start3A_182 : memref<1x128x64xf32, #tpu.memory_space<vmem>> -> memref<128x64xf32, #tpu.memory_space<vmem>>
      %dma_start3A_184 = arith.constant 0 : i32
      %dma_start3A_185 = tpu.memref_slice %arg7[%add3A_177, %dma_start3A_184] : memref<80x128xi32, #tpu.memory_space<vmem>> -> memref<1x128xi32, #tpu.memory_space<vmem>>
      %dma_start3A_186 = tpu.memref_squeeze %dma_start3A_185 : memref<1x128xi32, #tpu.memory_space<vmem>> -> memref<128xi32, #tpu.memory_space<vmem>>
      %dma_start3A_187 = arith.constant 0 : i32
      %dma_start3A_188 = arith.constant 0 : i32
      %dma_start3A_189 = tpu.memref_slice %arg9[%dma_start3A_187, %dma_start3A_188] : memref<10112x64xf32, #tpu.memory_space<vmem_shared>> -> memref<10112x64xf32, #tpu.memory_space<vmem_shared>>
      %dma_start3A_190 = tpu.memref_slice %arg11[%dma_start3A_179] : memref<8x!tpu.dma_semaphore, #tpu.memory_space<semaphore_mem>> -> memref<1x!tpu.dma_semaphore, #tpu.memory_space<semaphore_mem>>
      %dma_start3A_191 = tpu.memref_squeeze %dma_start3A_190 : memref<1x!tpu.dma_semaphore, #tpu.memory_space<semaphore_mem>> -> memref<!tpu.dma_semaphore, #tpu.memory_space<semaphore_mem>>
      tpu.enqueue_indirect_dma source(%dma_start3A_183 : memref<128x64xf32, #tpu.memory_space<vmem>>) target(%dma_start3A_189 : memref<10112x64xf32, #tpu.memory_space<vmem_shared>>) offsets(%dma_start3A_186 : memref<128xi32, #tpu.memory_space<vmem>>) semaphore(%dma_start3A_191 : memref<!tpu.dma_semaphore, #tpu.memory_space<semaphore_mem>>) {add = true}
      %dma_wait3A_192 = arith.constant 1 : i32
      %dma_wait3A_193 = arith.constant 1 : i32
      %dma_wait3A_194 = arith.constant 0 : i32
      %dma_wait3A_195 = arith.constant 0 : i32
      %dma_wait3A_196 = tpu.memref_slice %arg8[%dma_wait3A_192, %dma_wait3A_194, %dma_wait3A_195] : memref<8x128x64xf32, #tpu.memory_space<vmem>> -> memref<1x128x64xf32, #tpu.memory_space<vmem>>
      %dma_wait3A_197 = tpu.memref_squeeze %dma_wait3A_196 : memref<1x128x64xf32, #tpu.memory_space<vmem>> -> memref<128x64xf32, #tpu.memory_space<vmem>>
      %dma_wait3A_198 = arith.constant 0 : i32
      %dma_wait3A_199 = tpu.memref_slice %arg6[%add3A_52, %dma_wait3A_198] : memref<80x128xi32, #tpu.memory_space<vmem>> -> memref<1x128xi32, #tpu.memory_space<vmem>>
      %dma_wait3A_200 = tpu.memref_squeeze %dma_wait3A_199 : memref<1x128xi32, #tpu.memory_space<vmem>> -> memref<128xi32, #tpu.memory_space<vmem>>
      %dma_wait3A_201 = arith.constant 0 : i32
      %dma_wait3A_202 = arith.constant 0 : i32
      %dma_wait3A_203 = tpu.memref_slice %arg2[%dma_wait3A_201, %dma_wait3A_202] : memref<10112x64xf32, #tpu.memory_space<hbm>> -> memref<10112x64xf32, #tpu.memory_space<hbm>>
      %dma_wait3A_204 = tpu.memref_slice %arg10[%dma_wait3A_193] : memref<8x!tpu.dma_semaphore, #tpu.memory_space<semaphore_mem>> -> memref<1x!tpu.dma_semaphore, #tpu.memory_space<semaphore_mem>>
      %dma_wait3A_205 = tpu.memref_squeeze %dma_wait3A_204 : memref<1x!tpu.dma_semaphore, #tpu.memory_space<semaphore_mem>> -> memref<!tpu.dma_semaphore, #tpu.memory_space<semaphore_mem>>
      tpu.wait_indirect_dma semaphore(%dma_wait3A_205 : memref<!tpu.dma_semaphore, #tpu.memory_space<semaphore_mem>>) src(%dma_wait3A_203 : memref<10112x64xf32, #tpu.memory_space<hbm>>) dst(%dma_wait3A_197 : memref<128x64xf32, #tpu.memory_space<vmem>>)
      %add3A_206 = arith.constant 1 : i32
      %add3A_207 = arith.addi %mul3A_35, %add3A_206 : i32
      %dma_start3A_208 = arith.constant 1 : i32
      %dma_start3A_209 = arith.constant 1 : i32
      %dma_start3A_210 = arith.constant 0 : i32
      %dma_start3A_211 = arith.constant 0 : i32
      %dma_start3A_212 = tpu.memref_slice %arg8[%dma_start3A_208, %dma_start3A_210, %dma_start3A_211] : memref<8x128x64xf32, #tpu.memory_space<vmem>> -> memref<1x128x64xf32, #tpu.memory_space<vmem>>
      %dma_start3A_213 = tpu.memref_squeeze %dma_start3A_212 : memref<1x128x64xf32, #tpu.memory_space<vmem>> -> memref<128x64xf32, #tpu.memory_space<vmem>>
      %dma_start3A_214 = arith.constant 0 : i32
      %dma_start3A_215 = tpu.memref_slice %arg7[%add3A_207, %dma_start3A_214] : memref<80x128xi32, #tpu.memory_space<vmem>> -> memref<1x128xi32, #tpu.memory_space<vmem>>
      %dma_start3A_216 = tpu.memref_squeeze %dma_start3A_215 : memref<1x128xi32, #tpu.memory_space<vmem>> -> memref<128xi32, #tpu.memory_space<vmem>>
      %dma_start3A_217 = arith.constant 0 : i32
      %dma_start3A_218 = arith.constant 0 : i32
      %dma_start3A_219 = tpu.memref_slice %arg9[%dma_start3A_217, %dma_start3A_218] : memref<10112x64xf32, #tpu.memory_space<vmem_shared>> -> memref<10112x64xf32, #tpu.memory_space<vmem_shared>>
      %dma_start3A_220 = tpu.memref_slice %arg11[%dma_start3A_209] : memref<8x!tpu.dma_semaphore, #tpu.memory_space<semaphore_mem>> -> memref<1x!tpu.dma_semaphore, #tpu.memory_space<semaphore_mem>>
      %dma_start3A_221 = tpu.memref_squeeze %dma_start3A_220 : memref<1x!tpu.dma_semaphore, #tpu.memory_space<semaphore_mem>> -> memref<!tpu.dma_semaphore, #tpu.memory_space<semaphore_mem>>
      tpu.enqueue_indirect_dma source(%dma_start3A_213 : memref<128x64xf32, #tpu.memory_space<vmem>>) target(%dma_start3A_219 : memref<10112x64xf32, #tpu.memory_space<vmem_shared>>) offsets(%dma_start3A_216 : memref<128xi32, #tpu.memory_space<vmem>>) semaphore(%dma_start3A_221 : memref<!tpu.dma_semaphore, #tpu.memory_space<semaphore_mem>>) {add = true}
      %dma_wait3A_222 = arith.constant 2 : i32
      %dma_wait3A_223 = arith.constant 2 : i32
      %dma_wait3A_224 = arith.constant 0 : i32
      %dma_wait3A_225 = arith.constant 0 : i32
      %dma_wait3A_226 = tpu.memref_slice %arg8[%dma_wait3A_222, %dma_wait3A_224, %dma_wait3A_225] : memref<8x128x64xf32, #tpu.memory_space<vmem>> -> memref<1x128x64xf32, #tpu.memory_space<vmem>>
      %dma_wait3A_227 = tpu.memref_squeeze %dma_wait3A_226 : memref<1x128x64xf32, #tpu.memory_space<vmem>> -> memref<128x64xf32, #tpu.memory_space<vmem>>
      %dma_wait3A_228 = arith.constant 0 : i32
      %dma_wait3A_229 = tpu.memref_slice %arg6[%add3A_68, %dma_wait3A_228] : memref<80x128xi32, #tpu.memory_space<vmem>> -> memref<1x128xi32, #tpu.memory_space<vmem>>
      %dma_wait3A_230 = tpu.memref_squeeze %dma_wait3A_229 : memref<1x128xi32, #tpu.memory_space<vmem>> -> memref<128xi32, #tpu.memory_space<vmem>>
      %dma_wait3A_231 = arith.constant 0 : i32
      %dma_wait3A_232 = arith.constant 0 : i32
      %dma_wait3A_233 = tpu.memref_slice %arg2[%dma_wait3A_231, %dma_wait3A_232] : memref<10112x64xf32, #tpu.memory_space<hbm>> -> memref<10112x64xf32, #tpu.memory_space<hbm>>
      %dma_wait3A_234 = tpu.memref_slice %arg10[%dma_wait3A_223] : memref<8x!tpu.dma_semaphore, #tpu.memory_space<semaphore_mem>> -> memref<1x!tpu.dma_semaphore, #tpu.memory_space<semaphore_mem>>
      %dma_wait3A_235 = tpu.memref_squeeze %dma_wait3A_234 : memref<1x!tpu.dma_semaphore, #tpu.memory_space<semaphore_mem>> -> memref<!tpu.dma_semaphore, #tpu.memory_space<semaphore_mem>>
      tpu.wait_indirect_dma semaphore(%dma_wait3A_235 : memref<!tpu.dma_semaphore, #tpu.memory_space<semaphore_mem>>) src(%dma_wait3A_233 : memref<10112x64xf32, #tpu.memory_space<hbm>>) dst(%dma_wait3A_227 : memref<128x64xf32, #tpu.memory_space<vmem>>)
      %add3A_236 = arith.constant 2 : i32
      %add3A_237 = arith.addi %mul3A_35, %add3A_236 : i32
      %dma_start3A_238 = arith.constant 2 : i32
      %dma_start3A_239 = arith.constant 2 : i32
      %dma_start3A_240 = arith.constant 0 : i32
      %dma_start3A_241 = arith.constant 0 : i32
      %dma_start3A_242 = tpu.memref_slice %arg8[%dma_start3A_238, %dma_start3A_240, %dma_start3A_241] : memref<8x128x64xf32, #tpu.memory_space<vmem>> -> memref<1x128x64xf32, #tpu.memory_space<vmem>>
      %dma_start3A_243 = tpu.memref_squeeze %dma_start3A_242 : memref<1x128x64xf32, #tpu.memory_space<vmem>> -> memref<128x64xf32, #tpu.memory_space<vmem>>
      %dma_start3A_244 = arith.constant 0 : i32
      %dma_start3A_245 = tpu.memref_slice %arg7[%add3A_237, %dma_start3A_244] : memref<80x128xi32, #tpu.memory_space<vmem>> -> memref<1x128xi32, #tpu.memory_space<vmem>>
      %dma_start3A_246 = tpu.memref_squeeze %dma_start3A_245 : memref<1x128xi32, #tpu.memory_space<vmem>> -> memref<128xi32, #tpu.memory_space<vmem>>
      %dma_start3A_247 = arith.constant 0 : i32
      %dma_start3A_248 = arith.constant 0 : i32
      %dma_start3A_249 = tpu.memref_slice %arg9[%dma_start3A_247, %dma_start3A_248] : memref<10112x64xf32, #tpu.memory_space<vmem_shared>> -> memref<10112x64xf32, #tpu.memory_space<vmem_shared>>
      %dma_start3A_250 = tpu.memref_slice %arg11[%dma_start3A_239] : memref<8x!tpu.dma_semaphore, #tpu.memory_space<semaphore_mem>> -> memref<1x!tpu.dma_semaphore, #tpu.memory_space<semaphore_mem>>
      %dma_start3A_251 = tpu.memref_squeeze %dma_start3A_250 : memref<1x!tpu.dma_semaphore, #tpu.memory_space<semaphore_mem>> -> memref<!tpu.dma_semaphore, #tpu.memory_space<semaphore_mem>>
      tpu.enqueue_indirect_dma source(%dma_start3A_243 : memref<128x64xf32, #tpu.memory_space<vmem>>) target(%dma_start3A_249 : memref<10112x64xf32, #tpu.memory_space<vmem_shared>>) offsets(%dma_start3A_246 : memref<128xi32, #tpu.memory_space<vmem>>) semaphore(%dma_start3A_251 : memref<!tpu.dma_semaphore, #tpu.memory_space<semaphore_mem>>) {add = true}
      %dma_wait3A_252 = arith.constant 3 : i32
      %dma_wait3A_253 = arith.constant 3 : i32
      %dma_wait3A_254 = arith.constant 0 : i32
      %dma_wait3A_255 = arith.constant 0 : i32
      %dma_wait3A_256 = tpu.memref_slice %arg8[%dma_wait3A_252, %dma_wait3A_254, %dma_wait3A_255] : memref<8x128x64xf32, #tpu.memory_space<vmem>> -> memref<1x128x64xf32, #tpu.memory_space<vmem>>
      %dma_wait3A_257 = tpu.memref_squeeze %dma_wait3A_256 : memref<1x128x64xf32, #tpu.memory_space<vmem>> -> memref<128x64xf32, #tpu.memory_space<vmem>>
      %dma_wait3A_258 = arith.constant 0 : i32
      %dma_wait3A_259 = tpu.memref_slice %arg6[%add3A_84, %dma_wait3A_258] : memref<80x128xi32, #tpu.memory_space<vmem>> -> memref<1x128xi32, #tpu.memory_space<vmem>>
      %dma_wait3A_260 = tpu.memref_squeeze %dma_wait3A_259 : memref<1x128xi32, #tpu.memory_space<vmem>> -> memref<128xi32, #tpu.memory_space<vmem>>
      %dma_wait3A_261 = arith.constant 0 : i32
      %dma_wait3A_262 = arith.constant 0 : i32
      %dma_wait3A_263 = tpu.memref_slice %arg2[%dma_wait3A_261, %dma_wait3A_262] : memref<10112x64xf32, #tpu.memory_space<hbm>> -> memref<10112x64xf32, #tpu.memory_space<hbm>>
      %dma_wait3A_264 = tpu.memref_slice %arg10[%dma_wait3A_253] : memref<8x!tpu.dma_semaphore, #tpu.memory_space<semaphore_mem>> -> memref<1x!tpu.dma_semaphore, #tpu.memory_space<semaphore_mem>>
      %dma_wait3A_265 = tpu.memref_squeeze %dma_wait3A_264 : memref<1x!tpu.dma_semaphore, #tpu.memory_space<semaphore_mem>> -> memref<!tpu.dma_semaphore, #tpu.memory_space<semaphore_mem>>
      tpu.wait_indirect_dma semaphore(%dma_wait3A_265 : memref<!tpu.dma_semaphore, #tpu.memory_space<semaphore_mem>>) src(%dma_wait3A_263 : memref<10112x64xf32, #tpu.memory_space<hbm>>) dst(%dma_wait3A_257 : memref<128x64xf32, #tpu.memory_space<vmem>>)
      %add3A_266 = arith.constant 3 : i32
      %add3A_267 = arith.addi %mul3A_35, %add3A_266 : i32
      %dma_start3A_268 = arith.constant 3 : i32
      %dma_start3A_269 = arith.constant 3 : i32
      %dma_start3A_270 = arith.constant 0 : i32
      %dma_start3A_271 = arith.constant 0 : i32
      %dma_start3A_272 = tpu.memref_slice %arg8[%dma_start3A_268, %dma_start3A_270, %dma_start3A_271] : memref<8x128x64xf32, #tpu.memory_space<vmem>> -> memref<1x128x64xf32, #tpu.memory_space<vmem>>
      %dma_start3A_273 = tpu.memref_squeeze %dma_start3A_272 : memref<1x128x64xf32, #tpu.memory_space<vmem>> -> memref<128x64xf32, #tpu.memory_space<vmem>>
      %dma_start3A_274 = arith.constant 0 : i32
      %dma_start3A_275 = tpu.memref_slice %arg7[%add3A_267, %dma_start3A_274] : memref<80x128xi32, #tpu.memory_space<vmem>> -> memref<1x128xi32, #tpu.memory_space<vmem>>
      %dma_start3A_276 = tpu.memref_squeeze %dma_start3A_275 : memref<1x128xi32, #tpu.memory_space<vmem>> -> memref<128xi32, #tpu.memory_space<vmem>>
      %dma_start3A_277 = arith.constant 0 : i32
      %dma_start3A_278 = arith.constant 0 : i32
      %dma_start3A_279 = tpu.memref_slice %arg9[%dma_start3A_277, %dma_start3A_278] : memref<10112x64xf32, #tpu.memory_space<vmem_shared>> -> memref<10112x64xf32, #tpu.memory_space<vmem_shared>>
      %dma_start3A_280 = tpu.memref_slice %arg11[%dma_start3A_269] : memref<8x!tpu.dma_semaphore, #tpu.memory_space<semaphore_mem>> -> memref<1x!tpu.dma_semaphore, #tpu.memory_space<semaphore_mem>>
      %dma_start3A_281 = tpu.memref_squeeze %dma_start3A_280 : memref<1x!tpu.dma_semaphore, #tpu.memory_space<semaphore_mem>> -> memref<!tpu.dma_semaphore, #tpu.memory_space<semaphore_mem>>
      tpu.enqueue_indirect_dma source(%dma_start3A_273 : memref<128x64xf32, #tpu.memory_space<vmem>>) target(%dma_start3A_279 : memref<10112x64xf32, #tpu.memory_space<vmem_shared>>) offsets(%dma_start3A_276 : memref<128xi32, #tpu.memory_space<vmem>>) semaphore(%dma_start3A_281 : memref<!tpu.dma_semaphore, #tpu.memory_space<semaphore_mem>>) {add = true}
      %dma_wait3A_282 = arith.constant 4 : i32
      %dma_wait3A_283 = arith.constant 4 : i32
      %dma_wait3A_284 = arith.constant 0 : i32
      %dma_wait3A_285 = arith.constant 0 : i32
      %dma_wait3A_286 = tpu.memref_slice %arg8[%dma_wait3A_282, %dma_wait3A_284, %dma_wait3A_285] : memref<8x128x64xf32, #tpu.memory_space<vmem>> -> memref<1x128x64xf32, #tpu.memory_space<vmem>>
      %dma_wait3A_287 = tpu.memref_squeeze %dma_wait3A_286 : memref<1x128x64xf32, #tpu.memory_space<vmem>> -> memref<128x64xf32, #tpu.memory_space<vmem>>
      %dma_wait3A_288 = arith.constant 0 : i32
      %dma_wait3A_289 = tpu.memref_slice %arg6[%add3A_100, %dma_wait3A_288] : memref<80x128xi32, #tpu.memory_space<vmem>> -> memref<1x128xi32, #tpu.memory_space<vmem>>
      %dma_wait3A_290 = tpu.memref_squeeze %dma_wait3A_289 : memref<1x128xi32, #tpu.memory_space<vmem>> -> memref<128xi32, #tpu.memory_space<vmem>>
      %dma_wait3A_291 = arith.constant 0 : i32
      %dma_wait3A_292 = arith.constant 0 : i32
      %dma_wait3A_293 = tpu.memref_slice %arg2[%dma_wait3A_291, %dma_wait3A_292] : memref<10112x64xf32, #tpu.memory_space<hbm>> -> memref<10112x64xf32, #tpu.memory_space<hbm>>
      %dma_wait3A_294 = tpu.memref_slice %arg10[%dma_wait3A_283] : memref<8x!tpu.dma_semaphore, #tpu.memory_space<semaphore_mem>> -> memref<1x!tpu.dma_semaphore, #tpu.memory_space<semaphore_mem>>
      %dma_wait3A_295 = tpu.memref_squeeze %dma_wait3A_294 : memref<1x!tpu.dma_semaphore, #tpu.memory_space<semaphore_mem>> -> memref<!tpu.dma_semaphore, #tpu.memory_space<semaphore_mem>>
      tpu.wait_indirect_dma semaphore(%dma_wait3A_295 : memref<!tpu.dma_semaphore, #tpu.memory_space<semaphore_mem>>) src(%dma_wait3A_293 : memref<10112x64xf32, #tpu.memory_space<hbm>>) dst(%dma_wait3A_287 : memref<128x64xf32, #tpu.memory_space<vmem>>)
      %add3A_296 = arith.constant 4 : i32
      %add3A_297 = arith.addi %mul3A_35, %add3A_296 : i32
      %dma_start3A_298 = arith.constant 4 : i32
      %dma_start3A_299 = arith.constant 4 : i32
      %dma_start3A_300 = arith.constant 0 : i32
      %dma_start3A_301 = arith.constant 0 : i32
      %dma_start3A_302 = tpu.memref_slice %arg8[%dma_start3A_298, %dma_start3A_300, %dma_start3A_301] : memref<8x128x64xf32, #tpu.memory_space<vmem>> -> memref<1x128x64xf32, #tpu.memory_space<vmem>>
      %dma_start3A_303 = tpu.memref_squeeze %dma_start3A_302 : memref<1x128x64xf32, #tpu.memory_space<vmem>> -> memref<128x64xf32, #tpu.memory_space<vmem>>
      %dma_start3A_304 = arith.constant 0 : i32
      %dma_start3A_305 = tpu.memref_slice %arg7[%add3A_297, %dma_start3A_304] : memref<80x128xi32, #tpu.memory_space<vmem>> -> memref<1x128xi32, #tpu.memory_space<vmem>>
      %dma_start3A_306 = tpu.memref_squeeze %dma_start3A_305 : memref<1x128xi32, #tpu.memory_space<vmem>> -> memref<128xi32, #tpu.memory_space<vmem>>
      %dma_start3A_307 = arith.constant 0 : i32
      %dma_start3A_308 = arith.constant 0 : i32
      %dma_start3A_309 = tpu.memref_slice %arg9[%dma_start3A_307, %dma_start3A_308] : memref<10112x64xf32, #tpu.memory_space<vmem_shared>> -> memref<10112x64xf32, #tpu.memory_space<vmem_shared>>
      %dma_start3A_310 = tpu.memref_slice %arg11[%dma_start3A_299] : memref<8x!tpu.dma_semaphore, #tpu.memory_space<semaphore_mem>> -> memref<1x!tpu.dma_semaphore, #tpu.memory_space<semaphore_mem>>
      %dma_start3A_311 = tpu.memref_squeeze %dma_start3A_310 : memref<1x!tpu.dma_semaphore, #tpu.memory_space<semaphore_mem>> -> memref<!tpu.dma_semaphore, #tpu.memory_space<semaphore_mem>>
      tpu.enqueue_indirect_dma source(%dma_start3A_303 : memref<128x64xf32, #tpu.memory_space<vmem>>) target(%dma_start3A_309 : memref<10112x64xf32, #tpu.memory_space<vmem_shared>>) offsets(%dma_start3A_306 : memref<128xi32, #tpu.memory_space<vmem>>) semaphore(%dma_start3A_311 : memref<!tpu.dma_semaphore, #tpu.memory_space<semaphore_mem>>) {add = true}
      %dma_wait3A_312 = arith.constant 5 : i32
      %dma_wait3A_313 = arith.constant 5 : i32
      %dma_wait3A_314 = arith.constant 0 : i32
      %dma_wait3A_315 = arith.constant 0 : i32
      %dma_wait3A_316 = tpu.memref_slice %arg8[%dma_wait3A_312, %dma_wait3A_314, %dma_wait3A_315] : memref<8x128x64xf32, #tpu.memory_space<vmem>> -> memref<1x128x64xf32, #tpu.memory_space<vmem>>
      %dma_wait3A_317 = tpu.memref_squeeze %dma_wait3A_316 : memref<1x128x64xf32, #tpu.memory_space<vmem>> -> memref<128x64xf32, #tpu.memory_space<vmem>>
      %dma_wait3A_318 = arith.constant 0 : i32
      %dma_wait3A_319 = tpu.memref_slice %arg6[%add3A_116, %dma_wait3A_318] : memref<80x128xi32, #tpu.memory_space<vmem>> -> memref<1x128xi32, #tpu.memory_space<vmem>>
      %dma_wait3A_320 = tpu.memref_squeeze %dma_wait3A_319 : memref<1x128xi32, #tpu.memory_space<vmem>> -> memref<128xi32, #tpu.memory_space<vmem>>
      %dma_wait3A_321 = arith.constant 0 : i32
      %dma_wait3A_322 = arith.constant 0 : i32
      %dma_wait3A_323 = tpu.memref_slice %arg2[%dma_wait3A_321, %dma_wait3A_322] : memref<10112x64xf32, #tpu.memory_space<hbm>> -> memref<10112x64xf32, #tpu.memory_space<hbm>>
      %dma_wait3A_324 = tpu.memref_slice %arg10[%dma_wait3A_313] : memref<8x!tpu.dma_semaphore, #tpu.memory_space<semaphore_mem>> -> memref<1x!tpu.dma_semaphore, #tpu.memory_space<semaphore_mem>>
      %dma_wait3A_325 = tpu.memref_squeeze %dma_wait3A_324 : memref<1x!tpu.dma_semaphore, #tpu.memory_space<semaphore_mem>> -> memref<!tpu.dma_semaphore, #tpu.memory_space<semaphore_mem>>
      tpu.wait_indirect_dma semaphore(%dma_wait3A_325 : memref<!tpu.dma_semaphore, #tpu.memory_space<semaphore_mem>>) src(%dma_wait3A_323 : memref<10112x64xf32, #tpu.memory_space<hbm>>) dst(%dma_wait3A_317 : memref<128x64xf32, #tpu.memory_space<vmem>>)
      %add3A_326 = arith.constant 5 : i32
      %add3A_327 = arith.addi %mul3A_35, %add3A_326 : i32
      %dma_start3A_328 = arith.constant 5 : i32
      %dma_start3A_329 = arith.constant 5 : i32
      %dma_start3A_330 = arith.constant 0 : i32
      %dma_start3A_331 = arith.constant 0 : i32
      %dma_start3A_332 = tpu.memref_slice %arg8[%dma_start3A_328, %dma_start3A_330, %dma_start3A_331] : memref<8x128x64xf32, #tpu.memory_space<vmem>> -> memref<1x128x64xf32, #tpu.memory_space<vmem>>
      %dma_start3A_333 = tpu.memref_squeeze %dma_start3A_332 : memref<1x128x64xf32, #tpu.memory_space<vmem>> -> memref<128x64xf32, #tpu.memory_space<vmem>>
      %dma_start3A_334 = arith.constant 0 : i32
      %dma_start3A_335 = tpu.memref_slice %arg7[%add3A_327, %dma_start3A_334] : memref<80x128xi32, #tpu.memory_space<vmem>> -> memref<1x128xi32, #tpu.memory_space<vmem>>
      %dma_start3A_336 = tpu.memref_squeeze %dma_start3A_335 : memref<1x128xi32, #tpu.memory_space<vmem>> -> memref<128xi32, #tpu.memory_space<vmem>>
      %dma_start3A_337 = arith.constant 0 : i32
      %dma_start3A_338 = arith.constant 0 : i32
      %dma_start3A_339 = tpu.memref_slice %arg9[%dma_start3A_337, %dma_start3A_338] : memref<10112x64xf32, #tpu.memory_space<vmem_shared>> -> memref<10112x64xf32, #tpu.memory_space<vmem_shared>>
      %dma_start3A_340 = tpu.memref_slice %arg11[%dma_start3A_329] : memref<8x!tpu.dma_semaphore, #tpu.memory_space<semaphore_mem>> -> memref<1x!tpu.dma_semaphore, #tpu.memory_space<semaphore_mem>>
      %dma_start3A_341 = tpu.memref_squeeze %dma_start3A_340 : memref<1x!tpu.dma_semaphore, #tpu.memory_space<semaphore_mem>> -> memref<!tpu.dma_semaphore, #tpu.memory_space<semaphore_mem>>
      tpu.enqueue_indirect_dma source(%dma_start3A_333 : memref<128x64xf32, #tpu.memory_space<vmem>>) target(%dma_start3A_339 : memref<10112x64xf32, #tpu.memory_space<vmem_shared>>) offsets(%dma_start3A_336 : memref<128xi32, #tpu.memory_space<vmem>>) semaphore(%dma_start3A_341 : memref<!tpu.dma_semaphore, #tpu.memory_space<semaphore_mem>>) {add = true}
      %dma_wait3A_342 = arith.constant 6 : i32
      %dma_wait3A_343 = arith.constant 6 : i32
      %dma_wait3A_344 = arith.constant 0 : i32
      %dma_wait3A_345 = arith.constant 0 : i32
      %dma_wait3A_346 = tpu.memref_slice %arg8[%dma_wait3A_342, %dma_wait3A_344, %dma_wait3A_345] : memref<8x128x64xf32, #tpu.memory_space<vmem>> -> memref<1x128x64xf32, #tpu.memory_space<vmem>>
      %dma_wait3A_347 = tpu.memref_squeeze %dma_wait3A_346 : memref<1x128x64xf32, #tpu.memory_space<vmem>> -> memref<128x64xf32, #tpu.memory_space<vmem>>
      %dma_wait3A_348 = arith.constant 0 : i32
      %dma_wait3A_349 = tpu.memref_slice %arg6[%add3A_132, %dma_wait3A_348] : memref<80x128xi32, #tpu.memory_space<vmem>> -> memref<1x128xi32, #tpu.memory_space<vmem>>
      %dma_wait3A_350 = tpu.memref_squeeze %dma_wait3A_349 : memref<1x128xi32, #tpu.memory_space<vmem>> -> memref<128xi32, #tpu.memory_space<vmem>>
      %dma_wait3A_351 = arith.constant 0 : i32
      %dma_wait3A_352 = arith.constant 0 : i32
      %dma_wait3A_353 = tpu.memref_slice %arg2[%dma_wait3A_351, %dma_wait3A_352] : memref<10112x64xf32, #tpu.memory_space<hbm>> -> memref<10112x64xf32, #tpu.memory_space<hbm>>
      %dma_wait3A_354 = tpu.memref_slice %arg10[%dma_wait3A_343] : memref<8x!tpu.dma_semaphore, #tpu.memory_space<semaphore_mem>> -> memref<1x!tpu.dma_semaphore, #tpu.memory_space<semaphore_mem>>
      %dma_wait3A_355 = tpu.memref_squeeze %dma_wait3A_354 : memref<1x!tpu.dma_semaphore, #tpu.memory_space<semaphore_mem>> -> memref<!tpu.dma_semaphore, #tpu.memory_space<semaphore_mem>>
      tpu.wait_indirect_dma semaphore(%dma_wait3A_355 : memref<!tpu.dma_semaphore, #tpu.memory_space<semaphore_mem>>) src(%dma_wait3A_353 : memref<10112x64xf32, #tpu.memory_space<hbm>>) dst(%dma_wait3A_347 : memref<128x64xf32, #tpu.memory_space<vmem>>)
      %add3A_356 = arith.constant 6 : i32
      %add3A_357 = arith.addi %mul3A_35, %add3A_356 : i32
      %dma_start3A_358 = arith.constant 6 : i32
      %dma_start3A_359 = arith.constant 6 : i32
      %dma_start3A_360 = arith.constant 0 : i32
      %dma_start3A_361 = arith.constant 0 : i32
      %dma_start3A_362 = tpu.memref_slice %arg8[%dma_start3A_358, %dma_start3A_360, %dma_start3A_361] : memref<8x128x64xf32, #tpu.memory_space<vmem>> -> memref<1x128x64xf32, #tpu.memory_space<vmem>>
      %dma_start3A_363 = tpu.memref_squeeze %dma_start3A_362 : memref<1x128x64xf32, #tpu.memory_space<vmem>> -> memref<128x64xf32, #tpu.memory_space<vmem>>
      %dma_start3A_364 = arith.constant 0 : i32
      %dma_start3A_365 = tpu.memref_slice %arg7[%add3A_357, %dma_start3A_364] : memref<80x128xi32, #tpu.memory_space<vmem>> -> memref<1x128xi32, #tpu.memory_space<vmem>>
      %dma_start3A_366 = tpu.memref_squeeze %dma_start3A_365 : memref<1x128xi32, #tpu.memory_space<vmem>> -> memref<128xi32, #tpu.memory_space<vmem>>
      %dma_start3A_367 = arith.constant 0 : i32
      %dma_start3A_368 = arith.constant 0 : i32
      %dma_start3A_369 = tpu.memref_slice %arg9[%dma_start3A_367, %dma_start3A_368] : memref<10112x64xf32, #tpu.memory_space<vmem_shared>> -> memref<10112x64xf32, #tpu.memory_space<vmem_shared>>
      %dma_start3A_370 = tpu.memref_slice %arg11[%dma_start3A_359] : memref<8x!tpu.dma_semaphore, #tpu.memory_space<semaphore_mem>> -> memref<1x!tpu.dma_semaphore, #tpu.memory_space<semaphore_mem>>
      %dma_start3A_371 = tpu.memref_squeeze %dma_start3A_370 : memref<1x!tpu.dma_semaphore, #tpu.memory_space<semaphore_mem>> -> memref<!tpu.dma_semaphore, #tpu.memory_space<semaphore_mem>>
      tpu.enqueue_indirect_dma source(%dma_start3A_363 : memref<128x64xf32, #tpu.memory_space<vmem>>) target(%dma_start3A_369 : memref<10112x64xf32, #tpu.memory_space<vmem_shared>>) offsets(%dma_start3A_366 : memref<128xi32, #tpu.memory_space<vmem>>) semaphore(%dma_start3A_371 : memref<!tpu.dma_semaphore, #tpu.memory_space<semaphore_mem>>) {add = true}
      %dma_wait3A_372 = arith.constant 7 : i32
      %dma_wait3A_373 = arith.constant 7 : i32
      %dma_wait3A_374 = arith.constant 0 : i32
      %dma_wait3A_375 = arith.constant 0 : i32
      %dma_wait3A_376 = tpu.memref_slice %arg8[%dma_wait3A_372, %dma_wait3A_374, %dma_wait3A_375] : memref<8x128x64xf32, #tpu.memory_space<vmem>> -> memref<1x128x64xf32, #tpu.memory_space<vmem>>
      %dma_wait3A_377 = tpu.memref_squeeze %dma_wait3A_376 : memref<1x128x64xf32, #tpu.memory_space<vmem>> -> memref<128x64xf32, #tpu.memory_space<vmem>>
      %dma_wait3A_378 = arith.constant 0 : i32
      %dma_wait3A_379 = tpu.memref_slice %arg6[%add3A_148, %dma_wait3A_378] : memref<80x128xi32, #tpu.memory_space<vmem>> -> memref<1x128xi32, #tpu.memory_space<vmem>>
      %dma_wait3A_380 = tpu.memref_squeeze %dma_wait3A_379 : memref<1x128xi32, #tpu.memory_space<vmem>> -> memref<128xi32, #tpu.memory_space<vmem>>
      %dma_wait3A_381 = arith.constant 0 : i32
      %dma_wait3A_382 = arith.constant 0 : i32
      %dma_wait3A_383 = tpu.memref_slice %arg2[%dma_wait3A_381, %dma_wait3A_382] : memref<10112x64xf32, #tpu.memory_space<hbm>> -> memref<10112x64xf32, #tpu.memory_space<hbm>>
      %dma_wait3A_384 = tpu.memref_slice %arg10[%dma_wait3A_373] : memref<8x!tpu.dma_semaphore, #tpu.memory_space<semaphore_mem>> -> memref<1x!tpu.dma_semaphore, #tpu.memory_space<semaphore_mem>>
      %dma_wait3A_385 = tpu.memref_squeeze %dma_wait3A_384 : memref<1x!tpu.dma_semaphore, #tpu.memory_space<semaphore_mem>> -> memref<!tpu.dma_semaphore, #tpu.memory_space<semaphore_mem>>
      tpu.wait_indirect_dma semaphore(%dma_wait3A_385 : memref<!tpu.dma_semaphore, #tpu.memory_space<semaphore_mem>>) src(%dma_wait3A_383 : memref<10112x64xf32, #tpu.memory_space<hbm>>) dst(%dma_wait3A_377 : memref<128x64xf32, #tpu.memory_space<vmem>>)
      %add3A_386 = arith.constant 7 : i32
      %add3A_387 = arith.addi %mul3A_35, %add3A_386 : i32
      %dma_start3A_388 = arith.constant 7 : i32
      %dma_start3A_389 = arith.constant 7 : i32
      %dma_start3A_390 = arith.constant 0 : i32
      %dma_start3A_391 = arith.constant 0 : i32
      %dma_start3A_392 = tpu.memref_slice %arg8[%dma_start3A_388, %dma_start3A_390, %dma_start3A_391] : memref<8x128x64xf32, #tpu.memory_space<vmem>> -> memref<1x128x64xf32, #tpu.memory_space<vmem>>
      %dma_start3A_393 = tpu.memref_squeeze %dma_start3A_392 : memref<1x128x64xf32, #tpu.memory_space<vmem>> -> memref<128x64xf32, #tpu.memory_space<vmem>>
      %dma_start3A_394 = arith.constant 0 : i32
      %dma_start3A_395 = tpu.memref_slice %arg7[%add3A_387, %dma_start3A_394] : memref<80x128xi32, #tpu.memory_space<vmem>> -> memref<1x128xi32, #tpu.memory_space<vmem>>
      %dma_start3A_396 = tpu.memref_squeeze %dma_start3A_395 : memref<1x128xi32, #tpu.memory_space<vmem>> -> memref<128xi32, #tpu.memory_space<vmem>>
      %dma_start3A_397 = arith.constant 0 : i32
      %dma_start3A_398 = arith.constant 0 : i32
      %dma_start3A_399 = tpu.memref_slice %arg9[%dma_start3A_397, %dma_start3A_398] : memref<10112x64xf32, #tpu.memory_space<vmem_shared>> -> memref<10112x64xf32, #tpu.memory_space<vmem_shared>>
      %dma_start3A_400 = tpu.memref_slice %arg11[%dma_start3A_389] : memref<8x!tpu.dma_semaphore, #tpu.memory_space<semaphore_mem>> -> memref<1x!tpu.dma_semaphore, #tpu.memory_space<semaphore_mem>>
      %dma_start3A_401 = tpu.memref_squeeze %dma_start3A_400 : memref<1x!tpu.dma_semaphore, #tpu.memory_space<semaphore_mem>> -> memref<!tpu.dma_semaphore, #tpu.memory_space<semaphore_mem>>
      tpu.enqueue_indirect_dma source(%dma_start3A_393 : memref<128x64xf32, #tpu.memory_space<vmem>>) target(%dma_start3A_399 : memref<10112x64xf32, #tpu.memory_space<vmem_shared>>) offsets(%dma_start3A_396 : memref<128xi32, #tpu.memory_space<vmem>>) semaphore(%dma_start3A_401 : memref<!tpu.dma_semaphore, #tpu.memory_space<semaphore_mem>>) {add = true}
      %dma_wait3A_402 = arith.constant 0 : i32
      %dma_wait3A_403 = arith.constant 0 : i32
      %dma_wait3A_404 = arith.constant 0 : i32
      %dma_wait3A_405 = arith.constant 0 : i32
      %dma_wait3A_406 = tpu.memref_slice %arg8[%dma_wait3A_402, %dma_wait3A_404, %dma_wait3A_405] : memref<8x128x64xf32, #tpu.memory_space<vmem>> -> memref<1x128x64xf32, #tpu.memory_space<vmem>>
      %dma_wait3A_407 = tpu.memref_squeeze %dma_wait3A_406 : memref<1x128x64xf32, #tpu.memory_space<vmem>> -> memref<128x64xf32, #tpu.memory_space<vmem>>
      %dma_wait3A_408 = arith.constant 0 : i32
      %dma_wait3A_409 = tpu.memref_slice %arg7[%add3A_177, %dma_wait3A_408] : memref<80x128xi32, #tpu.memory_space<vmem>> -> memref<1x128xi32, #tpu.memory_space<vmem>>
      %dma_wait3A_410 = tpu.memref_squeeze %dma_wait3A_409 : memref<1x128xi32, #tpu.memory_space<vmem>> -> memref<128xi32, #tpu.memory_space<vmem>>
      %dma_wait3A_411 = arith.constant 0 : i32
      %dma_wait3A_412 = arith.constant 0 : i32
      %dma_wait3A_413 = tpu.memref_slice %arg9[%dma_wait3A_411, %dma_wait3A_412] : memref<10112x64xf32, #tpu.memory_space<vmem_shared>> -> memref<10112x64xf32, #tpu.memory_space<vmem_shared>>
      %dma_wait3A_414 = tpu.memref_slice %arg11[%dma_wait3A_403] : memref<8x!tpu.dma_semaphore, #tpu.memory_space<semaphore_mem>> -> memref<1x!tpu.dma_semaphore, #tpu.memory_space<semaphore_mem>>
      %dma_wait3A_415 = tpu.memref_squeeze %dma_wait3A_414 : memref<1x!tpu.dma_semaphore, #tpu.memory_space<semaphore_mem>> -> memref<!tpu.dma_semaphore, #tpu.memory_space<semaphore_mem>>
      tpu.wait_indirect_dma semaphore(%dma_wait3A_415 : memref<!tpu.dma_semaphore, #tpu.memory_space<semaphore_mem>>) src(%dma_wait3A_407 : memref<128x64xf32, #tpu.memory_space<vmem>>) dst(%dma_wait3A_413 : memref<10112x64xf32, #tpu.memory_space<vmem_shared>>)
      %dma_wait3A_416 = arith.constant 1 : i32
      %dma_wait3A_417 = arith.constant 1 : i32
      %dma_wait3A_418 = arith.constant 0 : i32
      %dma_wait3A_419 = arith.constant 0 : i32
      %dma_wait3A_420 = tpu.memref_slice %arg8[%dma_wait3A_416, %dma_wait3A_418, %dma_wait3A_419] : memref<8x128x64xf32, #tpu.memory_space<vmem>> -> memref<1x128x64xf32, #tpu.memory_space<vmem>>
      %dma_wait3A_421 = tpu.memref_squeeze %dma_wait3A_420 : memref<1x128x64xf32, #tpu.memory_space<vmem>> -> memref<128x64xf32, #tpu.memory_space<vmem>>
      %dma_wait3A_422 = arith.constant 0 : i32
      %dma_wait3A_423 = tpu.memref_slice %arg7[%add3A_207, %dma_wait3A_422] : memref<80x128xi32, #tpu.memory_space<vmem>> -> memref<1x128xi32, #tpu.memory_space<vmem>>
      %dma_wait3A_424 = tpu.memref_squeeze %dma_wait3A_423 : memref<1x128xi32, #tpu.memory_space<vmem>> -> memref<128xi32, #tpu.memory_space<vmem>>
      %dma_wait3A_425 = arith.constant 0 : i32
      %dma_wait3A_426 = arith.constant 0 : i32
      %dma_wait3A_427 = tpu.memref_slice %arg9[%dma_wait3A_425, %dma_wait3A_426] : memref<10112x64xf32, #tpu.memory_space<vmem_shared>> -> memref<10112x64xf32, #tpu.memory_space<vmem_shared>>
      %dma_wait3A_428 = tpu.memref_slice %arg11[%dma_wait3A_417] : memref<8x!tpu.dma_semaphore, #tpu.memory_space<semaphore_mem>> -> memref<1x!tpu.dma_semaphore, #tpu.memory_space<semaphore_mem>>
      %dma_wait3A_429 = tpu.memref_squeeze %dma_wait3A_428 : memref<1x!tpu.dma_semaphore, #tpu.memory_space<semaphore_mem>> -> memref<!tpu.dma_semaphore, #tpu.memory_space<semaphore_mem>>
      tpu.wait_indirect_dma semaphore(%dma_wait3A_429 : memref<!tpu.dma_semaphore, #tpu.memory_space<semaphore_mem>>) src(%dma_wait3A_421 : memref<128x64xf32, #tpu.memory_space<vmem>>) dst(%dma_wait3A_427 : memref<10112x64xf32, #tpu.memory_space<vmem_shared>>)
      %dma_wait3A_430 = arith.constant 2 : i32
      %dma_wait3A_431 = arith.constant 2 : i32
      %dma_wait3A_432 = arith.constant 0 : i32
      %dma_wait3A_433 = arith.constant 0 : i32
      %dma_wait3A_434 = tpu.memref_slice %arg8[%dma_wait3A_430, %dma_wait3A_432, %dma_wait3A_433] : memref<8x128x64xf32, #tpu.memory_space<vmem>> -> memref<1x128x64xf32, #tpu.memory_space<vmem>>
      %dma_wait3A_435 = tpu.memref_squeeze %dma_wait3A_434 : memref<1x128x64xf32, #tpu.memory_space<vmem>> -> memref<128x64xf32, #tpu.memory_space<vmem>>
      %dma_wait3A_436 = arith.constant 0 : i32
      %dma_wait3A_437 = tpu.memref_slice %arg7[%add3A_237, %dma_wait3A_436] : memref<80x128xi32, #tpu.memory_space<vmem>> -> memref<1x128xi32, #tpu.memory_space<vmem>>
      %dma_wait3A_438 = tpu.memref_squeeze %dma_wait3A_437 : memref<1x128xi32, #tpu.memory_space<vmem>> -> memref<128xi32, #tpu.memory_space<vmem>>
      %dma_wait3A_439 = arith.constant 0 : i32
      %dma_wait3A_440 = arith.constant 0 : i32
      %dma_wait3A_441 = tpu.memref_slice %arg9[%dma_wait3A_439, %dma_wait3A_440] : memref<10112x64xf32, #tpu.memory_space<vmem_shared>> -> memref<10112x64xf32, #tpu.memory_space<vmem_shared>>
      %dma_wait3A_442 = tpu.memref_slice %arg11[%dma_wait3A_431] : memref<8x!tpu.dma_semaphore, #tpu.memory_space<semaphore_mem>> -> memref<1x!tpu.dma_semaphore, #tpu.memory_space<semaphore_mem>>
      %dma_wait3A_443 = tpu.memref_squeeze %dma_wait3A_442 : memref<1x!tpu.dma_semaphore, #tpu.memory_space<semaphore_mem>> -> memref<!tpu.dma_semaphore, #tpu.memory_space<semaphore_mem>>
      tpu.wait_indirect_dma semaphore(%dma_wait3A_443 : memref<!tpu.dma_semaphore, #tpu.memory_space<semaphore_mem>>) src(%dma_wait3A_435 : memref<128x64xf32, #tpu.memory_space<vmem>>) dst(%dma_wait3A_441 : memref<10112x64xf32, #tpu.memory_space<vmem_shared>>)
      %dma_wait3A_444 = arith.constant 3 : i32
      %dma_wait3A_445 = arith.constant 3 : i32
      %dma_wait3A_446 = arith.constant 0 : i32
      %dma_wait3A_447 = arith.constant 0 : i32
      %dma_wait3A_448 = tpu.memref_slice %arg8[%dma_wait3A_444, %dma_wait3A_446, %dma_wait3A_447] : memref<8x128x64xf32, #tpu.memory_space<vmem>> -> memref<1x128x64xf32, #tpu.memory_space<vmem>>
      %dma_wait3A_449 = tpu.memref_squeeze %dma_wait3A_448 : memref<1x128x64xf32, #tpu.memory_space<vmem>> -> memref<128x64xf32, #tpu.memory_space<vmem>>
      %dma_wait3A_450 = arith.constant 0 : i32
      %dma_wait3A_451 = tpu.memref_slice %arg7[%add3A_267, %dma_wait3A_450] : memref<80x128xi32, #tpu.memory_space<vmem>> -> memref<1x128xi32, #tpu.memory_space<vmem>>
      %dma_wait3A_452 = tpu.memref_squeeze %dma_wait3A_451 : memref<1x128xi32, #tpu.memory_space<vmem>> -> memref<128xi32, #tpu.memory_space<vmem>>
      %dma_wait3A_453 = arith.constant 0 : i32
      %dma_wait3A_454 = arith.constant 0 : i32
      %dma_wait3A_455 = tpu.memref_slice %arg9[%dma_wait3A_453, %dma_wait3A_454] : memref<10112x64xf32, #tpu.memory_space<vmem_shared>> -> memref<10112x64xf32, #tpu.memory_space<vmem_shared>>
      %dma_wait3A_456 = tpu.memref_slice %arg11[%dma_wait3A_445] : memref<8x!tpu.dma_semaphore, #tpu.memory_space<semaphore_mem>> -> memref<1x!tpu.dma_semaphore, #tpu.memory_space<semaphore_mem>>
      %dma_wait3A_457 = tpu.memref_squeeze %dma_wait3A_456 : memref<1x!tpu.dma_semaphore, #tpu.memory_space<semaphore_mem>> -> memref<!tpu.dma_semaphore, #tpu.memory_space<semaphore_mem>>
      tpu.wait_indirect_dma semaphore(%dma_wait3A_457 : memref<!tpu.dma_semaphore, #tpu.memory_space<semaphore_mem>>) src(%dma_wait3A_449 : memref<128x64xf32, #tpu.memory_space<vmem>>) dst(%dma_wait3A_455 : memref<10112x64xf32, #tpu.memory_space<vmem_shared>>)
      %dma_wait3A_458 = arith.constant 4 : i32
      %dma_wait3A_459 = arith.constant 4 : i32
      %dma_wait3A_460 = arith.constant 0 : i32
      %dma_wait3A_461 = arith.constant 0 : i32
      %dma_wait3A_462 = tpu.memref_slice %arg8[%dma_wait3A_458, %dma_wait3A_460, %dma_wait3A_461] : memref<8x128x64xf32, #tpu.memory_space<vmem>> -> memref<1x128x64xf32, #tpu.memory_space<vmem>>
      %dma_wait3A_463 = tpu.memref_squeeze %dma_wait3A_462 : memref<1x128x64xf32, #tpu.memory_space<vmem>> -> memref<128x64xf32, #tpu.memory_space<vmem>>
      %dma_wait3A_464 = arith.constant 0 : i32
      %dma_wait3A_465 = tpu.memref_slice %arg7[%add3A_297, %dma_wait3A_464] : memref<80x128xi32, #tpu.memory_space<vmem>> -> memref<1x128xi32, #tpu.memory_space<vmem>>
      %dma_wait3A_466 = tpu.memref_squeeze %dma_wait3A_465 : memref<1x128xi32, #tpu.memory_space<vmem>> -> memref<128xi32, #tpu.memory_space<vmem>>
      %dma_wait3A_467 = arith.constant 0 : i32
      %dma_wait3A_468 = arith.constant 0 : i32
      %dma_wait3A_469 = tpu.memref_slice %arg9[%dma_wait3A_467, %dma_wait3A_468] : memref<10112x64xf32, #tpu.memory_space<vmem_shared>> -> memref<10112x64xf32, #tpu.memory_space<vmem_shared>>
      %dma_wait3A_470 = tpu.memref_slice %arg11[%dma_wait3A_459] : memref<8x!tpu.dma_semaphore, #tpu.memory_space<semaphore_mem>> -> memref<1x!tpu.dma_semaphore, #tpu.memory_space<semaphore_mem>>
      %dma_wait3A_471 = tpu.memref_squeeze %dma_wait3A_470 : memref<1x!tpu.dma_semaphore, #tpu.memory_space<semaphore_mem>> -> memref<!tpu.dma_semaphore, #tpu.memory_space<semaphore_mem>>
      tpu.wait_indirect_dma semaphore(%dma_wait3A_471 : memref<!tpu.dma_semaphore, #tpu.memory_space<semaphore_mem>>) src(%dma_wait3A_463 : memref<128x64xf32, #tpu.memory_space<vmem>>) dst(%dma_wait3A_469 : memref<10112x64xf32, #tpu.memory_space<vmem_shared>>)
      %dma_wait3A_472 = arith.constant 5 : i32
      %dma_wait3A_473 = arith.constant 5 : i32
      %dma_wait3A_474 = arith.constant 0 : i32
      %dma_wait3A_475 = arith.constant 0 : i32
      %dma_wait3A_476 = tpu.memref_slice %arg8[%dma_wait3A_472, %dma_wait3A_474, %dma_wait3A_475] : memref<8x128x64xf32, #tpu.memory_space<vmem>> -> memref<1x128x64xf32, #tpu.memory_space<vmem>>
      %dma_wait3A_477 = tpu.memref_squeeze %dma_wait3A_476 : memref<1x128x64xf32, #tpu.memory_space<vmem>> -> memref<128x64xf32, #tpu.memory_space<vmem>>
      %dma_wait3A_478 = arith.constant 0 : i32
      %dma_wait3A_479 = tpu.memref_slice %arg7[%add3A_327, %dma_wait3A_478] : memref<80x128xi32, #tpu.memory_space<vmem>> -> memref<1x128xi32, #tpu.memory_space<vmem>>
      %dma_wait3A_480 = tpu.memref_squeeze %dma_wait3A_479 : memref<1x128xi32, #tpu.memory_space<vmem>> -> memref<128xi32, #tpu.memory_space<vmem>>
      %dma_wait3A_481 = arith.constant 0 : i32
      %dma_wait3A_482 = arith.constant 0 : i32
      %dma_wait3A_483 = tpu.memref_slice %arg9[%dma_wait3A_481, %dma_wait3A_482] : memref<10112x64xf32, #tpu.memory_space<vmem_shared>> -> memref<10112x64xf32, #tpu.memory_space<vmem_shared>>
      %dma_wait3A_484 = tpu.memref_slice %arg11[%dma_wait3A_473] : memref<8x!tpu.dma_semaphore, #tpu.memory_space<semaphore_mem>> -> memref<1x!tpu.dma_semaphore, #tpu.memory_space<semaphore_mem>>
      %dma_wait3A_485 = tpu.memref_squeeze %dma_wait3A_484 : memref<1x!tpu.dma_semaphore, #tpu.memory_space<semaphore_mem>> -> memref<!tpu.dma_semaphore, #tpu.memory_space<semaphore_mem>>
      tpu.wait_indirect_dma semaphore(%dma_wait3A_485 : memref<!tpu.dma_semaphore, #tpu.memory_space<semaphore_mem>>) src(%dma_wait3A_477 : memref<128x64xf32, #tpu.memory_space<vmem>>) dst(%dma_wait3A_483 : memref<10112x64xf32, #tpu.memory_space<vmem_shared>>)
      %dma_wait3A_486 = arith.constant 6 : i32
      %dma_wait3A_487 = arith.constant 6 : i32
      %dma_wait3A_488 = arith.constant 0 : i32
      %dma_wait3A_489 = arith.constant 0 : i32
      %dma_wait3A_490 = tpu.memref_slice %arg8[%dma_wait3A_486, %dma_wait3A_488, %dma_wait3A_489] : memref<8x128x64xf32, #tpu.memory_space<vmem>> -> memref<1x128x64xf32, #tpu.memory_space<vmem>>
      %dma_wait3A_491 = tpu.memref_squeeze %dma_wait3A_490 : memref<1x128x64xf32, #tpu.memory_space<vmem>> -> memref<128x64xf32, #tpu.memory_space<vmem>>
      %dma_wait3A_492 = arith.constant 0 : i32
      %dma_wait3A_493 = tpu.memref_slice %arg7[%add3A_357, %dma_wait3A_492] : memref<80x128xi32, #tpu.memory_space<vmem>> -> memref<1x128xi32, #tpu.memory_space<vmem>>
      %dma_wait3A_494 = tpu.memref_squeeze %dma_wait3A_493 : memref<1x128xi32, #tpu.memory_space<vmem>> -> memref<128xi32, #tpu.memory_space<vmem>>
      %dma_wait3A_495 = arith.constant 0 : i32
      %dma_wait3A_496 = arith.constant 0 : i32
      %dma_wait3A_497 = tpu.memref_slice %arg9[%dma_wait3A_495, %dma_wait3A_496] : memref<10112x64xf32, #tpu.memory_space<vmem_shared>> -> memref<10112x64xf32, #tpu.memory_space<vmem_shared>>
      %dma_wait3A_498 = tpu.memref_slice %arg11[%dma_wait3A_487] : memref<8x!tpu.dma_semaphore, #tpu.memory_space<semaphore_mem>> -> memref<1x!tpu.dma_semaphore, #tpu.memory_space<semaphore_mem>>
      %dma_wait3A_499 = tpu.memref_squeeze %dma_wait3A_498 : memref<1x!tpu.dma_semaphore, #tpu.memory_space<semaphore_mem>> -> memref<!tpu.dma_semaphore, #tpu.memory_space<semaphore_mem>>
      tpu.wait_indirect_dma semaphore(%dma_wait3A_499 : memref<!tpu.dma_semaphore, #tpu.memory_space<semaphore_mem>>) src(%dma_wait3A_491 : memref<128x64xf32, #tpu.memory_space<vmem>>) dst(%dma_wait3A_497 : memref<10112x64xf32, #tpu.memory_space<vmem_shared>>)
      %dma_wait3A_500 = arith.constant 7 : i32
      %dma_wait3A_501 = arith.constant 7 : i32
      %dma_wait3A_502 = arith.constant 0 : i32
      %dma_wait3A_503 = arith.constant 0 : i32
      %dma_wait3A_504 = tpu.memref_slice %arg8[%dma_wait3A_500, %dma_wait3A_502, %dma_wait3A_503] : memref<8x128x64xf32, #tpu.memory_space<vmem>> -> memref<1x128x64xf32, #tpu.memory_space<vmem>>
      %dma_wait3A_505 = tpu.memref_squeeze %dma_wait3A_504 : memref<1x128x64xf32, #tpu.memory_space<vmem>> -> memref<128x64xf32, #tpu.memory_space<vmem>>
      %dma_wait3A_506 = arith.constant 0 : i32
      %dma_wait3A_507 = tpu.memref_slice %arg7[%add3A_387, %dma_wait3A_506] : memref<80x128xi32, #tpu.memory_space<vmem>> -> memref<1x128xi32, #tpu.memory_space<vmem>>
      %dma_wait3A_508 = tpu.memref_squeeze %dma_wait3A_507 : memref<1x128xi32, #tpu.memory_space<vmem>> -> memref<128xi32, #tpu.memory_space<vmem>>
      %dma_wait3A_509 = arith.constant 0 : i32
      %dma_wait3A_510 = arith.constant 0 : i32
      %dma_wait3A_511 = tpu.memref_slice %arg9[%dma_wait3A_509, %dma_wait3A_510] : memref<10112x64xf32, #tpu.memory_space<vmem_shared>> -> memref<10112x64xf32, #tpu.memory_space<vmem_shared>>
      %dma_wait3A_512 = tpu.memref_slice %arg11[%dma_wait3A_501] : memref<8x!tpu.dma_semaphore, #tpu.memory_space<semaphore_mem>> -> memref<1x!tpu.dma_semaphore, #tpu.memory_space<semaphore_mem>>
      %dma_wait3A_513 = tpu.memref_squeeze %dma_wait3A_512 : memref<1x!tpu.dma_semaphore, #tpu.memory_space<semaphore_mem>> -> memref<!tpu.dma_semaphore, #tpu.memory_space<semaphore_mem>>
      tpu.wait_indirect_dma semaphore(%dma_wait3A_513 : memref<!tpu.dma_semaphore, #tpu.memory_space<semaphore_mem>>) src(%dma_wait3A_505 : memref<128x64xf32, #tpu.memory_space<vmem>>) dst(%dma_wait3A_511 : memref<10112x64xf32, #tpu.memory_space<vmem_shared>>)
    }
    %scan3A_27 = arith.constant 10 : i32
    %barrier3A_28 = arith.constant 0 : index
    tpu.barrier barrier_id(%barrier3A_28)
    "tpu.region"() ({
      %run_scoped3A_29 = tpu.sem_alloc : memref<!tpu.dma_semaphore, #tpu.memory_space<semaphore_mem>>
      %dma_start3A = arith.constant 0 : i32
      %dma_start3A_30 = tpu.memref_slice %arg5[%arg0, %mul3A_8, %dma_start3A] : memref<2x10112x64xf32, #tpu.memory_space<hbm>> -> memref<1x632x64xf32, #tpu.memory_space<hbm>>
      %dma_start3A_31 = tpu.memref_squeeze %dma_start3A_30 : memref<1x632x64xf32, #tpu.memory_space<hbm>> -> memref<632x64xf32, #tpu.memory_space<hbm>>
      %dma_start3A_32 = arith.constant 0 : i32
      %dma_start3A_33 = tpu.memref_slice %arg9[%mul3A_8, %dma_start3A_32] : memref<10112x64xf32, #tpu.memory_space<vmem_shared>> -> memref<632x64xf32, #tpu.memory_space<vmem_shared>>
      tpu.enqueue_dma source(%dma_start3A_33 : memref<632x64xf32, #tpu.memory_space<vmem_shared>>) target(%dma_start3A_31 : memref<632x64xf32, #tpu.memory_space<hbm>>) target_semaphore(%run_scoped3A_29 : memref<!tpu.dma_semaphore, #tpu.memory_space<semaphore_mem>>)
      %dma_wait3A = arith.constant 0 : i32
      %dma_wait3A_34 = tpu.memref_slice %arg5[%arg0, %mul3A_8, %dma_wait3A] : memref<2x10112x64xf32, #tpu.memory_space<hbm>> -> memref<1x632x64xf32, #tpu.memory_space<hbm>>
      %dma_wait3A_35 = tpu.memref_squeeze %dma_wait3A_34 : memref<1x632x64xf32, #tpu.memory_space<hbm>> -> memref<632x64xf32, #tpu.memory_space<hbm>>
      %dma_wait3A_36 = arith.constant 0 : i32
      %dma_wait3A_37 = tpu.memref_slice %arg9[%mul3A_8, %dma_wait3A_36] : memref<10112x64xf32, #tpu.memory_space<vmem_shared>> -> memref<632x64xf32, #tpu.memory_space<vmem_shared>>
      tpu.wait_dma2 semaphore(%run_scoped3A_29 : memref<!tpu.dma_semaphore, #tpu.memory_space<semaphore_mem>>) src(%dma_wait3A_37 : memref<632x64xf32, #tpu.memory_space<vmem_shared>>) dst(%dma_wait3A_35 : memref<632x64xf32, #tpu.memory_space<hbm>>)
      tpu.yield
    }) : () -> ()
    return
  }
}

#map = affine_map<(d0, d1) -> (0, 0)>
#map1 = affine_map<(d0, d1) -> (0, 0, 0)>
module attributes {stable_mosaic.version = 14 : i64} {
  func.func @_prop_body(%arg0: i32, %arg1: i32, %arg2: memref<10112x64xf32, #tpu.memory_space<hbm>>, %arg3: memref<32x80x128xi32, #tpu.memory_space<hbm>>, %arg4: memref<32x80x128xi32, #tpu.memory_space<hbm>>, %arg5: memref<2x10112x64xf32, #tpu.memory_space<hbm>>, %arg6: memref<80x128xi32, #tpu.memory_space<vmem>>, %arg7: memref<80x128xi32, #tpu.memory_space<vmem>>, %arg8: memref<8x128x64xf32, #tpu.memory_space<vmem>>, %arg9: memref<10112x64xf32, #tpu.memory_space<vmem_shared>>, %arg10: memref<8x!tpu.dma_semaphore, #tpu.memory_space<semaphore_mem>>, %arg11: memref<8x!tpu.dma_semaphore, #tpu.memory_space<semaphore_mem>>) attributes {dimension_semantics = [#tpu.dimension_semantics<core_parallel>, #tpu.dimension_semantics<subcore_parallel>], iteration_bounds = array<i64: 2, 16>, scalar_prefetch = 0 : i64, scratch_operands = 6 : i64, tpu.core_type = #tpu.core_type<sc_vector_subcore>, window_params = [{transform_indices = #map}, {transform_indices = #map1}, {transform_indices = #map1}, {transform_indices = #map1}]} {
    %mul3A = arith.constant 16 : i32
    %mul3A_0 = arith.muli %arg0, %mul3A : i32
    %add3A = arith.addi %mul3A_0, %arg1 : i32
    "tpu.region"() ({
      %run_scoped3A_29 = tpu.sem_alloc : memref<!tpu.dma_semaphore, #tpu.memory_space<semaphore_mem>>
      %dma_start3A = arith.constant 0 : i32
      %dma_start3A_30 = arith.constant 0 : i32
      %dma_start3A_31 = tpu.memref_slice %arg3[%add3A, %dma_start3A, %dma_start3A_30] : memref<32x80x128xi32, #tpu.memory_space<hbm>> -> memref<1x80x128xi32, #tpu.memory_space<hbm>>
      %dma_start3A_32 = tpu.memref_squeeze %dma_start3A_31 : memref<1x80x128xi32, #tpu.memory_space<hbm>> -> memref<80x128xi32, #tpu.memory_space<hbm>>
      %dma_start3A_33 = arith.constant 0 : i32
      %dma_start3A_34 = arith.constant 0 : i32
      %dma_start3A_35 = tpu.memref_slice %arg3[%add3A, %dma_start3A_33, %dma_start3A_34] : memref<32x80x128xi32, #tpu.memory_space<hbm>> -> memref<1x80x128xi32, #tpu.memory_space<hbm>>
      %dma_start3A_36 = tpu.memref_squeeze %dma_start3A_35 : memref<1x80x128xi32, #tpu.memory_space<hbm>> -> memref<80x128xi32, #tpu.memory_space<hbm>>
      tpu.enqueue_dma source(%dma_start3A_36 : memref<80x128xi32, #tpu.memory_space<hbm>>) target(%arg6 : memref<80x128xi32, #tpu.memory_space<vmem>>) target_semaphore(%run_scoped3A_29 : memref<!tpu.dma_semaphore, #tpu.memory_space<semaphore_mem>>)
      %dma_wait3A = arith.constant 0 : i32
      %dma_wait3A_37 = arith.constant 0 : i32
      %dma_wait3A_38 = tpu.memref_slice %arg3[%add3A, %dma_wait3A, %dma_wait3A_37] : memref<32x80x128xi32, #tpu.memory_space<hbm>> -> memref<1x80x128xi32, #tpu.memory_space<hbm>>
      %dma_wait3A_39 = tpu.memref_squeeze %dma_wait3A_38 : memref<1x80x128xi32, #tpu.memory_space<hbm>> -> memref<80x128xi32, #tpu.memory_space<hbm>>
      %dma_wait3A_40 = arith.constant 0 : i32
      %dma_wait3A_41 = arith.constant 0 : i32
      %dma_wait3A_42 = tpu.memref_slice %arg3[%add3A, %dma_wait3A_40, %dma_wait3A_41] : memref<32x80x128xi32, #tpu.memory_space<hbm>> -> memref<1x80x128xi32, #tpu.memory_space<hbm>>
      %dma_wait3A_43 = tpu.memref_squeeze %dma_wait3A_42 : memref<1x80x128xi32, #tpu.memory_space<hbm>> -> memref<80x128xi32, #tpu.memory_space<hbm>>
      tpu.wait_dma2 semaphore(%run_scoped3A_29 : memref<!tpu.dma_semaphore, #tpu.memory_space<semaphore_mem>>) src(%dma_wait3A_43 : memref<80x128xi32, #tpu.memory_space<hbm>>) dst(%arg6 : memref<80x128xi32, #tpu.memory_space<vmem>>)
      tpu.yield
    }) : () -> ()
    "tpu.region"() ({
      %run_scoped3A_29 = tpu.sem_alloc : memref<!tpu.dma_semaphore, #tpu.memory_space<semaphore_mem>>
      %dma_start3A = arith.constant 0 : i32
      %dma_start3A_30 = arith.constant 0 : i32
      %dma_start3A_31 = tpu.memref_slice %arg4[%add3A, %dma_start3A, %dma_start3A_30] : memref<32x80x128xi32, #tpu.memory_space<hbm>> -> memref<1x80x128xi32, #tpu.memory_space<hbm>>
      %dma_start3A_32 = tpu.memref_squeeze %dma_start3A_31 : memref<1x80x128xi32, #tpu.memory_space<hbm>> -> memref<80x128xi32, #tpu.memory_space<hbm>>
      %dma_start3A_33 = arith.constant 0 : i32
      %dma_start3A_34 = arith.constant 0 : i32
      %dma_start3A_35 = tpu.memref_slice %arg4[%add3A, %dma_start3A_33, %dma_start3A_34] : memref<32x80x128xi32, #tpu.memory_space<hbm>> -> memref<1x80x128xi32, #tpu.memory_space<hbm>>
      %dma_start3A_36 = tpu.memref_squeeze %dma_start3A_35 : memref<1x80x128xi32, #tpu.memory_space<hbm>> -> memref<80x128xi32, #tpu.memory_space<hbm>>
      tpu.enqueue_dma source(%dma_start3A_36 : memref<80x128xi32, #tpu.memory_space<hbm>>) target(%arg7 : memref<80x128xi32, #tpu.memory_space<vmem>>) target_semaphore(%run_scoped3A_29 : memref<!tpu.dma_semaphore, #tpu.memory_space<semaphore_mem>>)
      %dma_wait3A = arith.constant 0 : i32
      %dma_wait3A_37 = arith.constant 0 : i32
      %dma_wait3A_38 = tpu.memref_slice %arg4[%add3A, %dma_wait3A, %dma_wait3A_37] : memref<32x80x128xi32, #tpu.memory_space<hbm>> -> memref<1x80x128xi32, #tpu.memory_space<hbm>>
      %dma_wait3A_39 = tpu.memref_squeeze %dma_wait3A_38 : memref<1x80x128xi32, #tpu.memory_space<hbm>> -> memref<80x128xi32, #tpu.memory_space<hbm>>
      %dma_wait3A_40 = arith.constant 0 : i32
      %dma_wait3A_41 = arith.constant 0 : i32
      %dma_wait3A_42 = tpu.memref_slice %arg4[%add3A, %dma_wait3A_40, %dma_wait3A_41] : memref<32x80x128xi32, #tpu.memory_space<hbm>> -> memref<1x80x128xi32, #tpu.memory_space<hbm>>
      %dma_wait3A_43 = tpu.memref_squeeze %dma_wait3A_42 : memref<1x80x128xi32, #tpu.memory_space<hbm>> -> memref<80x128xi32, #tpu.memory_space<hbm>>
      tpu.wait_dma2 semaphore(%run_scoped3A_29 : memref<!tpu.dma_semaphore, #tpu.memory_space<semaphore_mem>>) src(%dma_wait3A_43 : memref<80x128xi32, #tpu.memory_space<hbm>>) dst(%arg7 : memref<80x128xi32, #tpu.memory_space<vmem>>)
      tpu.yield
    }) : () -> ()
    %broadcast_in_dim3A = arith.constant 0.000000e+00 : f32
    %broadcast_in_dim3A_1 = vector.broadcast %broadcast_in_dim3A : f32 to vector<16xf32>
    %scan3A = arith.constant 0 : i32
    %scan3A_2 = arith.constant 0 : i32
    %scan3A_3 = arith.constant 128 : i32
    %scan3A_4 = arith.addi %scan3A_2, %scan3A_3 : i32
    %scan3A_5 = arith.constant 1 : i32
    scf.for %scan3A_29 = %scan3A_2 to %scan3A_4 step %scan3A_5  : i32 {
      %mul3A_30 = arith.constant 1 : i32
      %mul3A_31 = arith.muli %scan3A_29, %mul3A_30 : i32
      %add3A_32 = arith.constant 0 : i32
      %add3A_33 = arith.addi %add3A_32, %mul3A_31 : i32
      %swap3A = arith.constant 0 : i32
      %swap3A_34 = arith.constant 0 : i32
      %swap3A_35 = tpu.memref_slice %arg8[%scan3A, %swap3A, %swap3A_34] : memref<8x128x64xf32, #tpu.memory_space<vmem>> -> memref<1x128x64xf32, #tpu.memory_space<vmem>>
      %swap3A_36 = tpu.memref_squeeze %swap3A_35 : memref<1x128x64xf32, #tpu.memory_space<vmem>> -> memref<128x64xf32, #tpu.memory_space<vmem>>
      %swap3A_37 = arith.index_cast %add3A_33 : i32 to index
      %swap3A_38 = arith.constant 0 : index
      %swap3A_39 = tpu.vector_load %swap3A_36[%swap3A_37, %swap3A_38] {strides = array<i32>} : memref<128x64xf32, #tpu.memory_space<vmem>>, vector<1x16xf32>,
      %swap3A_40 = vector.shape_cast %swap3A_39 : vector<1x16xf32> to vector<16xf32>
      %swap3A_41 = vector.shape_cast %broadcast_in_dim3A_1 : vector<16xf32> to vector<1x16xf32>
      tpu.vector_store %swap3A_36[%swap3A_37, %swap3A_38], %swap3A_41 {strides = array<i32>} : memref<128x64xf32, #tpu.memory_space<vmem>>, vector<1x16xf32>,
      %swap3A_42 = arith.constant 0 : i32
      %swap3A_43 = arith.constant 0 : i32
      %swap3A_44 = tpu.memref_slice %arg8[%scan3A, %swap3A_42, %swap3A_43] : memref<8x128x64xf32, #tpu.memory_space<vmem>> -> memref<1x128x64xf32, #tpu.memory_space<vmem>>
      %swap3A_45 = tpu.memref_squeeze %swap3A_44 : memref<1x128x64xf32, #tpu.memory_space<vmem>> -> memref<128x64xf32, #tpu.memory_space<vmem>>
      %swap3A_46 = arith.index_cast %add3A_33 : i32 to index
      %swap3A_47 = arith.constant 16 : index
      %swap3A_48 = tpu.vector_load %swap3A_45[%swap3A_46, %swap3A_47] {strides = array<i32>} : memref<128x64xf32, #tpu.memory_space<vmem>>, vector<1x16xf32>,
      %swap3A_49 = vector.shape_cast %swap3A_48 : vector<1x16xf32> to vector<16xf32>
      %swap3A_50 = vector.shape_cast %broadcast_in_dim3A_1 : vector<16xf32> to vector<1x16xf32>
      tpu.vector_store %swap3A_45[%swap3A_46, %swap3A_47], %swap3A_50 {strides = array<i32>} : memref<128x64xf32, #tpu.memory_space<vmem>>, vector<1x16xf32>,
      %swap3A_51 = arith.constant 0 : i32
      %swap3A_52 = arith.constant 0 : i32
      %swap3A_53 = tpu.memref_slice %arg8[%scan3A, %swap3A_51, %swap3A_52] : memref<8x128x64xf32, #tpu.memory_space<vmem>> -> memref<1x128x64xf32, #tpu.memory_space<vmem>>
      %swap3A_54 = tpu.memref_squeeze %swap3A_53 : memref<1x128x64xf32, #tpu.memory_space<vmem>> -> memref<128x64xf32, #tpu.memory_space<vmem>>
      %swap3A_55 = arith.index_cast %add3A_33 : i32 to index
      %swap3A_56 = arith.constant 32 : index
      %swap3A_57 = tpu.vector_load %swap3A_54[%swap3A_55, %swap3A_56] {strides = array<i32>} : memref<128x64xf32, #tpu.memory_space<vmem>>, vector<1x16xf32>,
      %swap3A_58 = vector.shape_cast %swap3A_57 : vector<1x16xf32> to vector<16xf32>
      %swap3A_59 = vector.shape_cast %broadcast_in_dim3A_1 : vector<16xf32> to vector<1x16xf32>
      tpu.vector_store %swap3A_54[%swap3A_55, %swap3A_56], %swap3A_59 {strides = array<i32>} : memref<128x64xf32, #tpu.memory_space<vmem>>, vector<1x16xf32>,
      %swap3A_60 = arith.constant 0 : i32
      %swap3A_61 = arith.constant 0 : i32
      %swap3A_62 = tpu.memref_slice %arg8[%scan3A, %swap3A_60, %swap3A_61] : memref<8x128x64xf32, #tpu.memory_space<vmem>> -> memref<1x128x64xf32, #tpu.memory_space<vmem>>
      %swap3A_63 = tpu.memref_squeeze %swap3A_62 : memref<1x128x64xf32, #tpu.memory_space<vmem>> -> memref<128x64xf32, #tpu.memory_space<vmem>>
      %swap3A_64 = arith.index_cast %add3A_33 : i32 to index
      %swap3A_65 = arith.constant 48 : index
      %swap3A_66 = tpu.vector_load %swap3A_63[%swap3A_64, %swap3A_65] {strides = array<i32>} : memref<128x64xf32, #tpu.memory_space<vmem>>, vector<1x16xf32>,
      %swap3A_67 = vector.shape_cast %swap3A_66 : vector<1x16xf32> to vector<16xf32>
      %swap3A_68 = vector.shape_cast %broadcast_in_dim3A_1 : vector<16xf32> to vector<1x16xf32>
      tpu.vector_store %swap3A_63[%swap3A_64, %swap3A_65], %swap3A_68 {strides = array<i32>} : memref<128x64xf32, #tpu.memory_space<vmem>>, vector<1x16xf32>,
    }
    %scan3A_6 = arith.constant 128 : i32
    %mul3A_7 = arith.constant 632 : i32
    %mul3A_8 = arith.muli %arg1, %mul3A_7 : i32
    %add3A_9 = arith.constant 0 : i32
    %add3A_10 = arith.addi %mul3A_8, %add3A_9 : i32
    %run_scoped3A = arith.constant 0 : i32
    "tpu.region"() ({
      %run_scoped3A_29 = tpu.sem_alloc : memref<!tpu.dma_semaphore, #tpu.memory_space<semaphore_mem>>
      %dma_start3A = arith.constant 0 : i32
      %dma_start3A_30 = arith.constant 0 : i32
      %dma_start3A_31 = tpu.memref_slice %arg8[%run_scoped3A, %dma_start3A, %dma_start3A_30] : memref<8x128x64xf32, #tpu.memory_space<vmem>> -> memref<1x128x64xf32, #tpu.memory_space<vmem>>
      %dma_start3A_32 = tpu.memref_squeeze %dma_start3A_31 : memref<1x128x64xf32, #tpu.memory_space<vmem>> -> memref<128x64xf32, #tpu.memory_space<vmem>>
      %dma_start3A_33 = arith.constant 0 : i32
      %dma_start3A_34 = tpu.memref_slice %arg9[%add3A_10, %dma_start3A_33] : memref<10112x64xf32, #tpu.memory_space<vmem_shared>> -> memref<128x64xf32, #tpu.memory_space<vmem_shared>>
      %dma_start3A_35 = arith.constant 0 : i32
      %dma_start3A_36 = tpu.memref_slice %arg9[%add3A_10, %dma_start3A_35] : memref<10112x64xf32, #tpu.memory_space<vmem_shared>> -> memref<128x64xf32, #tpu.memory_space<vmem_shared>>
      %dma_start3A_37 = arith.constant 0 : i32
      %dma_start3A_38 = arith.constant 0 : i32
      %dma_start3A_39 = tpu.memref_slice %arg8[%run_scoped3A, %dma_start3A_37, %dma_start3A_38] : memref<8x128x64xf32, #tpu.memory_space<vmem>> -> memref<1x128x64xf32, #tpu.memory_space<vmem>>
      %dma_start3A_40 = tpu.memref_squeeze %dma_start3A_39 : memref<1x128x64xf32, #tpu.memory_space<vmem>> -> memref<128x64xf32, #tpu.memory_space<vmem>>
      tpu.enqueue_dma source(%dma_start3A_40 : memref<128x64xf32, #tpu.memory_space<vmem>>) target(%dma_start3A_36 : memref<128x64xf32, #tpu.memory_space<vmem_shared>>) target_semaphore(%run_scoped3A_29 : memref<!tpu.dma_semaphore, #tpu.memory_space<semaphore_mem>>)
      %dma_wait3A = arith.constant 0 : i32
      %dma_wait3A_41 = arith.constant 0 : i32
      %dma_wait3A_42 = tpu.memref_slice %arg8[%run_scoped3A, %dma_wait3A, %dma_wait3A_41] : memref<8x128x64xf32, #tpu.memory_space<vmem>> -> memref<1x128x64xf32, #tpu.memory_space<vmem>>
      %dma_wait3A_43 = tpu.memref_squeeze %dma_wait3A_42 : memref<1x128x64xf32, #tpu.memory_space<vmem>> -> memref<128x64xf32, #tpu.memory_space<vmem>>
      %dma_wait3A_44 = arith.constant 0 : i32
      %dma_wait3A_45 = tpu.memref_slice %arg9[%add3A_10, %dma_wait3A_44] : memref<10112x64xf32, #tpu.memory_space<vmem_shared>> -> memref<128x64xf32, #tpu.memory_space<vmem_shared>>
      %dma_wait3A_46 = arith.constant 0 : i32
      %dma_wait3A_47 = tpu.memref_slice %arg9[%add3A_10, %dma_wait3A_46] : memref<10112x64xf32, #tpu.memory_space<vmem_shared>> -> memref<128x64xf32, #tpu.memory_space<vmem_shared>>
      %dma_wait3A_48 = arith.constant 0 : i32
      %dma_wait3A_49 = arith.constant 0 : i32
      %dma_wait3A_50 = tpu.memref_slice %arg8[%run_scoped3A, %dma_wait3A_48, %dma_wait3A_49] : memref<8x128x64xf32, #tpu.memory_space<vmem>> -> memref<1x128x64xf32, #tpu.memory_space<vmem>>
      %dma_wait3A_51 = tpu.memref_squeeze %dma_wait3A_50 : memref<1x128x64xf32, #tpu.memory_space<vmem>> -> memref<128x64xf32, #tpu.memory_space<vmem>>
      tpu.wait_dma2 semaphore(%run_scoped3A_29 : memref<!tpu.dma_semaphore, #tpu.memory_space<semaphore_mem>>) src(%dma_wait3A_51 : memref<128x64xf32, #tpu.memory_space<vmem>>) dst(%dma_wait3A_47 : memref<128x64xf32, #tpu.memory_space<vmem_shared>>)
      tpu.yield
    }) : () -> ()
    %add3A_11 = arith.constant 128 : i32
    %add3A_12 = arith.addi %mul3A_8, %add3A_11 : i32
    %run_scoped3A_13 = arith.constant 0 : i32
    "tpu.region"() ({
      %run_scoped3A_29 = tpu.sem_alloc : memref<!tpu.dma_semaphore, #tpu.memory_space<semaphore_mem>>
      %dma_start3A = arith.constant 0 : i32
      %dma_start3A_30 = arith.constant 0 : i32
      %dma_start3A_31 = tpu.memref_slice %arg8[%run_scoped3A_13, %dma_start3A, %dma_start3A_30] : memref<8x128x64xf32, #tpu.memory_space<vmem>> -> memref<1x128x64xf32, #tpu.memory_space<vmem>>
      %dma_start3A_32 = tpu.memref_squeeze %dma_start3A_31 : memref<1x128x64xf32, #tpu.memory_space<vmem>> -> memref<128x64xf32, #tpu.memory_space<vmem>>
      %dma_start3A_33 = arith.constant 0 : i32
      %dma_start3A_34 = tpu.memref_slice %arg9[%add3A_12, %dma_start3A_33] : memref<10112x64xf32, #tpu.memory_space<vmem_shared>> -> memref<128x64xf32, #tpu.memory_space<vmem_shared>>
      %dma_start3A_35 = arith.constant 0 : i32
      %dma_start3A_36 = tpu.memref_slice %arg9[%add3A_12, %dma_start3A_35] : memref<10112x64xf32, #tpu.memory_space<vmem_shared>> -> memref<128x64xf32, #tpu.memory_space<vmem_shared>>
      %dma_start3A_37 = arith.constant 0 : i32
      %dma_start3A_38 = arith.constant 0 : i32
      %dma_start3A_39 = tpu.memref_slice %arg8[%run_scoped3A_13, %dma_start3A_37, %dma_start3A_38] : memref<8x128x64xf32, #tpu.memory_space<vmem>> -> memref<1x128x64xf32, #tpu.memory_space<vmem>>
      %dma_start3A_40 = tpu.memref_squeeze %dma_start3A_39 : memref<1x128x64xf32, #tpu.memory_space<vmem>> -> memref<128x64xf32, #tpu.memory_space<vmem>>
      tpu.enqueue_dma source(%dma_start3A_40 : memref<128x64xf32, #tpu.memory_space<vmem>>) target(%dma_start3A_36 : memref<128x64xf32, #tpu.memory_space<vmem_shared>>) target_semaphore(%run_scoped3A_29 : memref<!tpu.dma_semaphore, #tpu.memory_space<semaphore_mem>>)
      %dma_wait3A = arith.constant 0 : i32
      %dma_wait3A_41 = arith.constant 0 : i32
      %dma_wait3A_42 = tpu.memref_slice %arg8[%run_scoped3A_13, %dma_wait3A, %dma_wait3A_41] : memref<8x128x64xf32, #tpu.memory_space<vmem>> -> memref<1x128x64xf32, #tpu.memory_space<vmem>>
      %dma_wait3A_43 = tpu.memref_squeeze %dma_wait3A_42 : memref<1x128x64xf32, #tpu.memory_space<vmem>> -> memref<128x64xf32, #tpu.memory_space<vmem>>
      %dma_wait3A_44 = arith.constant 0 : i32
      %dma_wait3A_45 = tpu.memref_slice %arg9[%add3A_12, %dma_wait3A_44] : memref<10112x64xf32, #tpu.memory_space<vmem_shared>> -> memref<128x64xf32, #tpu.memory_space<vmem_shared>>
      %dma_wait3A_46 = arith.constant 0 : i32
      %dma_wait3A_47 = tpu.memref_slice %arg9[%add3A_12, %dma_wait3A_46] : memref<10112x64xf32, #tpu.memory_space<vmem_shared>> -> memref<128x64xf32, #tpu.memory_space<vmem_shared>>
      %dma_wait3A_48 = arith.constant 0 : i32
      %dma_wait3A_49 = arith.constant 0 : i32
      %dma_wait3A_50 = tpu.memref_slice %arg8[%run_scoped3A_13, %dma_wait3A_48, %dma_wait3A_49] : memref<8x128x64xf32, #tpu.memory_space<vmem>> -> memref<1x128x64xf32, #tpu.memory_space<vmem>>
      %dma_wait3A_51 = tpu.memref_squeeze %dma_wait3A_50 : memref<1x128x64xf32, #tpu.memory_space<vmem>> -> memref<128x64xf32, #tpu.memory_space<vmem>>
      tpu.wait_dma2 semaphore(%run_scoped3A_29 : memref<!tpu.dma_semaphore, #tpu.memory_space<semaphore_mem>>) src(%dma_wait3A_51 : memref<128x64xf32, #tpu.memory_space<vmem>>) dst(%dma_wait3A_47 : memref<128x64xf32, #tpu.memory_space<vmem_shared>>)
      tpu.yield
    }) : () -> ()
    %add3A_14 = arith.constant 256 : i32
    %add3A_15 = arith.addi %mul3A_8, %add3A_14 : i32
    %run_scoped3A_16 = arith.constant 0 : i32
    "tpu.region"() ({
      %run_scoped3A_29 = tpu.sem_alloc : memref<!tpu.dma_semaphore, #tpu.memory_space<semaphore_mem>>
      %dma_start3A = arith.constant 0 : i32
      %dma_start3A_30 = arith.constant 0 : i32
      %dma_start3A_31 = tpu.memref_slice %arg8[%run_scoped3A_16, %dma_start3A, %dma_start3A_30] : memref<8x128x64xf32, #tpu.memory_space<vmem>> -> memref<1x128x64xf32, #tpu.memory_space<vmem>>
      %dma_start3A_32 = tpu.memref_squeeze %dma_start3A_31 : memref<1x128x64xf32, #tpu.memory_space<vmem>> -> memref<128x64xf32, #tpu.memory_space<vmem>>
      %dma_start3A_33 = arith.constant 0 : i32
      %dma_start3A_34 = tpu.memref_slice %arg9[%add3A_15, %dma_start3A_33] : memref<10112x64xf32, #tpu.memory_space<vmem_shared>> -> memref<128x64xf32, #tpu.memory_space<vmem_shared>>
      %dma_start3A_35 = arith.constant 0 : i32
      %dma_start3A_36 = tpu.memref_slice %arg9[%add3A_15, %dma_start3A_35] : memref<10112x64xf32, #tpu.memory_space<vmem_shared>> -> memref<128x64xf32, #tpu.memory_space<vmem_shared>>
      %dma_start3A_37 = arith.constant 0 : i32
      %dma_start3A_38 = arith.constant 0 : i32
      %dma_start3A_39 = tpu.memref_slice %arg8[%run_scoped3A_16, %dma_start3A_37, %dma_start3A_38] : memref<8x128x64xf32, #tpu.memory_space<vmem>> -> memref<1x128x64xf32, #tpu.memory_space<vmem>>
      %dma_start3A_40 = tpu.memref_squeeze %dma_start3A_39 : memref<1x128x64xf32, #tpu.memory_space<vmem>> -> memref<128x64xf32, #tpu.memory_space<vmem>>
      tpu.enqueue_dma source(%dma_start3A_40 : memref<128x64xf32, #tpu.memory_space<vmem>>) target(%dma_start3A_36 : memref<128x64xf32, #tpu.memory_space<vmem_shared>>) target_semaphore(%run_scoped3A_29 : memref<!tpu.dma_semaphore, #tpu.memory_space<semaphore_mem>>)
      %dma_wait3A = arith.constant 0 : i32
      %dma_wait3A_41 = arith.constant 0 : i32
      %dma_wait3A_42 = tpu.memref_slice %arg8[%run_scoped3A_16, %dma_wait3A, %dma_wait3A_41] : memref<8x128x64xf32, #tpu.memory_space<vmem>> -> memref<1x128x64xf32, #tpu.memory_space<vmem>>
      %dma_wait3A_43 = tpu.memref_squeeze %dma_wait3A_42 : memref<1x128x64xf32, #tpu.memory_space<vmem>> -> memref<128x64xf32, #tpu.memory_space<vmem>>
      %dma_wait3A_44 = arith.constant 0 : i32
      %dma_wait3A_45 = tpu.memref_slice %arg9[%add3A_15, %dma_wait3A_44] : memref<10112x64xf32, #tpu.memory_space<vmem_shared>> -> memref<128x64xf32, #tpu.memory_space<vmem_shared>>
      %dma_wait3A_46 = arith.constant 0 : i32
      %dma_wait3A_47 = tpu.memref_slice %arg9[%add3A_15, %dma_wait3A_46] : memref<10112x64xf32, #tpu.memory_space<vmem_shared>> -> memref<128x64xf32, #tpu.memory_space<vmem_shared>>
      %dma_wait3A_48 = arith.constant 0 : i32
      %dma_wait3A_49 = arith.constant 0 : i32
      %dma_wait3A_50 = tpu.memref_slice %arg8[%run_scoped3A_16, %dma_wait3A_48, %dma_wait3A_49] : memref<8x128x64xf32, #tpu.memory_space<vmem>> -> memref<1x128x64xf32, #tpu.memory_space<vmem>>
      %dma_wait3A_51 = tpu.memref_squeeze %dma_wait3A_50 : memref<1x128x64xf32, #tpu.memory_space<vmem>> -> memref<128x64xf32, #tpu.memory_space<vmem>>
      tpu.wait_dma2 semaphore(%run_scoped3A_29 : memref<!tpu.dma_semaphore, #tpu.memory_space<semaphore_mem>>) src(%dma_wait3A_51 : memref<128x64xf32, #tpu.memory_space<vmem>>) dst(%dma_wait3A_47 : memref<128x64xf32, #tpu.memory_space<vmem_shared>>)
      tpu.yield
    }) : () -> ()
    %add3A_17 = arith.constant 384 : i32
    %add3A_18 = arith.addi %mul3A_8, %add3A_17 : i32
    %run_scoped3A_19 = arith.constant 0 : i32
    "tpu.region"() ({
      %run_scoped3A_29 = tpu.sem_alloc : memref<!tpu.dma_semaphore, #tpu.memory_space<semaphore_mem>>
      %dma_start3A = arith.constant 0 : i32
      %dma_start3A_30 = arith.constant 0 : i32
      %dma_start3A_31 = tpu.memref_slice %arg8[%run_scoped3A_19, %dma_start3A, %dma_start3A_30] : memref<8x128x64xf32, #tpu.memory_space<vmem>> -> memref<1x128x64xf32, #tpu.memory_space<vmem>>
      %dma_start3A_32 = tpu.memref_squeeze %dma_start3A_31 : memref<1x128x64xf32, #tpu.memory_space<vmem>> -> memref<128x64xf32, #tpu.memory_space<vmem>>
      %dma_start3A_33 = arith.constant 0 : i32
      %dma_start3A_34 = tpu.memref_slice %arg9[%add3A_18, %dma_start3A_33] : memref<10112x64xf32, #tpu.memory_space<vmem_shared>> -> memref<128x64xf32, #tpu.memory_space<vmem_shared>>
      %dma_start3A_35 = arith.constant 0 : i32
      %dma_start3A_36 = tpu.memref_slice %arg9[%add3A_18, %dma_start3A_35] : memref<10112x64xf32, #tpu.memory_space<vmem_shared>> -> memref<128x64xf32, #tpu.memory_space<vmem_shared>>
      %dma_start3A_37 = arith.constant 0 : i32
      %dma_start3A_38 = arith.constant 0 : i32
      %dma_start3A_39 = tpu.memref_slice %arg8[%run_scoped3A_19, %dma_start3A_37, %dma_start3A_38] : memref<8x128x64xf32, #tpu.memory_space<vmem>> -> memref<1x128x64xf32, #tpu.memory_space<vmem>>
      %dma_start3A_40 = tpu.memref_squeeze %dma_start3A_39 : memref<1x128x64xf32, #tpu.memory_space<vmem>> -> memref<128x64xf32, #tpu.memory_space<vmem>>
      tpu.enqueue_dma source(%dma_start3A_40 : memref<128x64xf32, #tpu.memory_space<vmem>>) target(%dma_start3A_36 : memref<128x64xf32, #tpu.memory_space<vmem_shared>>) target_semaphore(%run_scoped3A_29 : memref<!tpu.dma_semaphore, #tpu.memory_space<semaphore_mem>>)
      %dma_wait3A = arith.constant 0 : i32
      %dma_wait3A_41 = arith.constant 0 : i32
      %dma_wait3A_42 = tpu.memref_slice %arg8[%run_scoped3A_19, %dma_wait3A, %dma_wait3A_41] : memref<8x128x64xf32, #tpu.memory_space<vmem>> -> memref<1x128x64xf32, #tpu.memory_space<vmem>>
      %dma_wait3A_43 = tpu.memref_squeeze %dma_wait3A_42 : memref<1x128x64xf32, #tpu.memory_space<vmem>> -> memref<128x64xf32, #tpu.memory_space<vmem>>
      %dma_wait3A_44 = arith.constant 0 : i32
      %dma_wait3A_45 = tpu.memref_slice %arg9[%add3A_18, %dma_wait3A_44] : memref<10112x64xf32, #tpu.memory_space<vmem_shared>> -> memref<128x64xf32, #tpu.memory_space<vmem_shared>>
      %dma_wait3A_46 = arith.constant 0 : i32
      %dma_wait3A_47 = tpu.memref_slice %arg9[%add3A_18, %dma_wait3A_46] : memref<10112x64xf32, #tpu.memory_space<vmem_shared>> -> memref<128x64xf32, #tpu.memory_space<vmem_shared>>
      %dma_wait3A_48 = arith.constant 0 : i32
      %dma_wait3A_49 = arith.constant 0 : i32
      %dma_wait3A_50 = tpu.memref_slice %arg8[%run_scoped3A_19, %dma_wait3A_48, %dma_wait3A_49] : memref<8x128x64xf32, #tpu.memory_space<vmem>> -> memref<1x128x64xf32, #tpu.memory_space<vmem>>
      %dma_wait3A_51 = tpu.memref_squeeze %dma_wait3A_50 : memref<1x128x64xf32, #tpu.memory_space<vmem>> -> memref<128x64xf32, #tpu.memory_space<vmem>>
      tpu.wait_dma2 semaphore(%run_scoped3A_29 : memref<!tpu.dma_semaphore, #tpu.memory_space<semaphore_mem>>) src(%dma_wait3A_51 : memref<128x64xf32, #tpu.memory_space<vmem>>) dst(%dma_wait3A_47 : memref<128x64xf32, #tpu.memory_space<vmem_shared>>)
      tpu.yield
    }) : () -> ()
    %add3A_20 = arith.constant 512 : i32
    %add3A_21 = arith.addi %mul3A_8, %add3A_20 : i32
    %run_scoped3A_22 = arith.constant 0 : i32
    "tpu.region"() ({
      %run_scoped3A_29 = tpu.sem_alloc : memref<!tpu.dma_semaphore, #tpu.memory_space<semaphore_mem>>
      %dma_start3A = arith.constant 0 : i32
      %dma_start3A_30 = arith.constant 0 : i32
      %dma_start3A_31 = tpu.memref_slice %arg8[%run_scoped3A_22, %dma_start3A, %dma_start3A_30] : memref<8x128x64xf32, #tpu.memory_space<vmem>> -> memref<1x128x64xf32, #tpu.memory_space<vmem>>
      %dma_start3A_32 = tpu.memref_squeeze %dma_start3A_31 : memref<1x128x64xf32, #tpu.memory_space<vmem>> -> memref<128x64xf32, #tpu.memory_space<vmem>>
      %dma_start3A_33 = arith.constant 0 : i32
      %dma_start3A_34 = arith.constant 0 : i32
      %dma_start3A_35 = tpu.memref_slice %dma_start3A_32[%dma_start3A_33, %dma_start3A_34] : memref<128x64xf32, #tpu.memory_space<vmem>> -> memref<120x64xf32, #tpu.memory_space<vmem>>
      %dma_start3A_36 = arith.constant 0 : i32
      %dma_start3A_37 = tpu.memref_slice %arg9[%add3A_21, %dma_start3A_36] : memref<10112x64xf32, #tpu.memory_space<vmem_shared>> -> memref<120x64xf32, #tpu.memory_space<vmem_shared>>
      %dma_start3A_38 = arith.constant 0 : i32
      %dma_start3A_39 = tpu.memref_slice %arg9[%add3A_21, %dma_start3A_38] : memref<10112x64xf32, #tpu.memory_space<vmem_shared>> -> memref<120x64xf32, #tpu.memory_space<vmem_shared>>
      %dma_start3A_40 = arith.constant 0 : i32
      %dma_start3A_41 = arith.constant 0 : i32
      %dma_start3A_42 = tpu.memref_slice %arg8[%run_scoped3A_22, %dma_start3A_40, %dma_start3A_41] : memref<8x128x64xf32, #tpu.memory_space<vmem>> -> memref<1x128x64xf32, #tpu.memory_space<vmem>>
      %dma_start3A_43 = tpu.memref_squeeze %dma_start3A_42 : memref<1x128x64xf32, #tpu.memory_space<vmem>> -> memref<128x64xf32, #tpu.memory_space<vmem>>
      %dma_start3A_44 = arith.constant 0 : i32
      %dma_start3A_45 = arith.constant 0 : i32
      %dma_start3A_46 = tpu.memref_slice %dma_start3A_43[%dma_start3A_44, %dma_start3A_45] : memref<128x64xf32, #tpu.memory_space<vmem>> -> memref<120x64xf32, #tpu.memory_space<vmem>>
      tpu.enqueue_dma source(%dma_start3A_46 : memref<120x64xf32, #tpu.memory_space<vmem>>) target(%dma_start3A_39 : memref<120x64xf32, #tpu.memory_space<vmem_shared>>) target_semaphore(%run_scoped3A_29 : memref<!tpu.dma_semaphore, #tpu.memory_space<semaphore_mem>>)
      %dma_wait3A = arith.constant 0 : i32
      %dma_wait3A_47 = arith.constant 0 : i32
      %dma_wait3A_48 = tpu.memref_slice %arg8[%run_scoped3A_22, %dma_wait3A, %dma_wait3A_47] : memref<8x128x64xf32, #tpu.memory_space<vmem>> -> memref<1x128x64xf32, #tpu.memory_space<vmem>>
      %dma_wait3A_49 = tpu.memref_squeeze %dma_wait3A_48 : memref<1x128x64xf32, #tpu.memory_space<vmem>> -> memref<128x64xf32, #tpu.memory_space<vmem>>
      %dma_wait3A_50 = arith.constant 0 : i32
      %dma_wait3A_51 = arith.constant 0 : i32
      %dma_wait3A_52 = tpu.memref_slice %dma_wait3A_49[%dma_wait3A_50, %dma_wait3A_51] : memref<128x64xf32, #tpu.memory_space<vmem>> -> memref<120x64xf32, #tpu.memory_space<vmem>>
      %dma_wait3A_53 = arith.constant 0 : i32
      %dma_wait3A_54 = tpu.memref_slice %arg9[%add3A_21, %dma_wait3A_53] : memref<10112x64xf32, #tpu.memory_space<vmem_shared>> -> memref<120x64xf32, #tpu.memory_space<vmem_shared>>
      %dma_wait3A_55 = arith.constant 0 : i32
      %dma_wait3A_56 = tpu.memref_slice %arg9[%add3A_21, %dma_wait3A_55] : memref<10112x64xf32, #tpu.memory_space<vmem_shared>> -> memref<120x64xf32, #tpu.memory_space<vmem_shared>>
      %dma_wait3A_57 = arith.constant 0 : i32
      %dma_wait3A_58 = arith.constant 0 : i32
      %dma_wait3A_59 = tpu.memref_slice %arg8[%run_scoped3A_22, %dma_wait3A_57, %dma_wait3A_58] : memref<8x128x64xf32, #tpu.memory_space<vmem>> -> memref<1x128x64xf32, #tpu.memory_space<vmem>>
      %dma_wait3A_60 = tpu.memref_squeeze %dma_wait3A_59 : memref<1x128x64xf32, #tpu.memory_space<vmem>> -> memref<128x64xf32, #tpu.memory_space<vmem>>
      %dma_wait3A_61 = arith.constant 0 : i32
      %dma_wait3A_62 = arith.constant 0 : i32
      %dma_wait3A_63 = tpu.memref_slice %dma_wait3A_60[%dma_wait3A_61, %dma_wait3A_62] : memref<128x64xf32, #tpu.memory_space<vmem>> -> memref<120x64xf32, #tpu.memory_space<vmem>>
      tpu.wait_dma2 semaphore(%run_scoped3A_29 : memref<!tpu.dma_semaphore, #tpu.memory_space<semaphore_mem>>) src(%dma_wait3A_63 : memref<120x64xf32, #tpu.memory_space<vmem>>) dst(%dma_wait3A_56 : memref<120x64xf32, #tpu.memory_space<vmem_shared>>)
      tpu.yield
    }) : () -> ()
    %barrier3A = arith.constant 0 : index
    tpu.barrier barrier_id(%barrier3A)
    %scan3A_23 = arith.constant 0 : i32
    %scan3A_24 = arith.constant 10 : i32
    %scan3A_25 = arith.addi %scan3A_23, %scan3A_24 : i32
    %scan3A_26 = arith.constant 1 : i32
    scf.for %scan3A_29 = %scan3A_23 to %scan3A_25 step %scan3A_26  : i32 {
      %mul3A_30 = arith.constant 1 : i32
      %mul3A_31 = arith.muli %scan3A_29, %mul3A_30 : i32
      %add3A_32 = arith.constant 0 : i32
      %add3A_33 = arith.addi %add3A_32, %mul3A_31 : i32
      %mul3A_34 = arith.constant 8 : i32
      %mul3A_35 = arith.muli %mul3A_34, %add3A_33 : i32
      %add3A_36 = arith.constant 0 : i32
      %add3A_37 = arith.addi %mul3A_35, %add3A_36 : i32
      %dma_start3A = arith.constant 0 : i32
      %dma_start3A_38 = arith.constant 0 : i32
      %dma_start3A_39 = arith.constant 0 : i32
      %dma_start3A_40 = arith.constant 0 : i32
      %dma_start3A_41 = tpu.memref_slice %arg8[%dma_start3A, %dma_start3A_39, %dma_start3A_40] : memref<8x128x64xf32, #tpu.memory_space<vmem>> -> memref<1x128x64xf32, #tpu.memory_space<vmem>>
      %dma_start3A_42 = tpu.memref_squeeze %dma_start3A_41 : memref<1x128x64xf32, #tpu.memory_space<vmem>> -> memref<128x64xf32, #tpu.memory_space<vmem>>
      %dma_start3A_43 = arith.constant 0 : i32
      %dma_start3A_44 = tpu.memref_slice %arg6[%add3A_37, %dma_start3A_43] : memref<80x128xi32, #tpu.memory_space<vmem>> -> memref<1x128xi32, #tpu.memory_space<vmem>>
      %dma_start3A_45 = tpu.memref_squeeze %dma_start3A_44 : memref<1x128xi32, #tpu.memory_space<vmem>> -> memref<128xi32, #tpu.memory_space<vmem>>
      %dma_start3A_46 = arith.constant 0 : i32
      %dma_start3A_47 = arith.constant 0 : i32
      %dma_start3A_48 = tpu.memref_slice %arg2[%dma_start3A_46, %dma_start3A_47] : memref<10112x64xf32, #tpu.memory_space<hbm>> -> memref<10112x64xf32, #tpu.memory_space<hbm>>
      %dma_start3A_49 = tpu.memref_slice %arg10[%dma_start3A_38] : memref<8x!tpu.dma_semaphore, #tpu.memory_space<semaphore_mem>> -> memref<1x!tpu.dma_semaphore, #tpu.memory_space<semaphore_mem>>
      %dma_start3A_50 = tpu.memref_squeeze %dma_start3A_49 : memref<1x!tpu.dma_semaphore, #tpu.memory_space<semaphore_mem>> -> memref<!tpu.dma_semaphore, #tpu.memory_space<semaphore_mem>>
      tpu.enqueue_indirect_dma source(%dma_start3A_48 : memref<10112x64xf32, #tpu.memory_space<hbm>>) target(%dma_start3A_42 : memref<128x64xf32, #tpu.memory_space<vmem>>) offsets(%dma_start3A_45 : memref<128xi32, #tpu.memory_space<vmem>>) semaphore(%dma_start3A_50 : memref<!tpu.dma_semaphore, #tpu.memory_space<semaphore_mem>>)
      %add3A_51 = arith.constant 1 : i32
      %add3A_52 = arith.addi %mul3A_35, %add3A_51 : i32
      %dma_start3A_53 = arith.constant 1 : i32
      %dma_start3A_54 = arith.constant 1 : i32
      %dma_start3A_55 = arith.constant 0 : i32
      %dma_start3A_56 = arith.constant 0 : i32
      %dma_start3A_57 = tpu.memref_slice %arg8[%dma_start3A_53, %dma_start3A_55, %dma_start3A_56] : memref<8x128x64xf32, #tpu.memory_space<vmem>> -> memref<1x128x64xf32, #tpu.memory_space<vmem>>
      %dma_start3A_58 = tpu.memref_squeeze %dma_start3A_57 : memref<1x128x64xf32, #tpu.memory_space<vmem>> -> memref<128x64xf32, #tpu.memory_space<vmem>>
      %dma_start3A_59 = arith.constant 0 : i32
      %dma_start3A_60 = tpu.memref_slice %arg6[%add3A_52, %dma_start3A_59] : memref<80x128xi32, #tpu.memory_space<vmem>> -> memref<1x128xi32, #tpu.memory_space<vmem>>
      %dma_start3A_61 = tpu.memref_squeeze %dma_start3A_60 : memref<1x128xi32, #tpu.memory_space<vmem>> -> memref<128xi32, #tpu.memory_space<vmem>>
      %dma_start3A_62 = arith.constant 0 : i32
      %dma_start3A_63 = arith.constant 0 : i32
      %dma_start3A_64 = tpu.memref_slice %arg2[%dma_start3A_62, %dma_start3A_63] : memref<10112x64xf32, #tpu.memory_space<hbm>> -> memref<10112x64xf32, #tpu.memory_space<hbm>>
      %dma_start3A_65 = tpu.memref_slice %arg10[%dma_start3A_54] : memref<8x!tpu.dma_semaphore, #tpu.memory_space<semaphore_mem>> -> memref<1x!tpu.dma_semaphore, #tpu.memory_space<semaphore_mem>>
      %dma_start3A_66 = tpu.memref_squeeze %dma_start3A_65 : memref<1x!tpu.dma_semaphore, #tpu.memory_space<semaphore_mem>> -> memref<!tpu.dma_semaphore, #tpu.memory_space<semaphore_mem>>
      tpu.enqueue_indirect_dma source(%dma_start3A_64 : memref<10112x64xf32, #tpu.memory_space<hbm>>) target(%dma_start3A_58 : memref<128x64xf32, #tpu.memory_space<vmem>>) offsets(%dma_start3A_61 : memref<128xi32, #tpu.memory_space<vmem>>) semaphore(%dma_start3A_66 : memref<!tpu.dma_semaphore, #tpu.memory_space<semaphore_mem>>)
      %add3A_67 = arith.constant 2 : i32
      %add3A_68 = arith.addi %mul3A_35, %add3A_67 : i32
      %dma_start3A_69 = arith.constant 2 : i32
      %dma_start3A_70 = arith.constant 2 : i32
      %dma_start3A_71 = arith.constant 0 : i32
      %dma_start3A_72 = arith.constant 0 : i32
      %dma_start3A_73 = tpu.memref_slice %arg8[%dma_start3A_69, %dma_start3A_71, %dma_start3A_72] : memref<8x128x64xf32, #tpu.memory_space<vmem>> -> memref<1x128x64xf32, #tpu.memory_space<vmem>>
      %dma_start3A_74 = tpu.memref_squeeze %dma_start3A_73 : memref<1x128x64xf32, #tpu.memory_space<vmem>> -> memref<128x64xf32, #tpu.memory_space<vmem>>
      %dma_start3A_75 = arith.constant 0 : i32
      %dma_start3A_76 = tpu.memref_slice %arg6[%add3A_68, %dma_start3A_75] : memref<80x128xi32, #tpu.memory_space<vmem>> -> memref<1x128xi32, #tpu.memory_space<vmem>>
      %dma_start3A_77 = tpu.memref_squeeze %dma_start3A_76 : memref<1x128xi32, #tpu.memory_space<vmem>> -> memref<128xi32, #tpu.memory_space<vmem>>
      %dma_start3A_78 = arith.constant 0 : i32
      %dma_start3A_79 = arith.constant 0 : i32
      %dma_start3A_80 = tpu.memref_slice %arg2[%dma_start3A_78, %dma_start3A_79] : memref<10112x64xf32, #tpu.memory_space<hbm>> -> memref<10112x64xf32, #tpu.memory_space<hbm>>
      %dma_start3A_81 = tpu.memref_slice %arg10[%dma_start3A_70] : memref<8x!tpu.dma_semaphore, #tpu.memory_space<semaphore_mem>> -> memref<1x!tpu.dma_semaphore, #tpu.memory_space<semaphore_mem>>
      %dma_start3A_82 = tpu.memref_squeeze %dma_start3A_81 : memref<1x!tpu.dma_semaphore, #tpu.memory_space<semaphore_mem>> -> memref<!tpu.dma_semaphore, #tpu.memory_space<semaphore_mem>>
      tpu.enqueue_indirect_dma source(%dma_start3A_80 : memref<10112x64xf32, #tpu.memory_space<hbm>>) target(%dma_start3A_74 : memref<128x64xf32, #tpu.memory_space<vmem>>) offsets(%dma_start3A_77 : memref<128xi32, #tpu.memory_space<vmem>>) semaphore(%dma_start3A_82 : memref<!tpu.dma_semaphore, #tpu.memory_space<semaphore_mem>>)
      %add3A_83 = arith.constant 3 : i32
      %add3A_84 = arith.addi %mul3A_35, %add3A_83 : i32
      %dma_start3A_85 = arith.constant 3 : i32
      %dma_start3A_86 = arith.constant 3 : i32
      %dma_start3A_87 = arith.constant 0 : i32
      %dma_start3A_88 = arith.constant 0 : i32
      %dma_start3A_89 = tpu.memref_slice %arg8[%dma_start3A_85, %dma_start3A_87, %dma_start3A_88] : memref<8x128x64xf32, #tpu.memory_space<vmem>> -> memref<1x128x64xf32, #tpu.memory_space<vmem>>
      %dma_start3A_90 = tpu.memref_squeeze %dma_start3A_89 : memref<1x128x64xf32, #tpu.memory_space<vmem>> -> memref<128x64xf32, #tpu.memory_space<vmem>>
      %dma_start3A_91 = arith.constant 0 : i32
      %dma_start3A_92 = tpu.memref_slice %arg6[%add3A_84, %dma_start3A_91] : memref<80x128xi32, #tpu.memory_space<vmem>> -> memref<1x128xi32, #tpu.memory_space<vmem>>
      %dma_start3A_93 = tpu.memref_squeeze %dma_start3A_92 : memref<1x128xi32, #tpu.memory_space<vmem>> -> memref<128xi32, #tpu.memory_space<vmem>>
      %dma_start3A_94 = arith.constant 0 : i32
      %dma_start3A_95 = arith.constant 0 : i32
      %dma_start3A_96 = tpu.memref_slice %arg2[%dma_start3A_94, %dma_start3A_95] : memref<10112x64xf32, #tpu.memory_space<hbm>> -> memref<10112x64xf32, #tpu.memory_space<hbm>>
      %dma_start3A_97 = tpu.memref_slice %arg10[%dma_start3A_86] : memref<8x!tpu.dma_semaphore, #tpu.memory_space<semaphore_mem>> -> memref<1x!tpu.dma_semaphore, #tpu.memory_space<semaphore_mem>>
      %dma_start3A_98 = tpu.memref_squeeze %dma_start3A_97 : memref<1x!tpu.dma_semaphore, #tpu.memory_space<semaphore_mem>> -> memref<!tpu.dma_semaphore, #tpu.memory_space<semaphore_mem>>
      tpu.enqueue_indirect_dma source(%dma_start3A_96 : memref<10112x64xf32, #tpu.memory_space<hbm>>) target(%dma_start3A_90 : memref<128x64xf32, #tpu.memory_space<vmem>>) offsets(%dma_start3A_93 : memref<128xi32, #tpu.memory_space<vmem>>) semaphore(%dma_start3A_98 : memref<!tpu.dma_semaphore, #tpu.memory_space<semaphore_mem>>)
      %add3A_99 = arith.constant 4 : i32
      %add3A_100 = arith.addi %mul3A_35, %add3A_99 : i32
      %dma_start3A_101 = arith.constant 4 : i32
      %dma_start3A_102 = arith.constant 4 : i32
      %dma_start3A_103 = arith.constant 0 : i32
      %dma_start3A_104 = arith.constant 0 : i32
      %dma_start3A_105 = tpu.memref_slice %arg8[%dma_start3A_101, %dma_start3A_103, %dma_start3A_104] : memref<8x128x64xf32, #tpu.memory_space<vmem>> -> memref<1x128x64xf32, #tpu.memory_space<vmem>>
      %dma_start3A_106 = tpu.memref_squeeze %dma_start3A_105 : memref<1x128x64xf32, #tpu.memory_space<vmem>> -> memref<128x64xf32, #tpu.memory_space<vmem>>
      %dma_start3A_107 = arith.constant 0 : i32
      %dma_start3A_108 = tpu.memref_slice %arg6[%add3A_100, %dma_start3A_107] : memref<80x128xi32, #tpu.memory_space<vmem>> -> memref<1x128xi32, #tpu.memory_space<vmem>>
      %dma_start3A_109 = tpu.memref_squeeze %dma_start3A_108 : memref<1x128xi32, #tpu.memory_space<vmem>> -> memref<128xi32, #tpu.memory_space<vmem>>
      %dma_start3A_110 = arith.constant 0 : i32
      %dma_start3A_111 = arith.constant 0 : i32
      %dma_start3A_112 = tpu.memref_slice %arg2[%dma_start3A_110, %dma_start3A_111] : memref<10112x64xf32, #tpu.memory_space<hbm>> -> memref<10112x64xf32, #tpu.memory_space<hbm>>
      %dma_start3A_113 = tpu.memref_slice %arg10[%dma_start3A_102] : memref<8x!tpu.dma_semaphore, #tpu.memory_space<semaphore_mem>> -> memref<1x!tpu.dma_semaphore, #tpu.memory_space<semaphore_mem>>
      %dma_start3A_114 = tpu.memref_squeeze %dma_start3A_113 : memref<1x!tpu.dma_semaphore, #tpu.memory_space<semaphore_mem>> -> memref<!tpu.dma_semaphore, #tpu.memory_space<semaphore_mem>>
      tpu.enqueue_indirect_dma source(%dma_start3A_112 : memref<10112x64xf32, #tpu.memory_space<hbm>>) target(%dma_start3A_106 : memref<128x64xf32, #tpu.memory_space<vmem>>) offsets(%dma_start3A_109 : memref<128xi32, #tpu.memory_space<vmem>>) semaphore(%dma_start3A_114 : memref<!tpu.dma_semaphore, #tpu.memory_space<semaphore_mem>>)
      %add3A_115 = arith.constant 5 : i32
      %add3A_116 = arith.addi %mul3A_35, %add3A_115 : i32
      %dma_start3A_117 = arith.constant 5 : i32
      %dma_start3A_118 = arith.constant 5 : i32
      %dma_start3A_119 = arith.constant 0 : i32
      %dma_start3A_120 = arith.constant 0 : i32
      %dma_start3A_121 = tpu.memref_slice %arg8[%dma_start3A_117, %dma_start3A_119, %dma_start3A_120] : memref<8x128x64xf32, #tpu.memory_space<vmem>> -> memref<1x128x64xf32, #tpu.memory_space<vmem>>
      %dma_start3A_122 = tpu.memref_squeeze %dma_start3A_121 : memref<1x128x64xf32, #tpu.memory_space<vmem>> -> memref<128x64xf32, #tpu.memory_space<vmem>>
      %dma_start3A_123 = arith.constant 0 : i32
      %dma_start3A_124 = tpu.memref_slice %arg6[%add3A_116, %dma_start3A_123] : memref<80x128xi32, #tpu.memory_space<vmem>> -> memref<1x128xi32, #tpu.memory_space<vmem>>
      %dma_start3A_125 = tpu.memref_squeeze %dma_start3A_124 : memref<1x128xi32, #tpu.memory_space<vmem>> -> memref<128xi32, #tpu.memory_space<vmem>>
      %dma_start3A_126 = arith.constant 0 : i32
      %dma_start3A_127 = arith.constant 0 : i32
      %dma_start3A_128 = tpu.memref_slice %arg2[%dma_start3A_126, %dma_start3A_127] : memref<10112x64xf32, #tpu.memory_space<hbm>> -> memref<10112x64xf32, #tpu.memory_space<hbm>>
      %dma_start3A_129 = tpu.memref_slice %arg10[%dma_start3A_118] : memref<8x!tpu.dma_semaphore, #tpu.memory_space<semaphore_mem>> -> memref<1x!tpu.dma_semaphore, #tpu.memory_space<semaphore_mem>>
      %dma_start3A_130 = tpu.memref_squeeze %dma_start3A_129 : memref<1x!tpu.dma_semaphore, #tpu.memory_space<semaphore_mem>> -> memref<!tpu.dma_semaphore, #tpu.memory_space<semaphore_mem>>
      tpu.enqueue_indirect_dma source(%dma_start3A_128 : memref<10112x64xf32, #tpu.memory_space<hbm>>) target(%dma_start3A_122 : memref<128x64xf32, #tpu.memory_space<vmem>>) offsets(%dma_start3A_125 : memref<128xi32, #tpu.memory_space<vmem>>) semaphore(%dma_start3A_130 : memref<!tpu.dma_semaphore, #tpu.memory_space<semaphore_mem>>)
      %add3A_131 = arith.constant 6 : i32
      %add3A_132 = arith.addi %mul3A_35, %add3A_131 : i32
      %dma_start3A_133 = arith.constant 6 : i32
      %dma_start3A_134 = arith.constant 6 : i32
      %dma_start3A_135 = arith.constant 0 : i32
      %dma_start3A_136 = arith.constant 0 : i32
      %dma_start3A_137 = tpu.memref_slice %arg8[%dma_start3A_133, %dma_start3A_135, %dma_start3A_136] : memref<8x128x64xf32, #tpu.memory_space<vmem>> -> memref<1x128x64xf32, #tpu.memory_space<vmem>>
      %dma_start3A_138 = tpu.memref_squeeze %dma_start3A_137 : memref<1x128x64xf32, #tpu.memory_space<vmem>> -> memref<128x64xf32, #tpu.memory_space<vmem>>
      %dma_start3A_139 = arith.constant 0 : i32
      %dma_start3A_140 = tpu.memref_slice %arg6[%add3A_132, %dma_start3A_139] : memref<80x128xi32, #tpu.memory_space<vmem>> -> memref<1x128xi32, #tpu.memory_space<vmem>>
      %dma_start3A_141 = tpu.memref_squeeze %dma_start3A_140 : memref<1x128xi32, #tpu.memory_space<vmem>> -> memref<128xi32, #tpu.memory_space<vmem>>
      %dma_start3A_142 = arith.constant 0 : i32
      %dma_start3A_143 = arith.constant 0 : i32
      %dma_start3A_144 = tpu.memref_slice %arg2[%dma_start3A_142, %dma_start3A_143] : memref<10112x64xf32, #tpu.memory_space<hbm>> -> memref<10112x64xf32, #tpu.memory_space<hbm>>
      %dma_start3A_145 = tpu.memref_slice %arg10[%dma_start3A_134] : memref<8x!tpu.dma_semaphore, #tpu.memory_space<semaphore_mem>> -> memref<1x!tpu.dma_semaphore, #tpu.memory_space<semaphore_mem>>
      %dma_start3A_146 = tpu.memref_squeeze %dma_start3A_145 : memref<1x!tpu.dma_semaphore, #tpu.memory_space<semaphore_mem>> -> memref<!tpu.dma_semaphore, #tpu.memory_space<semaphore_mem>>
      tpu.enqueue_indirect_dma source(%dma_start3A_144 : memref<10112x64xf32, #tpu.memory_space<hbm>>) target(%dma_start3A_138 : memref<128x64xf32, #tpu.memory_space<vmem>>) offsets(%dma_start3A_141 : memref<128xi32, #tpu.memory_space<vmem>>) semaphore(%dma_start3A_146 : memref<!tpu.dma_semaphore, #tpu.memory_space<semaphore_mem>>)
      %add3A_147 = arith.constant 7 : i32
      %add3A_148 = arith.addi %mul3A_35, %add3A_147 : i32
      %dma_start3A_149 = arith.constant 7 : i32
      %dma_start3A_150 = arith.constant 7 : i32
      %dma_start3A_151 = arith.constant 0 : i32
      %dma_start3A_152 = arith.constant 0 : i32
      %dma_start3A_153 = tpu.memref_slice %arg8[%dma_start3A_149, %dma_start3A_151, %dma_start3A_152] : memref<8x128x64xf32, #tpu.memory_space<vmem>> -> memref<1x128x64xf32, #tpu.memory_space<vmem>>
      %dma_start3A_154 = tpu.memref_squeeze %dma_start3A_153 : memref<1x128x64xf32, #tpu.memory_space<vmem>> -> memref<128x64xf32, #tpu.memory_space<vmem>>
      %dma_start3A_155 = arith.constant 0 : i32
      %dma_start3A_156 = tpu.memref_slice %arg6[%add3A_148, %dma_start3A_155] : memref<80x128xi32, #tpu.memory_space<vmem>> -> memref<1x128xi32, #tpu.memory_space<vmem>>
      %dma_start3A_157 = tpu.memref_squeeze %dma_start3A_156 : memref<1x128xi32, #tpu.memory_space<vmem>> -> memref<128xi32, #tpu.memory_space<vmem>>
      %dma_start3A_158 = arith.constant 0 : i32
      %dma_start3A_159 = arith.constant 0 : i32
      %dma_start3A_160 = tpu.memref_slice %arg2[%dma_start3A_158, %dma_start3A_159] : memref<10112x64xf32, #tpu.memory_space<hbm>> -> memref<10112x64xf32, #tpu.memory_space<hbm>>
      %dma_start3A_161 = tpu.memref_slice %arg10[%dma_start3A_150] : memref<8x!tpu.dma_semaphore, #tpu.memory_space<semaphore_mem>> -> memref<1x!tpu.dma_semaphore, #tpu.memory_space<semaphore_mem>>
      %dma_start3A_162 = tpu.memref_squeeze %dma_start3A_161 : memref<1x!tpu.dma_semaphore, #tpu.memory_space<semaphore_mem>> -> memref<!tpu.dma_semaphore, #tpu.memory_space<semaphore_mem>>
      tpu.enqueue_indirect_dma source(%dma_start3A_160 : memref<10112x64xf32, #tpu.memory_space<hbm>>) target(%dma_start3A_154 : memref<128x64xf32, #tpu.memory_space<vmem>>) offsets(%dma_start3A_157 : memref<128xi32, #tpu.memory_space<vmem>>) semaphore(%dma_start3A_162 : memref<!tpu.dma_semaphore, #tpu.memory_space<semaphore_mem>>)
      %dma_wait3A = arith.constant 0 : i32
      %dma_wait3A_163 = arith.constant 0 : i32
      %dma_wait3A_164 = arith.constant 0 : i32
      %dma_wait3A_165 = arith.constant 0 : i32
      %dma_wait3A_166 = tpu.memref_slice %arg8[%dma_wait3A, %dma_wait3A_164, %dma_wait3A_165] : memref<8x128x64xf32, #tpu.memory_space<vmem>> -> memref<1x128x64xf32, #tpu.memory_space<vmem>>
      %dma_wait3A_167 = tpu.memref_squeeze %dma_wait3A_166 : memref<1x128x64xf32, #tpu.memory_space<vmem>> -> memref<128x64xf32, #tpu.memory_space<vmem>>
      %dma_wait3A_168 = arith.constant 0 : i32
      %dma_wait3A_169 = tpu.memref_slice %arg6[%add3A_37, %dma_wait3A_168] : memref<80x128xi32, #tpu.memory_space<vmem>> -> memref<1x128xi32, #tpu.memory_space<vmem>>
      %dma_wait3A_170 = tpu.memref_squeeze %dma_wait3A_169 : memref<1x128xi32, #tpu.memory_space<vmem>> -> memref<128xi32, #tpu.memory_space<vmem>>
      %dma_wait3A_171 = arith.constant 0 : i32
      %dma_wait3A_172 = arith.constant 0 : i32
      %dma_wait3A_173 = tpu.memref_slice %arg2[%dma_wait3A_171, %dma_wait3A_172] : memref<10112x64xf32, #tpu.memory_space<hbm>> -> memref<10112x64xf32, #tpu.memory_space<hbm>>
      %dma_wait3A_174 = tpu.memref_slice %arg10[%dma_wait3A_163] : memref<8x!tpu.dma_semaphore, #tpu.memory_space<semaphore_mem>> -> memref<1x!tpu.dma_semaphore, #tpu.memory_space<semaphore_mem>>
      %dma_wait3A_175 = tpu.memref_squeeze %dma_wait3A_174 : memref<1x!tpu.dma_semaphore, #tpu.memory_space<semaphore_mem>> -> memref<!tpu.dma_semaphore, #tpu.memory_space<semaphore_mem>>
      tpu.wait_indirect_dma semaphore(%dma_wait3A_175 : memref<!tpu.dma_semaphore, #tpu.memory_space<semaphore_mem>>) src(%dma_wait3A_173 : memref<10112x64xf32, #tpu.memory_space<hbm>>) dst(%dma_wait3A_167 : memref<128x64xf32, #tpu.memory_space<vmem>>)
      %add3A_176 = arith.constant 0 : i32
      %add3A_177 = arith.addi %mul3A_35, %add3A_176 : i32
      %dma_start3A_178 = arith.constant 0 : i32
      %dma_start3A_179 = arith.constant 0 : i32
      %dma_start3A_180 = arith.constant 0 : i32
      %dma_start3A_181 = arith.constant 0 : i32
      %dma_start3A_182 = tpu.memref_slice %arg8[%dma_start3A_178, %dma_start3A_180, %dma_start3A_181] : memref<8x128x64xf32, #tpu.memory_space<vmem>> -> memref<1x128x64xf32, #tpu.memory_space<vmem>>
      %dma_start3A_183 = tpu.memref_squeeze %dma_start3A_182 : memref<1x128x64xf32, #tpu.memory_space<vmem>> -> memref<128x64xf32, #tpu.memory_space<vmem>>
      %dma_start3A_184 = arith.constant 0 : i32
      %dma_start3A_185 = tpu.memref_slice %arg7[%add3A_177, %dma_start3A_184] : memref<80x128xi32, #tpu.memory_space<vmem>> -> memref<1x128xi32, #tpu.memory_space<vmem>>
      %dma_start3A_186 = tpu.memref_squeeze %dma_start3A_185 : memref<1x128xi32, #tpu.memory_space<vmem>> -> memref<128xi32, #tpu.memory_space<vmem>>
      %dma_start3A_187 = arith.constant 0 : i32
      %dma_start3A_188 = arith.constant 0 : i32
      %dma_start3A_189 = tpu.memref_slice %arg9[%dma_start3A_187, %dma_start3A_188] : memref<10112x64xf32, #tpu.memory_space<vmem_shared>> -> memref<10112x64xf32, #tpu.memory_space<vmem_shared>>
      %dma_start3A_190 = tpu.memref_slice %arg11[%dma_start3A_179] : memref<8x!tpu.dma_semaphore, #tpu.memory_space<semaphore_mem>> -> memref<1x!tpu.dma_semaphore, #tpu.memory_space<semaphore_mem>>
      %dma_start3A_191 = tpu.memref_squeeze %dma_start3A_190 : memref<1x!tpu.dma_semaphore, #tpu.memory_space<semaphore_mem>> -> memref<!tpu.dma_semaphore, #tpu.memory_space<semaphore_mem>>
      tpu.enqueue_indirect_dma source(%dma_start3A_183 : memref<128x64xf32, #tpu.memory_space<vmem>>) target(%dma_start3A_189 : memref<10112x64xf32, #tpu.memory_space<vmem_shared>>) offsets(%dma_start3A_186 : memref<128xi32, #tpu.memory_space<vmem>>) semaphore(%dma_start3A_191 : memref<!tpu.dma_semaphore, #tpu.memory_space<semaphore_mem>>) {add = true}
      %dma_wait3A_192 = arith.constant 1 : i32
      %dma_wait3A_193 = arith.constant 1 : i32
      %dma_wait3A_194 = arith.constant 0 : i32
      %dma_wait3A_195 = arith.constant 0 : i32
      %dma_wait3A_196 = tpu.memref_slice %arg8[%dma_wait3A_192, %dma_wait3A_194, %dma_wait3A_195] : memref<8x128x64xf32, #tpu.memory_space<vmem>> -> memref<1x128x64xf32, #tpu.memory_space<vmem>>
      %dma_wait3A_197 = tpu.memref_squeeze %dma_wait3A_196 : memref<1x128x64xf32, #tpu.memory_space<vmem>> -> memref<128x64xf32, #tpu.memory_space<vmem>>
      %dma_wait3A_198 = arith.constant 0 : i32
      %dma_wait3A_199 = tpu.memref_slice %arg6[%add3A_52, %dma_wait3A_198] : memref<80x128xi32, #tpu.memory_space<vmem>> -> memref<1x128xi32, #tpu.memory_space<vmem>>
      %dma_wait3A_200 = tpu.memref_squeeze %dma_wait3A_199 : memref<1x128xi32, #tpu.memory_space<vmem>> -> memref<128xi32, #tpu.memory_space<vmem>>
      %dma_wait3A_201 = arith.constant 0 : i32
      %dma_wait3A_202 = arith.constant 0 : i32
      %dma_wait3A_203 = tpu.memref_slice %arg2[%dma_wait3A_201, %dma_wait3A_202] : memref<10112x64xf32, #tpu.memory_space<hbm>> -> memref<10112x64xf32, #tpu.memory_space<hbm>>
      %dma_wait3A_204 = tpu.memref_slice %arg10[%dma_wait3A_193] : memref<8x!tpu.dma_semaphore, #tpu.memory_space<semaphore_mem>> -> memref<1x!tpu.dma_semaphore, #tpu.memory_space<semaphore_mem>>
      %dma_wait3A_205 = tpu.memref_squeeze %dma_wait3A_204 : memref<1x!tpu.dma_semaphore, #tpu.memory_space<semaphore_mem>> -> memref<!tpu.dma_semaphore, #tpu.memory_space<semaphore_mem>>
      tpu.wait_indirect_dma semaphore(%dma_wait3A_205 : memref<!tpu.dma_semaphore, #tpu.memory_space<semaphore_mem>>) src(%dma_wait3A_203 : memref<10112x64xf32, #tpu.memory_space<hbm>>) dst(%dma_wait3A_197 : memref<128x64xf32, #tpu.memory_space<vmem>>)
      %add3A_206 = arith.constant 1 : i32
      %add3A_207 = arith.addi %mul3A_35, %add3A_206 : i32
      %dma_start3A_208 = arith.constant 1 : i32
      %dma_start3A_209 = arith.constant 1 : i32
      %dma_start3A_210 = arith.constant 0 : i32
      %dma_start3A_211 = arith.constant 0 : i32
      %dma_start3A_212 = tpu.memref_slice %arg8[%dma_start3A_208, %dma_start3A_210, %dma_start3A_211] : memref<8x128x64xf32, #tpu.memory_space<vmem>> -> memref<1x128x64xf32, #tpu.memory_space<vmem>>
      %dma_start3A_213 = tpu.memref_squeeze %dma_start3A_212 : memref<1x128x64xf32, #tpu.memory_space<vmem>> -> memref<128x64xf32, #tpu.memory_space<vmem>>
      %dma_start3A_214 = arith.constant 0 : i32
      %dma_start3A_215 = tpu.memref_slice %arg7[%add3A_207, %dma_start3A_214] : memref<80x128xi32, #tpu.memory_space<vmem>> -> memref<1x128xi32, #tpu.memory_space<vmem>>
      %dma_start3A_216 = tpu.memref_squeeze %dma_start3A_215 : memref<1x128xi32, #tpu.memory_space<vmem>> -> memref<128xi32, #tpu.memory_space<vmem>>
      %dma_start3A_217 = arith.constant 0 : i32
      %dma_start3A_218 = arith.constant 0 : i32
      %dma_start3A_219 = tpu.memref_slice %arg9[%dma_start3A_217, %dma_start3A_218] : memref<10112x64xf32, #tpu.memory_space<vmem_shared>> -> memref<10112x64xf32, #tpu.memory_space<vmem_shared>>
      %dma_start3A_220 = tpu.memref_slice %arg11[%dma_start3A_209] : memref<8x!tpu.dma_semaphore, #tpu.memory_space<semaphore_mem>> -> memref<1x!tpu.dma_semaphore, #tpu.memory_space<semaphore_mem>>
      %dma_start3A_221 = tpu.memref_squeeze %dma_start3A_220 : memref<1x!tpu.dma_semaphore, #tpu.memory_space<semaphore_mem>> -> memref<!tpu.dma_semaphore, #tpu.memory_space<semaphore_mem>>
      tpu.enqueue_indirect_dma source(%dma_start3A_213 : memref<128x64xf32, #tpu.memory_space<vmem>>) target(%dma_start3A_219 : memref<10112x64xf32, #tpu.memory_space<vmem_shared>>) offsets(%dma_start3A_216 : memref<128xi32, #tpu.memory_space<vmem>>) semaphore(%dma_start3A_221 : memref<!tpu.dma_semaphore, #tpu.memory_space<semaphore_mem>>) {add = true}
      %dma_wait3A_222 = arith.constant 2 : i32
      %dma_wait3A_223 = arith.constant 2 : i32
      %dma_wait3A_224 = arith.constant 0 : i32
      %dma_wait3A_225 = arith.constant 0 : i32
      %dma_wait3A_226 = tpu.memref_slice %arg8[%dma_wait3A_222, %dma_wait3A_224, %dma_wait3A_225] : memref<8x128x64xf32, #tpu.memory_space<vmem>> -> memref<1x128x64xf32, #tpu.memory_space<vmem>>
      %dma_wait3A_227 = tpu.memref_squeeze %dma_wait3A_226 : memref<1x128x64xf32, #tpu.memory_space<vmem>> -> memref<128x64xf32, #tpu.memory_space<vmem>>
      %dma_wait3A_228 = arith.constant 0 : i32
      %dma_wait3A_229 = tpu.memref_slice %arg6[%add3A_68, %dma_wait3A_228] : memref<80x128xi32, #tpu.memory_space<vmem>> -> memref<1x128xi32, #tpu.memory_space<vmem>>
      %dma_wait3A_230 = tpu.memref_squeeze %dma_wait3A_229 : memref<1x128xi32, #tpu.memory_space<vmem>> -> memref<128xi32, #tpu.memory_space<vmem>>
      %dma_wait3A_231 = arith.constant 0 : i32
      %dma_wait3A_232 = arith.constant 0 : i32
      %dma_wait3A_233 = tpu.memref_slice %arg2[%dma_wait3A_231, %dma_wait3A_232] : memref<10112x64xf32, #tpu.memory_space<hbm>> -> memref<10112x64xf32, #tpu.memory_space<hbm>>
      %dma_wait3A_234 = tpu.memref_slice %arg10[%dma_wait3A_223] : memref<8x!tpu.dma_semaphore, #tpu.memory_space<semaphore_mem>> -> memref<1x!tpu.dma_semaphore, #tpu.memory_space<semaphore_mem>>
      %dma_wait3A_235 = tpu.memref_squeeze %dma_wait3A_234 : memref<1x!tpu.dma_semaphore, #tpu.memory_space<semaphore_mem>> -> memref<!tpu.dma_semaphore, #tpu.memory_space<semaphore_mem>>
      tpu.wait_indirect_dma semaphore(%dma_wait3A_235 : memref<!tpu.dma_semaphore, #tpu.memory_space<semaphore_mem>>) src(%dma_wait3A_233 : memref<10112x64xf32, #tpu.memory_space<hbm>>) dst(%dma_wait3A_227 : memref<128x64xf32, #tpu.memory_space<vmem>>)
      %add3A_236 = arith.constant 2 : i32
      %add3A_237 = arith.addi %mul3A_35, %add3A_236 : i32
      %dma_start3A_238 = arith.constant 2 : i32
      %dma_start3A_239 = arith.constant 2 : i32
      %dma_start3A_240 = arith.constant 0 : i32
      %dma_start3A_241 = arith.constant 0 : i32
      %dma_start3A_242 = tpu.memref_slice %arg8[%dma_start3A_238, %dma_start3A_240, %dma_start3A_241] : memref<8x128x64xf32, #tpu.memory_space<vmem>> -> memref<1x128x64xf32, #tpu.memory_space<vmem>>
      %dma_start3A_243 = tpu.memref_squeeze %dma_start3A_242 : memref<1x128x64xf32, #tpu.memory_space<vmem>> -> memref<128x64xf32, #tpu.memory_space<vmem>>
      %dma_start3A_244 = arith.constant 0 : i32
      %dma_start3A_245 = tpu.memref_slice %arg7[%add3A_237, %dma_start3A_244] : memref<80x128xi32, #tpu.memory_space<vmem>> -> memref<1x128xi32, #tpu.memory_space<vmem>>
      %dma_start3A_246 = tpu.memref_squeeze %dma_start3A_245 : memref<1x128xi32, #tpu.memory_space<vmem>> -> memref<128xi32, #tpu.memory_space<vmem>>
      %dma_start3A_247 = arith.constant 0 : i32
      %dma_start3A_248 = arith.constant 0 : i32
      %dma_start3A_249 = tpu.memref_slice %arg9[%dma_start3A_247, %dma_start3A_248] : memref<10112x64xf32, #tpu.memory_space<vmem_shared>> -> memref<10112x64xf32, #tpu.memory_space<vmem_shared>>
      %dma_start3A_250 = tpu.memref_slice %arg11[%dma_start3A_239] : memref<8x!tpu.dma_semaphore, #tpu.memory_space<semaphore_mem>> -> memref<1x!tpu.dma_semaphore, #tpu.memory_space<semaphore_mem>>
      %dma_start3A_251 = tpu.memref_squeeze %dma_start3A_250 : memref<1x!tpu.dma_semaphore, #tpu.memory_space<semaphore_mem>> -> memref<!tpu.dma_semaphore, #tpu.memory_space<semaphore_mem>>
      tpu.enqueue_indirect_dma source(%dma_start3A_243 : memref<128x64xf32, #tpu.memory_space<vmem>>) target(%dma_start3A_249 : memref<10112x64xf32, #tpu.memory_space<vmem_shared>>) offsets(%dma_start3A_246 : memref<128xi32, #tpu.memory_space<vmem>>) semaphore(%dma_start3A_251 : memref<!tpu.dma_semaphore, #tpu.memory_space<semaphore_mem>>) {add = true}
      %dma_wait3A_252 = arith.constant 3 : i32
      %dma_wait3A_253 = arith.constant 3 : i32
      %dma_wait3A_254 = arith.constant 0 : i32
      %dma_wait3A_255 = arith.constant 0 : i32
      %dma_wait3A_256 = tpu.memref_slice %arg8[%dma_wait3A_252, %dma_wait3A_254, %dma_wait3A_255] : memref<8x128x64xf32, #tpu.memory_space<vmem>> -> memref<1x128x64xf32, #tpu.memory_space<vmem>>
      %dma_wait3A_257 = tpu.memref_squeeze %dma_wait3A_256 : memref<1x128x64xf32, #tpu.memory_space<vmem>> -> memref<128x64xf32, #tpu.memory_space<vmem>>
      %dma_wait3A_258 = arith.constant 0 : i32
      %dma_wait3A_259 = tpu.memref_slice %arg6[%add3A_84, %dma_wait3A_258] : memref<80x128xi32, #tpu.memory_space<vmem>> -> memref<1x128xi32, #tpu.memory_space<vmem>>
      %dma_wait3A_260 = tpu.memref_squeeze %dma_wait3A_259 : memref<1x128xi32, #tpu.memory_space<vmem>> -> memref<128xi32, #tpu.memory_space<vmem>>
      %dma_wait3A_261 = arith.constant 0 : i32
      %dma_wait3A_262 = arith.constant 0 : i32
      %dma_wait3A_263 = tpu.memref_slice %arg2[%dma_wait3A_261, %dma_wait3A_262] : memref<10112x64xf32, #tpu.memory_space<hbm>> -> memref<10112x64xf32, #tpu.memory_space<hbm>>
      %dma_wait3A_264 = tpu.memref_slice %arg10[%dma_wait3A_253] : memref<8x!tpu.dma_semaphore, #tpu.memory_space<semaphore_mem>> -> memref<1x!tpu.dma_semaphore, #tpu.memory_space<semaphore_mem>>
      %dma_wait3A_265 = tpu.memref_squeeze %dma_wait3A_264 : memref<1x!tpu.dma_semaphore, #tpu.memory_space<semaphore_mem>> -> memref<!tpu.dma_semaphore, #tpu.memory_space<semaphore_mem>>
      tpu.wait_indirect_dma semaphore(%dma_wait3A_265 : memref<!tpu.dma_semaphore, #tpu.memory_space<semaphore_mem>>) src(%dma_wait3A_263 : memref<10112x64xf32, #tpu.memory_space<hbm>>) dst(%dma_wait3A_257 : memref<128x64xf32, #tpu.memory_space<vmem>>)
      %add3A_266 = arith.constant 3 : i32
      %add3A_267 = arith.addi %mul3A_35, %add3A_266 : i32
      %dma_start3A_268 = arith.constant 3 : i32
      %dma_start3A_269 = arith.constant 3 : i32
      %dma_start3A_270 = arith.constant 0 : i32
      %dma_start3A_271 = arith.constant 0 : i32
      %dma_start3A_272 = tpu.memref_slice %arg8[%dma_start3A_268, %dma_start3A_270, %dma_start3A_271] : memref<8x128x64xf32, #tpu.memory_space<vmem>> -> memref<1x128x64xf32, #tpu.memory_space<vmem>>
      %dma_start3A_273 = tpu.memref_squeeze %dma_start3A_272 : memref<1x128x64xf32, #tpu.memory_space<vmem>> -> memref<128x64xf32, #tpu.memory_space<vmem>>
      %dma_start3A_274 = arith.constant 0 : i32
      %dma_start3A_275 = tpu.memref_slice %arg7[%add3A_267, %dma_start3A_274] : memref<80x128xi32, #tpu.memory_space<vmem>> -> memref<1x128xi32, #tpu.memory_space<vmem>>
      %dma_start3A_276 = tpu.memref_squeeze %dma_start3A_275 : memref<1x128xi32, #tpu.memory_space<vmem>> -> memref<128xi32, #tpu.memory_space<vmem>>
      %dma_start3A_277 = arith.constant 0 : i32
      %dma_start3A_278 = arith.constant 0 : i32
      %dma_start3A_279 = tpu.memref_slice %arg9[%dma_start3A_277, %dma_start3A_278] : memref<10112x64xf32, #tpu.memory_space<vmem_shared>> -> memref<10112x64xf32, #tpu.memory_space<vmem_shared>>
      %dma_start3A_280 = tpu.memref_slice %arg11[%dma_start3A_269] : memref<8x!tpu.dma_semaphore, #tpu.memory_space<semaphore_mem>> -> memref<1x!tpu.dma_semaphore, #tpu.memory_space<semaphore_mem>>
      %dma_start3A_281 = tpu.memref_squeeze %dma_start3A_280 : memref<1x!tpu.dma_semaphore, #tpu.memory_space<semaphore_mem>> -> memref<!tpu.dma_semaphore, #tpu.memory_space<semaphore_mem>>
      tpu.enqueue_indirect_dma source(%dma_start3A_273 : memref<128x64xf32, #tpu.memory_space<vmem>>) target(%dma_start3A_279 : memref<10112x64xf32, #tpu.memory_space<vmem_shared>>) offsets(%dma_start3A_276 : memref<128xi32, #tpu.memory_space<vmem>>) semaphore(%dma_start3A_281 : memref<!tpu.dma_semaphore, #tpu.memory_space<semaphore_mem>>) {add = true}
      %dma_wait3A_282 = arith.constant 4 : i32
      %dma_wait3A_283 = arith.constant 4 : i32
      %dma_wait3A_284 = arith.constant 0 : i32
      %dma_wait3A_285 = arith.constant 0 : i32
      %dma_wait3A_286 = tpu.memref_slice %arg8[%dma_wait3A_282, %dma_wait3A_284, %dma_wait3A_285] : memref<8x128x64xf32, #tpu.memory_space<vmem>> -> memref<1x128x64xf32, #tpu.memory_space<vmem>>
      %dma_wait3A_287 = tpu.memref_squeeze %dma_wait3A_286 : memref<1x128x64xf32, #tpu.memory_space<vmem>> -> memref<128x64xf32, #tpu.memory_space<vmem>>
      %dma_wait3A_288 = arith.constant 0 : i32
      %dma_wait3A_289 = tpu.memref_slice %arg6[%add3A_100, %dma_wait3A_288] : memref<80x128xi32, #tpu.memory_space<vmem>> -> memref<1x128xi32, #tpu.memory_space<vmem>>
      %dma_wait3A_290 = tpu.memref_squeeze %dma_wait3A_289 : memref<1x128xi32, #tpu.memory_space<vmem>> -> memref<128xi32, #tpu.memory_space<vmem>>
      %dma_wait3A_291 = arith.constant 0 : i32
      %dma_wait3A_292 = arith.constant 0 : i32
      %dma_wait3A_293 = tpu.memref_slice %arg2[%dma_wait3A_291, %dma_wait3A_292] : memref<10112x64xf32, #tpu.memory_space<hbm>> -> memref<10112x64xf32, #tpu.memory_space<hbm>>
      %dma_wait3A_294 = tpu.memref_slice %arg10[%dma_wait3A_283] : memref<8x!tpu.dma_semaphore, #tpu.memory_space<semaphore_mem>> -> memref<1x!tpu.dma_semaphore, #tpu.memory_space<semaphore_mem>>
      %dma_wait3A_295 = tpu.memref_squeeze %dma_wait3A_294 : memref<1x!tpu.dma_semaphore, #tpu.memory_space<semaphore_mem>> -> memref<!tpu.dma_semaphore, #tpu.memory_space<semaphore_mem>>
      tpu.wait_indirect_dma semaphore(%dma_wait3A_295 : memref<!tpu.dma_semaphore, #tpu.memory_space<semaphore_mem>>) src(%dma_wait3A_293 : memref<10112x64xf32, #tpu.memory_space<hbm>>) dst(%dma_wait3A_287 : memref<128x64xf32, #tpu.memory_space<vmem>>)
      %add3A_296 = arith.constant 4 : i32
      %add3A_297 = arith.addi %mul3A_35, %add3A_296 : i32
      %dma_start3A_298 = arith.constant 4 : i32
      %dma_start3A_299 = arith.constant 4 : i32
      %dma_start3A_300 = arith.constant 0 : i32
      %dma_start3A_301 = arith.constant 0 : i32
      %dma_start3A_302 = tpu.memref_slice %arg8[%dma_start3A_298, %dma_start3A_300, %dma_start3A_301] : memref<8x128x64xf32, #tpu.memory_space<vmem>> -> memref<1x128x64xf32, #tpu.memory_space<vmem>>
      %dma_start3A_303 = tpu.memref_squeeze %dma_start3A_302 : memref<1x128x64xf32, #tpu.memory_space<vmem>> -> memref<128x64xf32, #tpu.memory_space<vmem>>
      %dma_start3A_304 = arith.constant 0 : i32
      %dma_start3A_305 = tpu.memref_slice %arg7[%add3A_297, %dma_start3A_304] : memref<80x128xi32, #tpu.memory_space<vmem>> -> memref<1x128xi32, #tpu.memory_space<vmem>>
      %dma_start3A_306 = tpu.memref_squeeze %dma_start3A_305 : memref<1x128xi32, #tpu.memory_space<vmem>> -> memref<128xi32, #tpu.memory_space<vmem>>
      %dma_start3A_307 = arith.constant 0 : i32
      %dma_start3A_308 = arith.constant 0 : i32
      %dma_start3A_309 = tpu.memref_slice %arg9[%dma_start3A_307, %dma_start3A_308] : memref<10112x64xf32, #tpu.memory_space<vmem_shared>> -> memref<10112x64xf32, #tpu.memory_space<vmem_shared>>
      %dma_start3A_310 = tpu.memref_slice %arg11[%dma_start3A_299] : memref<8x!tpu.dma_semaphore, #tpu.memory_space<semaphore_mem>> -> memref<1x!tpu.dma_semaphore, #tpu.memory_space<semaphore_mem>>
      %dma_start3A_311 = tpu.memref_squeeze %dma_start3A_310 : memref<1x!tpu.dma_semaphore, #tpu.memory_space<semaphore_mem>> -> memref<!tpu.dma_semaphore, #tpu.memory_space<semaphore_mem>>
      tpu.enqueue_indirect_dma source(%dma_start3A_303 : memref<128x64xf32, #tpu.memory_space<vmem>>) target(%dma_start3A_309 : memref<10112x64xf32, #tpu.memory_space<vmem_shared>>) offsets(%dma_start3A_306 : memref<128xi32, #tpu.memory_space<vmem>>) semaphore(%dma_start3A_311 : memref<!tpu.dma_semaphore, #tpu.memory_space<semaphore_mem>>) {add = true}
      %dma_wait3A_312 = arith.constant 5 : i32
      %dma_wait3A_313 = arith.constant 5 : i32
      %dma_wait3A_314 = arith.constant 0 : i32
      %dma_wait3A_315 = arith.constant 0 : i32
      %dma_wait3A_316 = tpu.memref_slice %arg8[%dma_wait3A_312, %dma_wait3A_314, %dma_wait3A_315] : memref<8x128x64xf32, #tpu.memory_space<vmem>> -> memref<1x128x64xf32, #tpu.memory_space<vmem>>
      %dma_wait3A_317 = tpu.memref_squeeze %dma_wait3A_316 : memref<1x128x64xf32, #tpu.memory_space<vmem>> -> memref<128x64xf32, #tpu.memory_space<vmem>>
      %dma_wait3A_318 = arith.constant 0 : i32
      %dma_wait3A_319 = tpu.memref_slice %arg6[%add3A_116, %dma_wait3A_318] : memref<80x128xi32, #tpu.memory_space<vmem>> -> memref<1x128xi32, #tpu.memory_space<vmem>>
      %dma_wait3A_320 = tpu.memref_squeeze %dma_wait3A_319 : memref<1x128xi32, #tpu.memory_space<vmem>> -> memref<128xi32, #tpu.memory_space<vmem>>
      %dma_wait3A_321 = arith.constant 0 : i32
      %dma_wait3A_322 = arith.constant 0 : i32
      %dma_wait3A_323 = tpu.memref_slice %arg2[%dma_wait3A_321, %dma_wait3A_322] : memref<10112x64xf32, #tpu.memory_space<hbm>> -> memref<10112x64xf32, #tpu.memory_space<hbm>>
      %dma_wait3A_324 = tpu.memref_slice %arg10[%dma_wait3A_313] : memref<8x!tpu.dma_semaphore, #tpu.memory_space<semaphore_mem>> -> memref<1x!tpu.dma_semaphore, #tpu.memory_space<semaphore_mem>>
      %dma_wait3A_325 = tpu.memref_squeeze %dma_wait3A_324 : memref<1x!tpu.dma_semaphore, #tpu.memory_space<semaphore_mem>> -> memref<!tpu.dma_semaphore, #tpu.memory_space<semaphore_mem>>
      tpu.wait_indirect_dma semaphore(%dma_wait3A_325 : memref<!tpu.dma_semaphore, #tpu.memory_space<semaphore_mem>>) src(%dma_wait3A_323 : memref<10112x64xf32, #tpu.memory_space<hbm>>) dst(%dma_wait3A_317 : memref<128x64xf32, #tpu.memory_space<vmem>>)
      %add3A_326 = arith.constant 5 : i32
      %add3A_327 = arith.addi %mul3A_35, %add3A_326 : i32
      %dma_start3A_328 = arith.constant 5 : i32
      %dma_start3A_329 = arith.constant 5 : i32
      %dma_start3A_330 = arith.constant 0 : i32
      %dma_start3A_331 = arith.constant 0 : i32
      %dma_start3A_332 = tpu.memref_slice %arg8[%dma_start3A_328, %dma_start3A_330, %dma_start3A_331] : memref<8x128x64xf32, #tpu.memory_space<vmem>> -> memref<1x128x64xf32, #tpu.memory_space<vmem>>
      %dma_start3A_333 = tpu.memref_squeeze %dma_start3A_332 : memref<1x128x64xf32, #tpu.memory_space<vmem>> -> memref<128x64xf32, #tpu.memory_space<vmem>>
      %dma_start3A_334 = arith.constant 0 : i32
      %dma_start3A_335 = tpu.memref_slice %arg7[%add3A_327, %dma_start3A_334] : memref<80x128xi32, #tpu.memory_space<vmem>> -> memref<1x128xi32, #tpu.memory_space<vmem>>
      %dma_start3A_336 = tpu.memref_squeeze %dma_start3A_335 : memref<1x128xi32, #tpu.memory_space<vmem>> -> memref<128xi32, #tpu.memory_space<vmem>>
      %dma_start3A_337 = arith.constant 0 : i32
      %dma_start3A_338 = arith.constant 0 : i32
      %dma_start3A_339 = tpu.memref_slice %arg9[%dma_start3A_337, %dma_start3A_338] : memref<10112x64xf32, #tpu.memory_space<vmem_shared>> -> memref<10112x64xf32, #tpu.memory_space<vmem_shared>>
      %dma_start3A_340 = tpu.memref_slice %arg11[%dma_start3A_329] : memref<8x!tpu.dma_semaphore, #tpu.memory_space<semaphore_mem>> -> memref<1x!tpu.dma_semaphore, #tpu.memory_space<semaphore_mem>>
      %dma_start3A_341 = tpu.memref_squeeze %dma_start3A_340 : memref<1x!tpu.dma_semaphore, #tpu.memory_space<semaphore_mem>> -> memref<!tpu.dma_semaphore, #tpu.memory_space<semaphore_mem>>
      tpu.enqueue_indirect_dma source(%dma_start3A_333 : memref<128x64xf32, #tpu.memory_space<vmem>>) target(%dma_start3A_339 : memref<10112x64xf32, #tpu.memory_space<vmem_shared>>) offsets(%dma_start3A_336 : memref<128xi32, #tpu.memory_space<vmem>>) semaphore(%dma_start3A_341 : memref<!tpu.dma_semaphore, #tpu.memory_space<semaphore_mem>>) {add = true}
      %dma_wait3A_342 = arith.constant 6 : i32
      %dma_wait3A_343 = arith.constant 6 : i32
      %dma_wait3A_344 = arith.constant 0 : i32
      %dma_wait3A_345 = arith.constant 0 : i32
      %dma_wait3A_346 = tpu.memref_slice %arg8[%dma_wait3A_342, %dma_wait3A_344, %dma_wait3A_345] : memref<8x128x64xf32, #tpu.memory_space<vmem>> -> memref<1x128x64xf32, #tpu.memory_space<vmem>>
      %dma_wait3A_347 = tpu.memref_squeeze %dma_wait3A_346 : memref<1x128x64xf32, #tpu.memory_space<vmem>> -> memref<128x64xf32, #tpu.memory_space<vmem>>
      %dma_wait3A_348 = arith.constant 0 : i32
      %dma_wait3A_349 = tpu.memref_slice %arg6[%add3A_132, %dma_wait3A_348] : memref<80x128xi32, #tpu.memory_space<vmem>> -> memref<1x128xi32, #tpu.memory_space<vmem>>
      %dma_wait3A_350 = tpu.memref_squeeze %dma_wait3A_349 : memref<1x128xi32, #tpu.memory_space<vmem>> -> memref<128xi32, #tpu.memory_space<vmem>>
      %dma_wait3A_351 = arith.constant 0 : i32
      %dma_wait3A_352 = arith.constant 0 : i32
      %dma_wait3A_353 = tpu.memref_slice %arg2[%dma_wait3A_351, %dma_wait3A_352] : memref<10112x64xf32, #tpu.memory_space<hbm>> -> memref<10112x64xf32, #tpu.memory_space<hbm>>
      %dma_wait3A_354 = tpu.memref_slice %arg10[%dma_wait3A_343] : memref<8x!tpu.dma_semaphore, #tpu.memory_space<semaphore_mem>> -> memref<1x!tpu.dma_semaphore, #tpu.memory_space<semaphore_mem>>
      %dma_wait3A_355 = tpu.memref_squeeze %dma_wait3A_354 : memref<1x!tpu.dma_semaphore, #tpu.memory_space<semaphore_mem>> -> memref<!tpu.dma_semaphore, #tpu.memory_space<semaphore_mem>>
      tpu.wait_indirect_dma semaphore(%dma_wait3A_355 : memref<!tpu.dma_semaphore, #tpu.memory_space<semaphore_mem>>) src(%dma_wait3A_353 : memref<10112x64xf32, #tpu.memory_space<hbm>>) dst(%dma_wait3A_347 : memref<128x64xf32, #tpu.memory_space<vmem>>)
      %add3A_356 = arith.constant 6 : i32
      %add3A_357 = arith.addi %mul3A_35, %add3A_356 : i32
      %dma_start3A_358 = arith.constant 6 : i32
      %dma_start3A_359 = arith.constant 6 : i32
      %dma_start3A_360 = arith.constant 0 : i32
      %dma_start3A_361 = arith.constant 0 : i32
      %dma_start3A_362 = tpu.memref_slice %arg8[%dma_start3A_358, %dma_start3A_360, %dma_start3A_361] : memref<8x128x64xf32, #tpu.memory_space<vmem>> -> memref<1x128x64xf32, #tpu.memory_space<vmem>>
      %dma_start3A_363 = tpu.memref_squeeze %dma_start3A_362 : memref<1x128x64xf32, #tpu.memory_space<vmem>> -> memref<128x64xf32, #tpu.memory_space<vmem>>
      %dma_start3A_364 = arith.constant 0 : i32
      %dma_start3A_365 = tpu.memref_slice %arg7[%add3A_357, %dma_start3A_364] : memref<80x128xi32, #tpu.memory_space<vmem>> -> memref<1x128xi32, #tpu.memory_space<vmem>>
      %dma_start3A_366 = tpu.memref_squeeze %dma_start3A_365 : memref<1x128xi32, #tpu.memory_space<vmem>> -> memref<128xi32, #tpu.memory_space<vmem>>
      %dma_start3A_367 = arith.constant 0 : i32
      %dma_start3A_368 = arith.constant 0 : i32
      %dma_start3A_369 = tpu.memref_slice %arg9[%dma_start3A_367, %dma_start3A_368] : memref<10112x64xf32, #tpu.memory_space<vmem_shared>> -> memref<10112x64xf32, #tpu.memory_space<vmem_shared>>
      %dma_start3A_370 = tpu.memref_slice %arg11[%dma_start3A_359] : memref<8x!tpu.dma_semaphore, #tpu.memory_space<semaphore_mem>> -> memref<1x!tpu.dma_semaphore, #tpu.memory_space<semaphore_mem>>
      %dma_start3A_371 = tpu.memref_squeeze %dma_start3A_370 : memref<1x!tpu.dma_semaphore, #tpu.memory_space<semaphore_mem>> -> memref<!tpu.dma_semaphore, #tpu.memory_space<semaphore_mem>>
      tpu.enqueue_indirect_dma source(%dma_start3A_363 : memref<128x64xf32, #tpu.memory_space<vmem>>) target(%dma_start3A_369 : memref<10112x64xf32, #tpu.memory_space<vmem_shared>>) offsets(%dma_start3A_366 : memref<128xi32, #tpu.memory_space<vmem>>) semaphore(%dma_start3A_371 : memref<!tpu.dma_semaphore, #tpu.memory_space<semaphore_mem>>) {add = true}
      %dma_wait3A_372 = arith.constant 7 : i32
      %dma_wait3A_373 = arith.constant 7 : i32
      %dma_wait3A_374 = arith.constant 0 : i32
      %dma_wait3A_375 = arith.constant 0 : i32
      %dma_wait3A_376 = tpu.memref_slice %arg8[%dma_wait3A_372, %dma_wait3A_374, %dma_wait3A_375] : memref<8x128x64xf32, #tpu.memory_space<vmem>> -> memref<1x128x64xf32, #tpu.memory_space<vmem>>
      %dma_wait3A_377 = tpu.memref_squeeze %dma_wait3A_376 : memref<1x128x64xf32, #tpu.memory_space<vmem>> -> memref<128x64xf32, #tpu.memory_space<vmem>>
      %dma_wait3A_378 = arith.constant 0 : i32
      %dma_wait3A_379 = tpu.memref_slice %arg6[%add3A_148, %dma_wait3A_378] : memref<80x128xi32, #tpu.memory_space<vmem>> -> memref<1x128xi32, #tpu.memory_space<vmem>>
      %dma_wait3A_380 = tpu.memref_squeeze %dma_wait3A_379 : memref<1x128xi32, #tpu.memory_space<vmem>> -> memref<128xi32, #tpu.memory_space<vmem>>
      %dma_wait3A_381 = arith.constant 0 : i32
      %dma_wait3A_382 = arith.constant 0 : i32
      %dma_wait3A_383 = tpu.memref_slice %arg2[%dma_wait3A_381, %dma_wait3A_382] : memref<10112x64xf32, #tpu.memory_space<hbm>> -> memref<10112x64xf32, #tpu.memory_space<hbm>>
      %dma_wait3A_384 = tpu.memref_slice %arg10[%dma_wait3A_373] : memref<8x!tpu.dma_semaphore, #tpu.memory_space<semaphore_mem>> -> memref<1x!tpu.dma_semaphore, #tpu.memory_space<semaphore_mem>>
      %dma_wait3A_385 = tpu.memref_squeeze %dma_wait3A_384 : memref<1x!tpu.dma_semaphore, #tpu.memory_space<semaphore_mem>> -> memref<!tpu.dma_semaphore, #tpu.memory_space<semaphore_mem>>
      tpu.wait_indirect_dma semaphore(%dma_wait3A_385 : memref<!tpu.dma_semaphore, #tpu.memory_space<semaphore_mem>>) src(%dma_wait3A_383 : memref<10112x64xf32, #tpu.memory_space<hbm>>) dst(%dma_wait3A_377 : memref<128x64xf32, #tpu.memory_space<vmem>>)
      %add3A_386 = arith.constant 7 : i32
      %add3A_387 = arith.addi %mul3A_35, %add3A_386 : i32
      %dma_start3A_388 = arith.constant 7 : i32
      %dma_start3A_389 = arith.constant 7 : i32
      %dma_start3A_390 = arith.constant 0 : i32
      %dma_start3A_391 = arith.constant 0 : i32
      %dma_start3A_392 = tpu.memref_slice %arg8[%dma_start3A_388, %dma_start3A_390, %dma_start3A_391] : memref<8x128x64xf32, #tpu.memory_space<vmem>> -> memref<1x128x64xf32, #tpu.memory_space<vmem>>
      %dma_start3A_393 = tpu.memref_squeeze %dma_start3A_392 : memref<1x128x64xf32, #tpu.memory_space<vmem>> -> memref<128x64xf32, #tpu.memory_space<vmem>>
      %dma_start3A_394 = arith.constant 0 : i32
      %dma_start3A_395 = tpu.memref_slice %arg7[%add3A_387, %dma_start3A_394] : memref<80x128xi32, #tpu.memory_space<vmem>> -> memref<1x128xi32, #tpu.memory_space<vmem>>
      %dma_start3A_396 = tpu.memref_squeeze %dma_start3A_395 : memref<1x128xi32, #tpu.memory_space<vmem>> -> memref<128xi32, #tpu.memory_space<vmem>>
      %dma_start3A_397 = arith.constant 0 : i32
      %dma_start3A_398 = arith.constant 0 : i32
      %dma_start3A_399 = tpu.memref_slice %arg9[%dma_start3A_397, %dma_start3A_398] : memref<10112x64xf32, #tpu.memory_space<vmem_shared>> -> memref<10112x64xf32, #tpu.memory_space<vmem_shared>>
      %dma_start3A_400 = tpu.memref_slice %arg11[%dma_start3A_389] : memref<8x!tpu.dma_semaphore, #tpu.memory_space<semaphore_mem>> -> memref<1x!tpu.dma_semaphore, #tpu.memory_space<semaphore_mem>>
      %dma_start3A_401 = tpu.memref_squeeze %dma_start3A_400 : memref<1x!tpu.dma_semaphore, #tpu.memory_space<semaphore_mem>> -> memref<!tpu.dma_semaphore, #tpu.memory_space<semaphore_mem>>
      tpu.enqueue_indirect_dma source(%dma_start3A_393 : memref<128x64xf32, #tpu.memory_space<vmem>>) target(%dma_start3A_399 : memref<10112x64xf32, #tpu.memory_space<vmem_shared>>) offsets(%dma_start3A_396 : memref<128xi32, #tpu.memory_space<vmem>>) semaphore(%dma_start3A_401 : memref<!tpu.dma_semaphore, #tpu.memory_space<semaphore_mem>>) {add = true}
      %dma_wait3A_402 = arith.constant 0 : i32
      %dma_wait3A_403 = arith.constant 0 : i32
      %dma_wait3A_404 = arith.constant 0 : i32
      %dma_wait3A_405 = arith.constant 0 : i32
      %dma_wait3A_406 = tpu.memref_slice %arg8[%dma_wait3A_402, %dma_wait3A_404, %dma_wait3A_405] : memref<8x128x64xf32, #tpu.memory_space<vmem>> -> memref<1x128x64xf32, #tpu.memory_space<vmem>>
      %dma_wait3A_407 = tpu.memref_squeeze %dma_wait3A_406 : memref<1x128x64xf32, #tpu.memory_space<vmem>> -> memref<128x64xf32, #tpu.memory_space<vmem>>
      %dma_wait3A_408 = arith.constant 0 : i32
      %dma_wait3A_409 = tpu.memref_slice %arg7[%add3A_177, %dma_wait3A_408] : memref<80x128xi32, #tpu.memory_space<vmem>> -> memref<1x128xi32, #tpu.memory_space<vmem>>
      %dma_wait3A_410 = tpu.memref_squeeze %dma_wait3A_409 : memref<1x128xi32, #tpu.memory_space<vmem>> -> memref<128xi32, #tpu.memory_space<vmem>>
      %dma_wait3A_411 = arith.constant 0 : i32
      %dma_wait3A_412 = arith.constant 0 : i32
      %dma_wait3A_413 = tpu.memref_slice %arg9[%dma_wait3A_411, %dma_wait3A_412] : memref<10112x64xf32, #tpu.memory_space<vmem_shared>> -> memref<10112x64xf32, #tpu.memory_space<vmem_shared>>
      %dma_wait3A_414 = tpu.memref_slice %arg11[%dma_wait3A_403] : memref<8x!tpu.dma_semaphore, #tpu.memory_space<semaphore_mem>> -> memref<1x!tpu.dma_semaphore, #tpu.memory_space<semaphore_mem>>
      %dma_wait3A_415 = tpu.memref_squeeze %dma_wait3A_414 : memref<1x!tpu.dma_semaphore, #tpu.memory_space<semaphore_mem>> -> memref<!tpu.dma_semaphore, #tpu.memory_space<semaphore_mem>>
      tpu.wait_indirect_dma semaphore(%dma_wait3A_415 : memref<!tpu.dma_semaphore, #tpu.memory_space<semaphore_mem>>) src(%dma_wait3A_407 : memref<128x64xf32, #tpu.memory_space<vmem>>) dst(%dma_wait3A_413 : memref<10112x64xf32, #tpu.memory_space<vmem_shared>>)
      %dma_wait3A_416 = arith.constant 1 : i32
      %dma_wait3A_417 = arith.constant 1 : i32
      %dma_wait3A_418 = arith.constant 0 : i32
      %dma_wait3A_419 = arith.constant 0 : i32
      %dma_wait3A_420 = tpu.memref_slice %arg8[%dma_wait3A_416, %dma_wait3A_418, %dma_wait3A_419] : memref<8x128x64xf32, #tpu.memory_space<vmem>> -> memref<1x128x64xf32, #tpu.memory_space<vmem>>
      %dma_wait3A_421 = tpu.memref_squeeze %dma_wait3A_420 : memref<1x128x64xf32, #tpu.memory_space<vmem>> -> memref<128x64xf32, #tpu.memory_space<vmem>>
      %dma_wait3A_422 = arith.constant 0 : i32
      %dma_wait3A_423 = tpu.memref_slice %arg7[%add3A_207, %dma_wait3A_422] : memref<80x128xi32, #tpu.memory_space<vmem>> -> memref<1x128xi32, #tpu.memory_space<vmem>>
      %dma_wait3A_424 = tpu.memref_squeeze %dma_wait3A_423 : memref<1x128xi32, #tpu.memory_space<vmem>> -> memref<128xi32, #tpu.memory_space<vmem>>
      %dma_wait3A_425 = arith.constant 0 : i32
      %dma_wait3A_426 = arith.constant 0 : i32
      %dma_wait3A_427 = tpu.memref_slice %arg9[%dma_wait3A_425, %dma_wait3A_426] : memref<10112x64xf32, #tpu.memory_space<vmem_shared>> -> memref<10112x64xf32, #tpu.memory_space<vmem_shared>>
      %dma_wait3A_428 = tpu.memref_slice %arg11[%dma_wait3A_417] : memref<8x!tpu.dma_semaphore, #tpu.memory_space<semaphore_mem>> -> memref<1x!tpu.dma_semaphore, #tpu.memory_space<semaphore_mem>>
      %dma_wait3A_429 = tpu.memref_squeeze %dma_wait3A_428 : memref<1x!tpu.dma_semaphore, #tpu.memory_space<semaphore_mem>> -> memref<!tpu.dma_semaphore, #tpu.memory_space<semaphore_mem>>
      tpu.wait_indirect_dma semaphore(%dma_wait3A_429 : memref<!tpu.dma_semaphore, #tpu.memory_space<semaphore_mem>>) src(%dma_wait3A_421 : memref<128x64xf32, #tpu.memory_space<vmem>>) dst(%dma_wait3A_427 : memref<10112x64xf32, #tpu.memory_space<vmem_shared>>)
      %dma_wait3A_430 = arith.constant 2 : i32
      %dma_wait3A_431 = arith.constant 2 : i32
      %dma_wait3A_432 = arith.constant 0 : i32
      %dma_wait3A_433 = arith.constant 0 : i32
      %dma_wait3A_434 = tpu.memref_slice %arg8[%dma_wait3A_430, %dma_wait3A_432, %dma_wait3A_433] : memref<8x128x64xf32, #tpu.memory_space<vmem>> -> memref<1x128x64xf32, #tpu.memory_space<vmem>>
      %dma_wait3A_435 = tpu.memref_squeeze %dma_wait3A_434 : memref<1x128x64xf32, #tpu.memory_space<vmem>> -> memref<128x64xf32, #tpu.memory_space<vmem>>
      %dma_wait3A_436 = arith.constant 0 : i32
      %dma_wait3A_437 = tpu.memref_slice %arg7[%add3A_237, %dma_wait3A_436] : memref<80x128xi32, #tpu.memory_space<vmem>> -> memref<1x128xi32, #tpu.memory_space<vmem>>
      %dma_wait3A_438 = tpu.memref_squeeze %dma_wait3A_437 : memref<1x128xi32, #tpu.memory_space<vmem>> -> memref<128xi32, #tpu.memory_space<vmem>>
      %dma_wait3A_439 = arith.constant 0 : i32
      %dma_wait3A_440 = arith.constant 0 : i32
      %dma_wait3A_441 = tpu.memref_slice %arg9[%dma_wait3A_439, %dma_wait3A_440] : memref<10112x64xf32, #tpu.memory_space<vmem_shared>> -> memref<10112x64xf32, #tpu.memory_space<vmem_shared>>
      %dma_wait3A_442 = tpu.memref_slice %arg11[%dma_wait3A_431] : memref<8x!tpu.dma_semaphore, #tpu.memory_space<semaphore_mem>> -> memref<1x!tpu.dma_semaphore, #tpu.memory_space<semaphore_mem>>
      %dma_wait3A_443 = tpu.memref_squeeze %dma_wait3A_442 : memref<1x!tpu.dma_semaphore, #tpu.memory_space<semaphore_mem>> -> memref<!tpu.dma_semaphore, #tpu.memory_space<semaphore_mem>>
      tpu.wait_indirect_dma semaphore(%dma_wait3A_443 : memref<!tpu.dma_semaphore, #tpu.memory_space<semaphore_mem>>) src(%dma_wait3A_435 : memref<128x64xf32, #tpu.memory_space<vmem>>) dst(%dma_wait3A_441 : memref<10112x64xf32, #tpu.memory_space<vmem_shared>>)
      %dma_wait3A_444 = arith.constant 3 : i32
      %dma_wait3A_445 = arith.constant 3 : i32
      %dma_wait3A_446 = arith.constant 0 : i32
      %dma_wait3A_447 = arith.constant 0 : i32
      %dma_wait3A_448 = tpu.memref_slice %arg8[%dma_wait3A_444, %dma_wait3A_446, %dma_wait3A_447] : memref<8x128x64xf32, #tpu.memory_space<vmem>> -> memref<1x128x64xf32, #tpu.memory_space<vmem>>
      %dma_wait3A_449 = tpu.memref_squeeze %dma_wait3A_448 : memref<1x128x64xf32, #tpu.memory_space<vmem>> -> memref<128x64xf32, #tpu.memory_space<vmem>>
      %dma_wait3A_450 = arith.constant 0 : i32
      %dma_wait3A_451 = tpu.memref_slice %arg7[%add3A_267, %dma_wait3A_450] : memref<80x128xi32, #tpu.memory_space<vmem>> -> memref<1x128xi32, #tpu.memory_space<vmem>>
      %dma_wait3A_452 = tpu.memref_squeeze %dma_wait3A_451 : memref<1x128xi32, #tpu.memory_space<vmem>> -> memref<128xi32, #tpu.memory_space<vmem>>
      %dma_wait3A_453 = arith.constant 0 : i32
      %dma_wait3A_454 = arith.constant 0 : i32
      %dma_wait3A_455 = tpu.memref_slice %arg9[%dma_wait3A_453, %dma_wait3A_454] : memref<10112x64xf32, #tpu.memory_space<vmem_shared>> -> memref<10112x64xf32, #tpu.memory_space<vmem_shared>>
      %dma_wait3A_456 = tpu.memref_slice %arg11[%dma_wait3A_445] : memref<8x!tpu.dma_semaphore, #tpu.memory_space<semaphore_mem>> -> memref<1x!tpu.dma_semaphore, #tpu.memory_space<semaphore_mem>>
      %dma_wait3A_457 = tpu.memref_squeeze %dma_wait3A_456 : memref<1x!tpu.dma_semaphore, #tpu.memory_space<semaphore_mem>> -> memref<!tpu.dma_semaphore, #tpu.memory_space<semaphore_mem>>
      tpu.wait_indirect_dma semaphore(%dma_wait3A_457 : memref<!tpu.dma_semaphore, #tpu.memory_space<semaphore_mem>>) src(%dma_wait3A_449 : memref<128x64xf32, #tpu.memory_space<vmem>>) dst(%dma_wait3A_455 : memref<10112x64xf32, #tpu.memory_space<vmem_shared>>)
      %dma_wait3A_458 = arith.constant 4 : i32
      %dma_wait3A_459 = arith.constant 4 : i32
      %dma_wait3A_460 = arith.constant 0 : i32
      %dma_wait3A_461 = arith.constant 0 : i32
      %dma_wait3A_462 = tpu.memref_slice %arg8[%dma_wait3A_458, %dma_wait3A_460, %dma_wait3A_461] : memref<8x128x64xf32, #tpu.memory_space<vmem>> -> memref<1x128x64xf32, #tpu.memory_space<vmem>>
      %dma_wait3A_463 = tpu.memref_squeeze %dma_wait3A_462 : memref<1x128x64xf32, #tpu.memory_space<vmem>> -> memref<128x64xf32, #tpu.memory_space<vmem>>
      %dma_wait3A_464 = arith.constant 0 : i32
      %dma_wait3A_465 = tpu.memref_slice %arg7[%add3A_297, %dma_wait3A_464] : memref<80x128xi32, #tpu.memory_space<vmem>> -> memref<1x128xi32, #tpu.memory_space<vmem>>
      %dma_wait3A_466 = tpu.memref_squeeze %dma_wait3A_465 : memref<1x128xi32, #tpu.memory_space<vmem>> -> memref<128xi32, #tpu.memory_space<vmem>>
      %dma_wait3A_467 = arith.constant 0 : i32
      %dma_wait3A_468 = arith.constant 0 : i32
      %dma_wait3A_469 = tpu.memref_slice %arg9[%dma_wait3A_467, %dma_wait3A_468] : memref<10112x64xf32, #tpu.memory_space<vmem_shared>> -> memref<10112x64xf32, #tpu.memory_space<vmem_shared>>
      %dma_wait3A_470 = tpu.memref_slice %arg11[%dma_wait3A_459] : memref<8x!tpu.dma_semaphore, #tpu.memory_space<semaphore_mem>> -> memref<1x!tpu.dma_semaphore, #tpu.memory_space<semaphore_mem>>
      %dma_wait3A_471 = tpu.memref_squeeze %dma_wait3A_470 : memref<1x!tpu.dma_semaphore, #tpu.memory_space<semaphore_mem>> -> memref<!tpu.dma_semaphore, #tpu.memory_space<semaphore_mem>>
      tpu.wait_indirect_dma semaphore(%dma_wait3A_471 : memref<!tpu.dma_semaphore, #tpu.memory_space<semaphore_mem>>) src(%dma_wait3A_463 : memref<128x64xf32, #tpu.memory_space<vmem>>) dst(%dma_wait3A_469 : memref<10112x64xf32, #tpu.memory_space<vmem_shared>>)
      %dma_wait3A_472 = arith.constant 5 : i32
      %dma_wait3A_473 = arith.constant 5 : i32
      %dma_wait3A_474 = arith.constant 0 : i32
      %dma_wait3A_475 = arith.constant 0 : i32
      %dma_wait3A_476 = tpu.memref_slice %arg8[%dma_wait3A_472, %dma_wait3A_474, %dma_wait3A_475] : memref<8x128x64xf32, #tpu.memory_space<vmem>> -> memref<1x128x64xf32, #tpu.memory_space<vmem>>
      %dma_wait3A_477 = tpu.memref_squeeze %dma_wait3A_476 : memref<1x128x64xf32, #tpu.memory_space<vmem>> -> memref<128x64xf32, #tpu.memory_space<vmem>>
      %dma_wait3A_478 = arith.constant 0 : i32
      %dma_wait3A_479 = tpu.memref_slice %arg7[%add3A_327, %dma_wait3A_478] : memref<80x128xi32, #tpu.memory_space<vmem>> -> memref<1x128xi32, #tpu.memory_space<vmem>>
      %dma_wait3A_480 = tpu.memref_squeeze %dma_wait3A_479 : memref<1x128xi32, #tpu.memory_space<vmem>> -> memref<128xi32, #tpu.memory_space<vmem>>
      %dma_wait3A_481 = arith.constant 0 : i32
      %dma_wait3A_482 = arith.constant 0 : i32
      %dma_wait3A_483 = tpu.memref_slice %arg9[%dma_wait3A_481, %dma_wait3A_482] : memref<10112x64xf32, #tpu.memory_space<vmem_shared>> -> memref<10112x64xf32, #tpu.memory_space<vmem_shared>>
      %dma_wait3A_484 = tpu.memref_slice %arg11[%dma_wait3A_473] : memref<8x!tpu.dma_semaphore, #tpu.memory_space<semaphore_mem>> -> memref<1x!tpu.dma_semaphore, #tpu.memory_space<semaphore_mem>>
      %dma_wait3A_485 = tpu.memref_squeeze %dma_wait3A_484 : memref<1x!tpu.dma_semaphore, #tpu.memory_space<semaphore_mem>> -> memref<!tpu.dma_semaphore, #tpu.memory_space<semaphore_mem>>
      tpu.wait_indirect_dma semaphore(%dma_wait3A_485 : memref<!tpu.dma_semaphore, #tpu.memory_space<semaphore_mem>>) src(%dma_wait3A_477 : memref<128x64xf32, #tpu.memory_space<vmem>>) dst(%dma_wait3A_483 : memref<10112x64xf32, #tpu.memory_space<vmem_shared>>)
      %dma_wait3A_486 = arith.constant 6 : i32
      %dma_wait3A_487 = arith.constant 6 : i32
      %dma_wait3A_488 = arith.constant 0 : i32
      %dma_wait3A_489 = arith.constant 0 : i32
      %dma_wait3A_490 = tpu.memref_slice %arg8[%dma_wait3A_486, %dma_wait3A_488, %dma_wait3A_489] : memref<8x128x64xf32, #tpu.memory_space<vmem>> -> memref<1x128x64xf32, #tpu.memory_space<vmem>>
      %dma_wait3A_491 = tpu.memref_squeeze %dma_wait3A_490 : memref<1x128x64xf32, #tpu.memory_space<vmem>> -> memref<128x64xf32, #tpu.memory_space<vmem>>
      %dma_wait3A_492 = arith.constant 0 : i32
      %dma_wait3A_493 = tpu.memref_slice %arg7[%add3A_357, %dma_wait3A_492] : memref<80x128xi32, #tpu.memory_space<vmem>> -> memref<1x128xi32, #tpu.memory_space<vmem>>
      %dma_wait3A_494 = tpu.memref_squeeze %dma_wait3A_493 : memref<1x128xi32, #tpu.memory_space<vmem>> -> memref<128xi32, #tpu.memory_space<vmem>>
      %dma_wait3A_495 = arith.constant 0 : i32
      %dma_wait3A_496 = arith.constant 0 : i32
      %dma_wait3A_497 = tpu.memref_slice %arg9[%dma_wait3A_495, %dma_wait3A_496] : memref<10112x64xf32, #tpu.memory_space<vmem_shared>> -> memref<10112x64xf32, #tpu.memory_space<vmem_shared>>
      %dma_wait3A_498 = tpu.memref_slice %arg11[%dma_wait3A_487] : memref<8x!tpu.dma_semaphore, #tpu.memory_space<semaphore_mem>> -> memref<1x!tpu.dma_semaphore, #tpu.memory_space<semaphore_mem>>
      %dma_wait3A_499 = tpu.memref_squeeze %dma_wait3A_498 : memref<1x!tpu.dma_semaphore, #tpu.memory_space<semaphore_mem>> -> memref<!tpu.dma_semaphore, #tpu.memory_space<semaphore_mem>>
      tpu.wait_indirect_dma semaphore(%dma_wait3A_499 : memref<!tpu.dma_semaphore, #tpu.memory_space<semaphore_mem>>) src(%dma_wait3A_491 : memref<128x64xf32, #tpu.memory_space<vmem>>) dst(%dma_wait3A_497 : memref<10112x64xf32, #tpu.memory_space<vmem_shared>>)
      %dma_wait3A_500 = arith.constant 7 : i32
      %dma_wait3A_501 = arith.constant 7 : i32
      %dma_wait3A_502 = arith.constant 0 : i32
      %dma_wait3A_503 = arith.constant 0 : i32
      %dma_wait3A_504 = tpu.memref_slice %arg8[%dma_wait3A_500, %dma_wait3A_502, %dma_wait3A_503] : memref<8x128x64xf32, #tpu.memory_space<vmem>> -> memref<1x128x64xf32, #tpu.memory_space<vmem>>
      %dma_wait3A_505 = tpu.memref_squeeze %dma_wait3A_504 : memref<1x128x64xf32, #tpu.memory_space<vmem>> -> memref<128x64xf32, #tpu.memory_space<vmem>>
      %dma_wait3A_506 = arith.constant 0 : i32
      %dma_wait3A_507 = tpu.memref_slice %arg7[%add3A_387, %dma_wait3A_506] : memref<80x128xi32, #tpu.memory_space<vmem>> -> memref<1x128xi32, #tpu.memory_space<vmem>>
      %dma_wait3A_508 = tpu.memref_squeeze %dma_wait3A_507 : memref<1x128xi32, #tpu.memory_space<vmem>> -> memref<128xi32, #tpu.memory_space<vmem>>
      %dma_wait3A_509 = arith.constant 0 : i32
      %dma_wait3A_510 = arith.constant 0 : i32
      %dma_wait3A_511 = tpu.memref_slice %arg9[%dma_wait3A_509, %dma_wait3A_510] : memref<10112x64xf32, #tpu.memory_space<vmem_shared>> -> memref<10112x64xf32, #tpu.memory_space<vmem_shared>>
      %dma_wait3A_512 = tpu.memref_slice %arg11[%dma_wait3A_501] : memref<8x!tpu.dma_semaphore, #tpu.memory_space<semaphore_mem>> -> memref<1x!tpu.dma_semaphore, #tpu.memory_space<semaphore_mem>>
      %dma_wait3A_513 = tpu.memref_squeeze %dma_wait3A_512 : memref<1x!tpu.dma_semaphore, #tpu.memory_space<semaphore_mem>> -> memref<!tpu.dma_semaphore, #tpu.memory_space<semaphore_mem>>
      tpu.wait_indirect_dma semaphore(%dma_wait3A_513 : memref<!tpu.dma_semaphore, #tpu.memory_space<semaphore_mem>>) src(%dma_wait3A_505 : memref<128x64xf32, #tpu.memory_space<vmem>>) dst(%dma_wait3A_511 : memref<10112x64xf32, #tpu.memory_space<vmem_shared>>)
    }
    %scan3A_27 = arith.constant 10 : i32
    %barrier3A_28 = arith.constant 0 : index
    tpu.barrier barrier_id(%barrier3A_28)
    "tpu.region"() ({
      %run_scoped3A_29 = tpu.sem_alloc : memref<!tpu.dma_semaphore, #tpu.memory_space<semaphore_mem>>
      %dma_start3A = arith.constant 0 : i32
      %dma_start3A_30 = tpu.memref_slice %arg5[%arg0, %mul3A_8, %dma_start3A] : memref<2x10112x64xf32, #tpu.memory_space<hbm>> -> memref<1x632x64xf32, #tpu.memory_space<hbm>>
      %dma_start3A_31 = tpu.memref_squeeze %dma_start3A_30 : memref<1x632x64xf32, #tpu.memory_space<hbm>> -> memref<632x64xf32, #tpu.memory_space<hbm>>
      %dma_start3A_32 = arith.constant 0 : i32
      %dma_start3A_33 = tpu.memref_slice %arg9[%mul3A_8, %dma_start3A_32] : memref<10112x64xf32, #tpu.memory_space<vmem_shared>> -> memref<632x64xf32, #tpu.memory_space<vmem_shared>>
      tpu.enqueue_dma source(%dma_start3A_33 : memref<632x64xf32, #tpu.memory_space<vmem_shared>>) target(%dma_start3A_31 : memref<632x64xf32, #tpu.memory_space<hbm>>) target_semaphore(%run_scoped3A_29 : memref<!tpu.dma_semaphore, #tpu.memory_space<semaphore_mem>>)
      %dma_wait3A = arith.constant 0 : i32
      %dma_wait3A_34 = tpu.memref_slice %arg5[%arg0, %mul3A_8, %dma_wait3A] : memref<2x10112x64xf32, #tpu.memory_space<hbm>> -> memref<1x632x64xf32, #tpu.memory_space<hbm>>
      %dma_wait3A_35 = tpu.memref_squeeze %dma_wait3A_34 : memref<1x632x64xf32, #tpu.memory_space<hbm>> -> memref<632x64xf32, #tpu.memory_space<hbm>>
      %dma_wait3A_36 = arith.constant 0 : i32
      %dma_wait3A_37 = tpu.memref_slice %arg9[%mul3A_8, %dma_wait3A_36] : memref<10112x64xf32, #tpu.memory_space<vmem_shared>> -> memref<632x64xf32, #tpu.memory_space<vmem_shared>>
      tpu.wait_dma2 semaphore(%run_scoped3A_29 : memref<!tpu.dma_semaphore, #tpu.memory_space<semaphore_mem>>) src(%dma_wait3A_37 : memref<632x64xf32, #tpu.memory_space<vmem_shared>>) dst(%dma_wait3A_35 : memref<632x64xf32, #tpu.memory_space<hbm>>)
      tpu.yield
    }) : () -> ()
    return
  }
}

module attributes {stable_mosaic.version = 14 : i64} {
  func.func @_dinv_body(%arg0: memref<32x10112xf32, #tpu.memory_space<vmem>>, %arg1: memref<32x1xf32, #tpu.memory_space<vmem>>, %arg2: memref<5056x128xf32, #tpu.memory_space<vmem>>) attributes {dimension_semantics = [], scalar_prefetch = 0 : i64, scratch_operands = 0 : i64, tpu.core_type = #tpu.core_type<tc>} {
    %get3A = arith.constant 0 : index
    %get3A_0 = arith.constant 0 : index
    %get3A_1 = vector.load %arg0[%get3A, %get3A_0] : memref<32x10112xf32, #tpu.memory_space<vmem>>, vector<32x10112xf32>
    %get3A_2 = arith.constant 0 : index
    %get3A_3 = arith.constant 0 : index
    %get3A_4 = vector.load %arg1[%get3A_2, %get3A_3] : memref<32x1xf32, #tpu.memory_space<vmem>>, vector<32x1xf32>
    %dot_general3A = arith.constant dense<0.000000e+00> : vector<10112x1xf32>
    %dot_general3A_5 = tpu.matmul %get3A_1, %get3A_4, %dot_general3A {dimension_numbers = #tpu.dot_dimension_numbers<[0], [0], [1], [1], [0, 1, 1, 1], [], []>, precision = #tpu.contract_precision<fp32>, transpose_lhs_hint = false} : vector<32x10112xf32>, vector<32x1xf32>, vector<10112x1xf32> -> vector<10112x1xf32>
    %slice3A = vector.extract_strided_slice %dot_general3A_5 {offsets = [0, 0], sizes = [5056, 1], strides = [1, 1]} : vector<10112x1xf32> to vector<5056x1xf32>
    %add3A = arith.constant 1.000000e+00 : f32
    %add3A_6 = vector.broadcast %add3A : f32 to vector<5056x1xf32>
    %add3A_7 = arith.addf %slice3A, %add3A_6 : vector<5056x1xf32>
    %rsqrt3A = math.rsqrt %add3A_7 : vector<5056x1xf32>
    %slice3A_8 = vector.extract_strided_slice %dot_general3A_5 {offsets = [5056, 0], sizes = [5056, 1], strides = [1, 1]} : vector<10112x1xf32> to vector<5056x1xf32>
    %add3A_9 = arith.constant 1.000000e+00 : f32
    %add3A_10 = vector.broadcast %add3A_9 : f32 to vector<5056x1xf32>
    %add3A_11 = arith.addf %slice3A_8, %add3A_10 : vector<5056x1xf32>
    %rsqrt3A_12 = math.rsqrt %add3A_11 : vector<5056x1xf32>
    %iota3A = tpu.iota {dimensions = array<i32: 1>} : vector<5056x128xi32>
    %lt3A = arith.constant 64 : i32
    %lt3A_13 = vector.broadcast %lt3A : i32 to vector<5056x128xi32>
    %lt3A_14 = arith.cmpi slt, %iota3A, %lt3A_13 : vector<5056x128xi32>
    %broadcast_in_dim3A = vector.shape_cast %rsqrt3A : vector<5056x1xf32> to vector<5056x1xf32>
    %broadcast_in_dim3A_15 = vector.broadcast %broadcast_in_dim3A : vector<5056x1xf32> to vector<5056x128xf32>
    %broadcast_in_dim3A_16 = vector.shape_cast %rsqrt3A_12 : vector<5056x1xf32> to vector<5056x1xf32>
    %broadcast_in_dim3A_17 = vector.broadcast %broadcast_in_dim3A_16 : vector<5056x1xf32> to vector<5056x128xf32>
    %select_n3A = arith.select %lt3A_14, %broadcast_in_dim3A_15, %broadcast_in_dim3A_17 : vector<5056x128xi1>, vector<5056x128xf32>
    %swap3A = arith.constant 0 : index
    %swap3A_18 = arith.constant 0 : index
    %swap3A_19 = vector.load %arg2[%swap3A, %swap3A_18] : memref<5056x128xf32, #tpu.memory_space<vmem>>, vector<5056x128xf32>
    tpu.vector_store %arg2[%swap3A, %swap3A_18], %select_n3A {strides = array<i32>} : memref<5056x128xf32, #tpu.memory_space<vmem>>, vector<5056x128xf32>,
    return
  }
}

module attributes {stable_mosaic.version = 14 : i64} {
  func.func @_m1_body(%arg0: i32, %arg1: memref<1000x256xf32, #tpu.memory_space<vmem>>, %arg2: memref<256x128xf32, #tpu.memory_space<vmem>>, %arg3: memref<1000x128xf32, #tpu.memory_space<vmem>>, %arg4: memref<1000x128xf32, #tpu.memory_space<vmem>>) attributes {dimension_semantics = [#tpu.dimension_semantics<arbitrary>], iteration_bounds = array<i64: 5>, scalar_prefetch = 0 : i64, scratch_operands = 0 : i64, tpu.core_type = #tpu.core_type<tc>, window_params = [{transform_indices = @transform_0, window_bounds = array<i64: 1000, 256>}, {pipeline_mode = #tpu.pipeline_mode<synchronous>, transform_indices = @transform_1, window_bounds = array<i64: 256, 128>}, {transform_indices = @transform_2, window_bounds = array<i64: 1000, 128>}, {transform_indices = @transform_3, window_bounds = array<i64: 1000, 128>}]} {
    %get3A = arith.constant 0 : index
    %get3A_0 = arith.constant 0 : index
    %get3A_1 = vector.load %arg3[%get3A, %get3A_0] : memref<1000x128xf32, #tpu.memory_space<vmem>>, vector<1000x128xf32>
    %get3A_2 = arith.constant 0 : index
    %get3A_3 = arith.constant 0 : index
    %get3A_4 = vector.load %arg1[%get3A_2, %get3A_3] : memref<1000x256xf32, #tpu.memory_space<vmem>>, vector<1000x256xf32>
    %get3A_5 = arith.constant 0 : index
    %get3A_6 = arith.constant 0 : index
    %get3A_7 = vector.load %arg2[%get3A_5, %get3A_6] : memref<256x128xf32, #tpu.memory_space<vmem>>, vector<256x128xf32>
    %dot_general3A = arith.constant dense<0.000000e+00> : vector<1000x128xf32>
    %dot_general3A_8 = tpu.matmul %get3A_4, %get3A_7, %dot_general3A {dimension_numbers = #tpu.dot_dimension_numbers<[1], [0], [0], [1], [0, 0, 1, 1], [], []>, transpose_lhs_hint = false} : vector<1000x256xf32>, vector<256x128xf32>, vector<1000x128xf32> -> vector<1000x128xf32>
    %mul3A = arith.mulf %get3A_1, %dot_general3A_8 : vector<1000x128xf32>
    %swap3A = arith.constant 0 : index
    %swap3A_9 = arith.constant 0 : index
    %swap3A_10 = vector.load %arg4[%swap3A, %swap3A_9] : memref<1000x128xf32, #tpu.memory_space<vmem>>, vector<1000x128xf32>
    tpu.vector_store %arg4[%swap3A, %swap3A_9], %mul3A {strides = array<i32>} : memref<1000x128xf32, #tpu.memory_space<vmem>>, vector<1000x128xf32>,
    return
  }
  func.func @transform_0(%arg0: i32) -> (i32, i32) {
    %c0_i32 = arith.constant 0 : i32
    %c0_i32_0 = arith.constant 0 : i32
    return %arg0, %c0_i32 : i32, i32
  }
  func.func @transform_1(%arg0: i32) -> (i32, i32) {
    %c0_i32 = arith.constant 0 : i32
    %c0_i32_0 = arith.constant 0 : i32
    %c0_i32_1 = arith.constant 0 : i32
    return %c0_i32, %c0_i32_0 : i32, i32
  }
  func.func @transform_2(%arg0: i32) -> (i32, i32) {
    %c0_i32 = arith.constant 0 : i32
    %c0_i32_0 = arith.constant 0 : i32
    return %arg0, %c0_i32 : i32, i32
  }
  func.func @transform_3(%arg0: i32) -> (i32, i32) {
    %c0_i32 = arith.constant 0 : i32
    %c0_i32_0 = arith.constant 0 : i32
    return %arg0, %c0_i32 : i32, i32
  }
}

module attributes {stable_mosaic.version = 14 : i64} {
  func.func @_m2_body(%arg0: i32, %arg1: memref<2x1000x128xf32, #tpu.memory_space<vmem>>, %arg2: memref<1000x128xf32, #tpu.memory_space<vmem>>, %arg3: memref<1000x128xf32, #tpu.memory_space<vmem>>, %arg4: memref<128x128xf32, #tpu.memory_space<vmem>>, %arg5: memref<1x128xf32, #tpu.memory_space<vmem>>, %arg6: memref<1000x128xf32, #tpu.memory_space<vmem>>) attributes {dimension_semantics = [#tpu.dimension_semantics<arbitrary>], iteration_bounds = array<i64: 5>, scalar_prefetch = 0 : i64, scratch_operands = 0 : i64, tpu.core_type = #tpu.core_type<tc>, window_params = [{transform_indices = @transform_0, window_bounds = array<i64: 2, 1000, 128>}, {transform_indices = @transform_1, window_bounds = array<i64: 1000, 128>}, {transform_indices = @transform_2, window_bounds = array<i64: 1000, 128>}, {pipeline_mode = #tpu.pipeline_mode<synchronous>, transform_indices = @transform_3, window_bounds = array<i64: 128, 128>}, {pipeline_mode = #tpu.pipeline_mode<synchronous>, transform_indices = @transform_4, window_bounds = array<i64: 1, 128>}, {transform_indices = @transform_5, window_bounds = array<i64: 1000, 128>}]} {
    %get3A = arith.constant 0 : index
    %get3A_0 = arith.constant 0 : index
    %get3A_1 = vector.load %arg3[%get3A, %get3A_0] : memref<1000x128xf32, #tpu.memory_space<vmem>>, vector<1000x128xf32>
    %get3A_2 = arith.constant 0 : index
    %get3A_3 = arith.constant 0 : index
    %get3A_4 = arith.constant 0 : index
    %get3A_5 = vector.load %arg1[%get3A_2, %get3A_3, %get3A_4] : memref<2x1000x128xf32, #tpu.memory_space<vmem>>, vector<1x1000x128xf32>
    %get3A_6 = vector.shape_cast %get3A_5 : vector<1x1000x128xf32> to vector<1000x128xf32>
    %get3A_7 = arith.constant 1 : index
    %get3A_8 = arith.constant 0 : index
    %get3A_9 = arith.constant 0 : index
    %get3A_10 = vector.load %arg1[%get3A_7, %get3A_8, %get3A_9] : memref<2x1000x128xf32, #tpu.memory_space<vmem>>, vector<1x1000x128xf32>
    %get3A_11 = vector.shape_cast %get3A_10 : vector<1x1000x128xf32> to vector<1000x128xf32>
    %add3A = arith.addf %get3A_6, %get3A_11 : vector<1000x128xf32>
    %get3A_12 = arith.constant 0 : index
    %get3A_13 = arith.constant 0 : index
    %get3A_14 = vector.load %arg2[%get3A_12, %get3A_13] : memref<1000x128xf32, #tpu.memory_space<vmem>>, vector<1000x128xf32>
    %add3A_15 = arith.addf %add3A, %get3A_14 : vector<1000x128xf32>
    %mul3A = arith.mulf %get3A_1, %add3A_15 : vector<1000x128xf32>
    %get3A_16 = arith.constant 0 : index
    %get3A_17 = arith.constant 0 : index
    %get3A_18 = vector.load %arg5[%get3A_16, %get3A_17] : memref<1x128xf32, #tpu.memory_space<vmem>>, vector<1x128xf32>
    %add3A_19 = vector.broadcast %get3A_18 : vector<1x128xf32> to vector<1000x128xf32>
    %add3A_20 = arith.addf %mul3A, %add3A_19 : vector<1000x128xf32>
    %get3A_21 = arith.constant 0 : index
    %get3A_22 = arith.constant 0 : index
    %get3A_23 = vector.load %arg4[%get3A_21, %get3A_22] : memref<128x128xf32, #tpu.memory_space<vmem>>, vector<128x128xf32>
    %dot_general3A = arith.constant dense<0.000000e+00> : vector<1000x128xf32>
    %dot_general3A_24 = tpu.matmul %add3A_20, %get3A_23, %dot_general3A {dimension_numbers = #tpu.dot_dimension_numbers<[1], [0], [0], [1], [0, 0, 1, 1], [], []>, transpose_lhs_hint = false} : vector<1000x128xf32>, vector<128x128xf32>, vector<1000x128xf32> -> vector<1000x128xf32>
    %mul3A_25 = arith.mulf %get3A_1, %dot_general3A_24 : vector<1000x128xf32>
    %swap3A = arith.constant 0 : index
    %swap3A_26 = arith.constant 0 : index
    %swap3A_27 = vector.load %arg6[%swap3A, %swap3A_26] : memref<1000x128xf32, #tpu.memory_space<vmem>>, vector<1000x128xf32>
    tpu.vector_store %arg6[%swap3A, %swap3A_26], %mul3A_25 {strides = array<i32>} : memref<1000x128xf32, #tpu.memory_space<vmem>>, vector<1000x128xf32>,
    return
  }
  func.func @transform_0(%arg0: i32) -> (i32, i32, i32) {
    %c0_i32 = arith.constant 0 : i32
    %c0_i32_0 = arith.constant 0 : i32
    %c0_i32_1 = arith.constant 0 : i32
    return %c0_i32, %arg0, %c0_i32_0 : i32, i32, i32
  }
  func.func @transform_1(%arg0: i32) -> (i32, i32) {
    %c0_i32 = arith.constant 0 : i32
    %c0_i32_0 = arith.constant 0 : i32
    return %arg0, %c0_i32 : i32, i32
  }
  func.func @transform_2(%arg0: i32) -> (i32, i32) {
    %c0_i32 = arith.constant 0 : i32
    %c0_i32_0 = arith.constant 0 : i32
    return %arg0, %c0_i32 : i32, i32
  }
  func.func @transform_3(%arg0: i32) -> (i32, i32) {
    %c0_i32 = arith.constant 0 : i32
    %c0_i32_0 = arith.constant 0 : i32
    %c0_i32_1 = arith.constant 0 : i32
    return %c0_i32, %c0_i32_0 : i32, i32
  }
  func.func @transform_4(%arg0: i32) -> (i32, i32) {
    %c0_i32 = arith.constant 0 : i32
    %c0_i32_0 = arith.constant 0 : i32
    %c0_i32_1 = arith.constant 0 : i32
    return %c0_i32, %c0_i32_0 : i32, i32
  }
  func.func @transform_5(%arg0: i32) -> (i32, i32) {
    %c0_i32 = arith.constant 0 : i32
    %c0_i32_0 = arith.constant 0 : i32
    return %arg0, %c0_i32 : i32, i32
  }
}

module attributes {stable_mosaic.version = 14 : i64} {
  func.func @_m3_body(%arg0: i32, %arg1: memref<2x1000x128xf32, #tpu.memory_space<vmem>>, %arg2: memref<1000x128xf32, #tpu.memory_space<vmem>>, %arg3: memref<1000x128xf32, #tpu.memory_space<vmem>>, %arg4: memref<1x128xf32, #tpu.memory_space<vmem>>, %arg5: memref<1000x128xf32, #tpu.memory_space<vmem>>) attributes {dimension_semantics = [#tpu.dimension_semantics<arbitrary>], iteration_bounds = array<i64: 5>, scalar_prefetch = 0 : i64, scratch_operands = 0 : i64, tpu.core_type = #tpu.core_type<tc>, window_params = [{transform_indices = @transform_0, window_bounds = array<i64: 2, 1000, 128>}, {transform_indices = @transform_1, window_bounds = array<i64: 1000, 128>}, {transform_indices = @transform_2, window_bounds = array<i64: 1000, 128>}, {pipeline_mode = #tpu.pipeline_mode<synchronous>, transform_indices = @transform_3, window_bounds = array<i64: 1, 128>}, {transform_indices = @transform_4, window_bounds = array<i64: 1000, 128>}]} {
    %get3A = arith.constant 0 : index
    %get3A_0 = arith.constant 0 : index
    %get3A_1 = vector.load %arg3[%get3A, %get3A_0] : memref<1000x128xf32, #tpu.memory_space<vmem>>, vector<1000x128xf32>
    %get3A_2 = arith.constant 0 : index
    %get3A_3 = arith.constant 0 : index
    %get3A_4 = arith.constant 0 : index
    %get3A_5 = vector.load %arg1[%get3A_2, %get3A_3, %get3A_4] : memref<2x1000x128xf32, #tpu.memory_space<vmem>>, vector<1x1000x128xf32>
    %get3A_6 = vector.shape_cast %get3A_5 : vector<1x1000x128xf32> to vector<1000x128xf32>
    %get3A_7 = arith.constant 1 : index
    %get3A_8 = arith.constant 0 : index
    %get3A_9 = arith.constant 0 : index
    %get3A_10 = vector.load %arg1[%get3A_7, %get3A_8, %get3A_9] : memref<2x1000x128xf32, #tpu.memory_space<vmem>>, vector<1x1000x128xf32>
    %get3A_11 = vector.shape_cast %get3A_10 : vector<1x1000x128xf32> to vector<1000x128xf32>
    %add3A = arith.addf %get3A_6, %get3A_11 : vector<1000x128xf32>
    %get3A_12 = arith.constant 0 : index
    %get3A_13 = arith.constant 0 : index
    %get3A_14 = vector.load %arg2[%get3A_12, %get3A_13] : memref<1000x128xf32, #tpu.memory_space<vmem>>, vector<1000x128xf32>
    %add3A_15 = arith.addf %add3A, %get3A_14 : vector<1000x128xf32>
    %mul3A = arith.mulf %get3A_1, %add3A_15 : vector<1000x128xf32>
    %get3A_16 = arith.constant 0 : index
    %get3A_17 = arith.constant 0 : index
    %get3A_18 = vector.load %arg4[%get3A_16, %get3A_17] : memref<1x128xf32, #tpu.memory_space<vmem>>, vector<1x128xf32>
    %add3A_19 = vector.broadcast %get3A_18 : vector<1x128xf32> to vector<1000x128xf32>
    %add3A_20 = arith.addf %mul3A, %add3A_19 : vector<1000x128xf32>
    %swap3A = arith.constant 0 : index
    %swap3A_21 = arith.constant 0 : index
    %swap3A_22 = vector.load %arg5[%swap3A, %swap3A_21] : memref<1000x128xf32, #tpu.memory_space<vmem>>, vector<1000x128xf32>
    tpu.vector_store %arg5[%swap3A, %swap3A_21], %add3A_20 {strides = array<i32>} : memref<1000x128xf32, #tpu.memory_space<vmem>>, vector<1000x128xf32>,
    return
  }
  func.func @transform_0(%arg0: i32) -> (i32, i32, i32) {
    %c0_i32 = arith.constant 0 : i32
    %c0_i32_0 = arith.constant 0 : i32
    %c0_i32_1 = arith.constant 0 : i32
    return %c0_i32, %arg0, %c0_i32_0 : i32, i32, i32
  }
  func.func @transform_1(%arg0: i32) -> (i32, i32) {
    %c0_i32 = arith.constant 0 : i32
    %c0_i32_0 = arith.constant 0 : i32
    return %arg0, %c0_i32 : i32, i32
  }
  func.func @transform_2(%arg0: i32) -> (i32, i32) {
    %c0_i32 = arith.constant 0 : i32
    %c0_i32_0 = arith.constant 0 : i32
    return %arg0, %c0_i32 : i32, i32
  }
  func.func @transform_3(%arg0: i32) -> (i32, i32) {
    %c0_i32 = arith.constant 0 : i32
    %c0_i32_0 = arith.constant 0 : i32
    %c0_i32_1 = arith.constant 0 : i32
    return %c0_i32, %c0_i32_0 : i32, i32
  }
  func.func @transform_4(%arg0: i32) -> (i32, i32) {
    %c0_i32 = arith.constant 0 : i32
    %c0_i32_0 = arith.constant 0 : i32
    return %arg0, %c0_i32 : i32, i32
  }
}

</mosaic_0001>

<sc_bundles>
// kernel: kernel.12.cloned.1.call-start
scs
__scs_entry_jumppad:
0x0: {  	(pc) =	sbr.rel $0x88, $3  }
0x1: {  	(tag) =	ssettag $0x0;
	lr =	simm.s32 $0x1  }
0x2: {  	[smem:$0x3F9B] =	sst lr;
	_ =	strace $0xD0000000  }
0x3: {  	_ = 	snop  }
0x4: {  	_ = 	snop  }
0x5: {  	_ = 	snop  }
0x6: {  	_ = 	snop  }
0x7: {  	_ = 	snop  }
__scs_overlays_trampoline_lowered:
0x8: {  	[smem:$0x3FAA] =	sst s0  }
0x9: {  	[smem:$0x3FAB] =	sst s1  }
0xa: {  	[smem:$0x3FAC] =	sst s2  }
0xb: {  	[smem:$0x3FAD] =	sst s3  }
0xc: {  	[smem:$0x3FAE] =	sst s4  }
0xd: {  	[smem:$0x3FAF] =	sst s5  }
0xe: {  	[smem:$0x3FB0] =	sst s6  }
0xf: {  	[smem:$0x3FB1] =	sst s7  }
0x10: {  	[smem:$0x3FB2] =	sst s8  }
0x11: {  	[smem:$0x3FB3] =	sst s9;
	s0 =	simm.s32 @!p0 $0x0  }
0x12: {  	s1 =	sld [smem:$0x3F99];
	s0 =	simm.s32 @p0 $0x1  }
0x13: {  	[smem:$0x3FB4] =	sst s0;
	s0 =	simm.s32 @!p1 $0x0  }
0x14: {  	s2 =	sld [smem:$0x3F98];
	s0 =	simm.s32 @p1 $0x1  }
0x15: {  	[smem:$0x3FB5] =	sst s0;
	s0 =	simm.s32 @!p2 $0x0  }
0x16: {  	s3 =	sld [smem:$0x3FDB];
	s0 =	simm.s32 @p2 $0x1  }
0x17: {  	s4 =	simm.s32 $0x1BF5;
	[smem:$0x3FB7] =	sst s0  }
0x18: {  	s0 =	sld [smem:$0x3F9A];
	_ =	swait.ge [sflag:s4], $0x0  }
0x19: {  	s7 =	sld [smem:$0x3F9B]  }
0x1a: {  	s8 =	sadd.s32 $0xFFFFE003, lr  }
0x1b: {  	s9 =	sadd.s32 $0xFFFFFEF7, lr;
	s5 =	simm.s32 $0xFFFFFFFF;
	p2 =	slt.u32 s8, $0xFFFFF086  }
0x1c: {  	p1 =	slt.u32 s9, $0xF7A;
	s5 =	simm.s32 @!p2 $0x0  }
0x1d: {  	s5 =	simm.s32 @p1 $0x1;
	p0 =	seq.s32 s7, s2  }
0x1e: {  	s7 =	smul.u32 @!p0 $0xF7A, s2;
	p2 =	seq.s32 @!p0 s5, $0x0  }
0x1f: {  	s9 =	smul.u32 $0xF7A, s1;
	s8 =	simm.s32 @!p0 $0x1BF5;
	p2 =	por !p2, p0  }
0x20: {  	[sflag:s8] =	ssyncset.s32 @!p0 $0xFFFFF086;
	s6 =	sadd.s32 @!p0 s3, s7;
	s7 =	simm.s32 @!p0 $0x108  }
0x21: {  	s3 =	sadd.s32 s3, s9;
	s6 =	sadd.s32 @!p0 $0x88, s6;
	s7 =	simm.s32 @p2 $0x1082  }
0x22: {  	[simem:s7], [sflag:s8] =	dma.local @!p0 [hbm:s6], $0xF7A  }
0x23: {  	s9 =	sor.u32 $0xD0000000, s2;
	s6 =	simm.s32 $0x108;
	_ =	swait.ge @!p0 [sflag:s8], $0x0  }
0x24: {  	s3 =	sadd.s32 $0x88, s3;
	s6 =	simm.s32 @!p1 $0x1082;
	[sflag:s4] =	ssyncset.s32 $0xFFFFF086  }
0x25: {  	[simem:s6], [sflag:s4] =	dma.local [hbm:s3], $0xF7A  }
0x26: {  	[smem:$0x3F9B] =	sst s1;
	(tag) =	ssettag s2;
	_ =	strace s9  }
0x27: {  	s1 =	sld [smem:$0x3FAB]  }
0x28: {  	s2 =	sld [smem:$0x3FAC]  }
0x29: {  	s4 =	sld [smem:$0x3FAE]  }
0x2a: {  	p0 =	seq.s32 s5, $0x0;
	s5 =	sld [smem:$0x3FAF]  }
0x2b: {  	s6 =	sld [smem:$0x3FB0]  }
0x2c: {  	s7 =	sld [smem:$0x3FB1]  }
0x2d: {  	s3 =	simm.s32 $0x108;
	s8 =	sld [smem:$0x3FB2]  }
0x2e: {  	s3 =	simm.s32 @!p0 $0x1082;
	s9 =	sld [smem:$0x3FB3]  }
0x2f: {  	lr =	sadd.s32 s0, s3;
	s0 =	sld [smem:$0x3FAA]  }
0x30: {  	s3 =	sld [smem:$0x3FAD]  }
0x31: {  	[smem:$0x3FB6] =	sst s10  }
0x32: {  	s10 =	sld [smem:$0x3FB4];
	_ =	sdelay $0x3  }
0x33: {  	p0 =	seq.s32 s10, $0x1;
	s10 =	sld [smem:$0x3FB6];
	_ =	sdelay $0x3  }
0x34: {  	[smem:$0x3FB6] =	sst s10  }
0x35: {  	s10 =	sld [smem:$0x3FB5];
	_ =	sdelay $0x3  }
0x36: {  	p1 =	seq.s32 s10, $0x1;
	s10 =	sld [smem:$0x3FB6];
	_ =	sdelay $0x3  }
0x37: {  	[smem:$0x3FB6] =	sst s10  }
0x38: {  	s10 =	sld [smem:$0x3FB7]  }
0x39: {  	_ = 	snop;
	(pc) =	sbr.ind lr, $3  }
0x3a: {  	_ = 	snop  }
0x3b: {  	_ = 	snop  }
0x3c: {  	p2 =	seq.s32 s10, $0x1;
	s10 =	sld [smem:$0x3FB6]  }
0x3d: {  	_ =	shalt  }
0x3e: {  	_ =	shalt  }
0x3f: {  	_ =	shalt  }
0x40: {  	_ =	shalt  }
0x41: {  	_ =	shalt  }
0x42: {  	_ =	shalt  }
0x43: {  	_ =	shalt  }
0x44: {  	_ =	shalt  }
0x45: {  	_ =	shalt  }
0x46: {  	_ =	shalt  }
0x47: {  	_ =	shalt  }
0x48: {  	_ =	shalt  }
0x49: {  	_ =	shalt  }
0x4a: {  	_ =	shalt  }
0x4b: {  	_ =	shalt  }
0x4c: {  	_ =	shalt  }
0x4d: {  	_ =	shalt  }
0x4e: {  	_ =	shalt  }
0x4f: {  	_ =	shalt  }
0x50: {  	_ =	shalt  }
0x51: {  	_ =	shalt  }
0x52: {  	_ =	shalt  }
0x53: {  	_ =	shalt  }
0x54: {  	_ =	shalt  }
0x55: {  	_ =	shalt  }
0x56: {  	_ =	shalt  }
0x57: {  	_ =	shalt  }
0x58: {  	_ =	shalt  }
0x59: {  	_ =	shalt  }
0x5a: {  	_ =	shalt  }
0x5b: {  	_ =	shalt  }
0x5c: {  	_ =	shalt  }
0x5d: {  	_ =	shalt  }
0x5e: {  	_ =	shalt  }
0x5f: {  	_ =	shalt  }
0x60: {  	_ =	shalt  }
0x61: {  	_ =	shalt  }
0x62: {  	_ =	shalt  }
0x63: {  	_ =	shalt  }
0x64: {  	_ =	shalt  }
0x65: {  	_ =	shalt  }
0x66: {  	_ =	shalt  }
0x67: {  	_ =	shalt  }
0x68: {  	_ =	shalt  }
0x69: {  	_ =	shalt  }
0x6a: {  	_ =	shalt  }
0x6b: {  	_ =	shalt  }
0x6c: {  	_ =	shalt  }
0x6d: {  	_ =	shalt  }
0x6e: {  	_ =	shalt  }
0x6f: {  	_ =	shalt  }
0x70: {  	_ =	shalt  }
0x71: {  	_ =	shalt  }
0x72: {  	_ =	shalt  }
0x73: {  	_ =	shalt  }
0x74: {  	_ =	shalt  }
0x75: {  	_ =	shalt  }
0x76: {  	_ =	shalt  }
0x77: {  	_ =	shalt  }
0x78: {  	_ =	shalt  }
0x79: {  	_ =	shalt  }
0x7a: {  	_ =	shalt  }
0x7b: {  	_ =	shalt  }
0x7c: {  	_ =	shalt  }
0x7d: {  	_ =	shalt  }
0x7e: {  	_ =	shalt  }
0x7f: {  	_ =	shalt  }
0x80: {  	_ =	shalt  }
0x81: {  	_ =	shalt  }
0x82: {  	_ =	shalt  }
0x83: {  	_ =	shalt  }
0x84: {  	_ =	shalt  }
0x85: {  	_ =	shalt  }
0x86: {  	_ =	shalt  }
0x87: {  	_ =	shalt  }
.Lfunc_end0:
.L_simem_size_0:
called_computation.1_lowered:
.L_overlay_start_0:
0x88: {  	s2 =	sld [smem:$0x3FD9]  }
0x89: {  	s3 =	sld [smem:$0x3FFE];
	_ =	sdelay $0x1  }
0x8a: {  	s1 =	srdreg.scid  }
0x8b: {  	s0 =	sand.u32 $0x1, s1  }
0x8c: {  	s17 =	sshll.u32 s0, $0xA;
	s2 =	sadd.s32 s3, s2  }
0x8d: {  	s2 =	sadd.s32 s2, s17  }
0x8e: {  	[smem:$0x3FC2] =	sst s2  }
0x8f: {  	_ = 	snop  }
0x90: {  	s2 =	sld [smem:$0x3FD0];
	(tm) =	ssettm $0x1  }
0x91: {  	s18 =	sld [smem:$0x3FFB];
	_ =	sdelay $0x3  }
0x92: {  	_ =	strace s18  }
0x93: {  	s3 =	sld [smem:$0x3FFC];
	_ =	sdelay $0x3  }
0x94: {  	_ =	strace s3  }
0x95: {  	s3 =	sld [smem:$0x3FFD];
	_ =	sdelay $0x3  }
0x96: {  	_ =	strace s3  }
0x97: {  	_ =	strace $0x8FFFFFFF  }
0x98: {  	s19 =	sld [smem:$0x3FDB];
	_ =	sdelay $0x1  }
0x99: {  	s4 =	simm.s32 $_scs_section_size  }
0x9a: {  	s5 =	simm.s32 $_size__tile_overlayer_lowered;
	s6 =	simm.s32 $_tile_overlayer_lowered  }
0x9b: {  	s22 =	simm.s32 $0x1BFF;
	s21 =	sshll.u32 s6, $0x1;
	s3 =	sadd.s32 s4, s19  }
0x9c: {  	s7 =	simm.s32 $0x0;
	s20 =	sshll.u32 s5, $0x1;
	s5 =	sadd.s32 s21, s3  }
0x9d: {  	[timem:s7], [sflag:s22] =	dma.local [hbm:s5], s20  }
0x9e: {  	_ =	swait.ge [sflag:s22], s20  }
0x9f: {  	s4 =	ssub.s32 $0x0, s20;
	[sflag:s22] =	ssyncset.done $0x0  }
0xa0: {  	[sflag:s22] =	ssyncadd.s32 s4;
	_ =	sdelay $0x1  }
0xa1: {  	s23 =	simm.s32 $0x1B8B  }
0xa2: {  	_ =	swait.ge [sflag:s23], $0x1  }
0xa3: {  	[sflag:s23] =	ssyncset.done $0x0  }
0xa4: {  	s25 =	simm.s32 $0x1B8E;
	s24 =	sld [smem:$0x3FFE];
	[sflag:s23] =	ssyncadd.s32 $0xFFFFFFFF  }
0xa5: {  	s26 =	simm.s32 $execute0_lowered;
	[smem:$0x3FD2] =	sst s25  }
0xa6: {  	s5 =	sshll.u32 s26, $0x1;
	_ =	strace $0x80000049;
	[dreg:$0x1] =	wrdreg $0xFFFFFFFF  }
0xa7: {  	s28 =	simm.s32 $_size_execute0_lowered;
	s3 =	sadd.s32 s3, s5;
	[dreg:$0x0] =	wrdreg $0x0  }
0xa8: {  	s5 =	sshll.u32 s28, $0x1;
	[dreg:$0x2] =	wrdreg s3  }
0xa9: {  	[dreg:$0x3] =	wrdreg s5  }
0xaa: {  	[dreg:$0x4] =	wrdreg $0xC0  }
0xab: {  	_ =	task [dreg:s7], $0x5FFFF  }
0xac: {  	[dreg:$0x1] =	wrdreg $0xFFFFFFFF  }
0xad: {  	[dreg:$0x0] =	wrdreg $0x60  }
0xae: {  	[dreg:$0x2] =	wrdreg s2  }
0xaf: {  	[dreg:$0x3] =	wrdreg s24  }
0xb0: {  	[dreg:$0x4] =	wrdreg $0x150000  }
0xb1: {  	[dreg:$0x5] =	wrdreg $0x9  }
0xb2: {  	_ =	task.clear_ibuf [dreg:s7], $0x6FFFF;
	_ =	strace $0x90000049  }
0xb3: {  	s29 =	simm.s32 $0x9;
	_ =	strace $0x8000004B  }
0xb4: {  	_ =	swait.ge [sflag:s29], $0x1  }
0xb5: {  	[sflag:s29] =	ssyncadd.s32 $0xFFFFFFFF  }
0xb6: {  	_ =	strace $0x9000004B  }
0xb7: {  	_ =	sfence  }
0xb8: {  	s30 =	sld [smem:$0x0];
	_ =	sdelay $0x2  }
0xb9: {  	s31 =	sshll.u32 s1, $0xD;
	s1 =	sshrl.u32 s1, $0x2  }
0xba: {  	s3 =	sand.u32 $0x4000, s31;
	s1 =	sadd.s32 s1, s30  }
0xbb: {  	s0 =	sor.u32 s3, s0;
	s1 =	sshll.u32 s1, $0x11  }
0xbc: {  	s0 =	sor.u32 s1, s0  }
0xbd: {  	s0 =	sadd.s32 $0x8F2B, s0  }
0xbe: {  	[sflag:s0] =	ssyncadd.remote.s32 $0x1  }
0xbf: {  	_ =	sfence.sel $0xFFFF  }
0xc0: {  	[dreg:$0x0] =	wrdreg $0xFFFFFFFF;
	(pc) =	sbr.abs _section_cstart, $3  }
0xc1: {  	[dreg:$0x1] =	wrdreg $0xFFFFFFFF  }
0xc2: {  	_ =	task.clear_ibuf [dreg:s7], $0x2FFFF;
	_ =	strace $0x9FFFFFFF  }
0xc3: {  	(tm) =	ssettm $0x7FFFFFFF  }
tec
execute0_lowered:
.L_overlay_start_1:
0x0: {  	(tag) =	ssettag $0x1  }
0x1: {  	s2 =	rddreg [dreg:$0x0]  }
0x2: {  	s0 =	rddreg [dreg:$0x1];
	s1 =	srdreg.scid  }
0x3: {  	s3 =	rddreg [dreg:$0x2];
	s7 =	stileid.u32;
	s8 =	simm.s32 $0x0  }
0x4: {  	s13 =	simm.s32 $0x11;
	s16 =	simm.s32 $0x5000;
	s17 =	simm.s32 $0x80  }
0x5: {  	s18 =	simm.s32 $0x7000;
	s28 =	simm.s32 $0x3;
	s29 =	simm.s32 $0x4  }
0x6: {  	s30 =	simm.s32 $0x5;
	s31 =	simm.s32 $0x6;
	s15 =	simm.s32 $0x8  }
0x7: {  	s9 =	simm.s32 $0xE;
	s10 =	simm.s32 $0xF;
	s11 =	simm.s32 $0x10  }
0x8: {  	s12 =	simm.s32 $0x0;
	s1 =	sand.u32 $0x1, s1;
	s5 =	smul.u32 $0x9E00, s7  }
0x9: {  	[smem:$0x7FF] =	sst s8;
	s8 =	simm.s32 $0xD;
	s4 =	sshll.u32 s1, $0x4  }
0xa: {  	s6 =	smul.u32 $0x9E000, s1;
	_ =	strace $0x8000004A;
	s1 =	ssub.s32 $0x2, s1  }
0xb: {  	s4 =	sor.u32 s7, s4;
	s7 =	smul.u32 $0x27800, s7;
	s19 =	sshrl.u32 s1, $0x1  }
0xc: {  	s14 =	sadd.s32 s5, s3;
	s4 =	smul.u32 $0x500, s4;
	s6 =	sadd.s32 s5, s6  }
0xd: {  	s1 =	ssub.s32 s1, s19;
	s19 =	simm.s32 $0x9000;
	s5 =	simm.s32 $0xB  }
0xe: {  	[dreg:$0x6] =	wrdreg s14;
	s26 =	smax.u32 s1, $0x1;
	s4 =	sadd.s32 s4, s0  }
0xf: {  	s7 =	sshrl.u32 s7, $0x2;
	[dreg:$0xc] =	wrdreg s26;
	s20 =	sadd.s32 $0x5CA00, s4  }
0x10: {  	s21 =	sadd.s32 s7, s3;
	s4 =	sadd.s32 $0x2A00, s4;
	[dreg:$0x4] =	wrdreg s20  }
0x11: {  	s6 =	sshrl.u32 s6, $0x3;
	s22 =	sadd.s32 $0x2000, s21;
	[dreg:$0x5] =	wrdreg s4  }
0x12: {  	s1 =	simm.s32 $0x9;
	s23 =	sadd.s32 $0x4000, s21;
	[dreg:$0x7] =	wrdreg s22  }
0x13: {  	s0 =	sadd.s32 s6, s0;
	s24 =	sadd.s32 $0x6000, s21;
	[dreg:$0x8] =	wrdreg s23  }
0x14: {  	s26 =	simm.s32 $0x2;
	s25 =	sadd.s32 $0x8000, s21;
	[dreg:$0x9] =	wrdreg s24  }
0x15: {  	s6 =	simm.s32 $0xC;
	s0 =	sadd.s32 $0xCA00, s0;
	[dreg:$0xa] =	wrdreg s25  }
0x16: {  	s21 =	simm.s32 $0xD000;
	[dreg:$0xb] =	wrdreg s0;
	s20 =	simm.s32 $0xB000  }
0x17: {  	s22 =	simm.s32 $0xF000;
	s23 =	simm.s32 $0x11000;
	s24 =	simm.s32 $0x13000  }
0x18: {  	v0 =	vimm.f32 $0.0e+00;
	s25 =	simm.s32 $0x1;
	s0 =	simm.s32 $0x7;
	s4 =	simm.s32 $0xA  }
.LBB2_1:
0x19: {  	[dreg:$0xd] =	wrdreg s12  }
0x1a: {  	s7 =	simm.s32 $0x0;
	s14 =	rddreg [dreg:$0x4]  }
0x1b: {  	[tilespmem:s7], [sflag:$0x11] =	stream.linear.gather [hbm4b:s14+s7], $0x2800, $0x38;
	[tilespmem:$0x1EE00] =	vst v63  }
0x1c: {  	_ =	swait.ge [sflag:s13], $0x2800  }
0x1d: {  	s7 =	simm.s32 $0x2800;
	[sflag:s13] =	ssyncset.done $0x0  }
0x1e: {  	s14 =	simm.s32 $0x0;
	s12 =	rddreg [dreg:$0x5];
	[sflag:s13] =	ssyncadd.s32 $0xFFFFD800  }
0x1f: {  	[tilespmem:s7], [sflag:$0x11] =	stream.linear.gather [hbm4b:s12+s14], $0x2800, $0x38;
	[tilespmem:$0x1EE00] =	vst v63  }
0x20: {  	_ =	swait.ge [sflag:s13], $0x2800  }
0x21: {  	[sflag:s13] =	ssyncset.done $0x0  }
0x22: {  	s12 =	simm.s32 $0x100;
	s7 =	simm.s32 $0x0;
	[sflag:s13] =	ssyncadd.s32 $0xFFFFD800  }
.LBB2_2:
0x23: {  	p0 =	sne.s32 s12, $0x7F00;
	[tilespmem:s7+$0x5030] =	vst v0;
	s13 =	smov.u32 s12;
	s12 =	sadd.s32 $0x100, s12  }
.Ltmp0:
0x24: {  	[tilespmem:s7+$0x5020] =	vst v0;
	(pc) =	sbr.rel @p0 .LBB2_2-.Ltmp0, $3  }
0x25: {  	[tilespmem:s7+$0x5000] =	vst v0  }
0x26: {  	[tilespmem:s7+$0x5010] =	vst v0;
	_ =	sdelay $0x1  }
0x27: {  	s7 =	sshra.s32 s13, $0x2  }
0x28: {  	[tilespmem:s7+$0x5030] =	vst v0  }
0x29: {  	[tilespmem:s7+$0x5020] =	vst v0  }
0x2a: {  	[tilespmem:s7+$0x5000] =	vst v0  }
0x2b: {  	[tilespmem:s7+$0x5010] =	vst v0;
	s13 =	rddreg [dreg:$0x6];
	s12 =	simm.s32 $0x11  }
0x2c: {  	[spmem:s13] =	stream.linear.scatter [tilespmem:s16], [sflag:$0x11], $0x2000, $0x38;
	[tilespmem:$0x1EE00] =	vst v63  }
0x2d: {  	_ =	swait.ge [sflag:s12], $0x2000  }
0x2e: {  	[sflag:s12] =	ssyncset.done $0x0  }
0x2f: {  	s14 =	rddreg [dreg:$0x7];
	[sflag:s12] =	ssyncadd.s32 $0xFFFFE000  }
0x30: {  	[spmem:s14] =	stream.linear.scatter [tilespmem:s16], [sflag:$0x11], $0x2000, $0x38;
	[tilespmem:$0x1EE00] =	vst v63  }
0x31: {  	_ =	swait.ge [sflag:s12], $0x2000  }
0x32: {  	[sflag:s12] =	ssyncset.done $0x0  }
0x33: {  	s13 =	rddreg [dreg:$0x8];
	[sflag:s12] =	ssyncadd.s32 $0xFFFFE000  }
0x34: {  	[spmem:s13] =	stream.linear.scatter [tilespmem:s16], [sflag:$0x11], $0x2000, $0x38;
	[tilespmem:$0x1EE00] =	vst v63  }
0x35: {  	_ =	swait.ge [sflag:s12], $0x2000  }
0x36: {  	[sflag:s12] =	ssyncset.done $0x0  }
0x37: {  	s14 =	rddreg [dreg:$0x9];
	[sflag:s12] =	ssyncadd.s32 $0xFFFFE000  }
0x38: {  	[spmem:s14] =	stream.linear.scatter [tilespmem:s16], [sflag:$0x11], $0x2000, $0x38;
	[tilespmem:$0x1EE00] =	vst v63  }
0x39: {  	_ =	swait.ge [sflag:s12], $0x2000  }
0x3a: {  	[sflag:s12] =	ssyncset.done $0x0  }
0x3b: {  	s13 =	rddreg [dreg:$0xa];
	[sflag:s12] =	ssyncadd.s32 $0xFFFFE000  }
0x3c: {  	[spmem:s13] =	stream.linear.scatter [tilespmem:s16], [sflag:$0x11], $0x1E00, $0x38;
	[tilespmem:$0x1EE00] =	vst v63  }
0x3d: {  	_ =	swait.ge [sflag:s12], $0x1E00  }
0x3e: {  	[sflag:s12] =	ssyncset.done $0x0  }
0x3f: {  	[sflag:s12] =	ssyncadd.s32 $0xFFFFE200  }
0x40: {  	s14 =	simm.s32 $0x0;
	[bflag:$0x0] =	sbarrier.arrive $0xFFFF  }
0x41: {  	[tilespmem:s16], [sflag:$0x1] =	stream.indirect.gather [hbm4b:s2+s17], $0x40, s14, s17, $0xb8;
	[tilespmem:$0x1EE00] =	vst v63  }
0x42: {  	s12 =	simm.s32 $0x80  }
0x43: {  	[tilespmem:s18], [sflag:$0x2] =	stream.indirect.gather [hbm4b:s2+s17], $0x40, s12, s17, $0xb8;
	[tilespmem:$0x1EE00] =	vst v63  }
0x44: {  	s13 =	simm.s32 $0x100  }
0x45: {  	[tilespmem:s19], [sflag:$0x3] =	stream.indirect.gather [hbm4b:s2+s17], $0x40, s13, s17, $0xb8;
	[tilespmem:$0x1EE00] =	vst v63  }
0x46: {  	s14 =	simm.s32 $0x180  }
0x47: {  	[tilespmem:s20], [sflag:$0x4] =	stream.indirect.gather [hbm4b:s2+s17], $0x40, s14, s17, $0xb8;
	[tilespmem:$0x1EE00] =	vst v63  }
0x48: {  	s12 =	simm.s32 $0x200  }
0x49: {  	[tilespmem:s21], [sflag:$0x5] =	stream.indirect.gather [hbm4b:s2+s17], $0x40, s12, s17, $0xb8;
	[tilespmem:$0x1EE00] =	vst v63  }
0x4a: {  	s13 =	simm.s32 $0x280  }
0x4b: {  	[tilespmem:s22], [sflag:$0x6] =	stream.indirect.gather [hbm4b:s2+s17], $0x40, s13, s17, $0xb8;
	[tilespmem:$0x1EE00] =	vst v63  }
0x4c: {  	s14 =	simm.s32 $0x300  }
0x4d: {  	[tilespmem:s23], [sflag:$0x7] =	stream.indirect.gather [hbm4b:s2+s17], $0x40, s14, s17, $0xb8;
	[tilespmem:$0x1EE00] =	vst v63  }
0x4e: {  	s12 =	simm.s32 $0x380  }
0x4f: {  	[tilespmem:s24], [sflag:$0x8] =	stream.indirect.gather [hbm4b:s2+s17], $0x40, s12, s17, $0xb8;
	[tilespmem:$0x1EE00] =	vst v63  }
0x50: {  	_ =	swait.ge [sflag:s25], $0x2000  }
0x51: {  	[sflag:s25] =	ssyncset.done $0x0  }
0x52: {  	s13 =	simm.s32 $0x2800;
	[sflag:s25] =	ssyncadd.s32 $0xFFFFE000  }
0x53: {  	[spmem:s3] =	stream.indirect.scatter.add.f32 [tilespmem:s16], [sflag:$0x9], $0x40, s13, s17, $0xb8;
	[tilespmem:$0x1EE00] =	vst v63  }
0x54: {  	_ =	swait.ge [sflag:s26], $0x2000  }
0x55: {  	[sflag:s26] =	ssyncset.done $0x0  }
0x56: {  	s14 =	simm.s32 $0x2880;
	[sflag:s26] =	ssyncadd.s32 $0xFFFFE000  }
0x57: {  	[spmem:s3] =	stream.indirect.scatter.add.f32 [tilespmem:s18], [sflag:$0xA], $0x40, s14, s17, $0xb8;
	[tilespmem:$0x1EE00] =	vst v63  }
0x58: {  	_ =	swait.ge [sflag:s28], $0x2000  }
0x59: {  	[sflag:s28] =	ssyncset.done $0x0  }
0x5a: {  	s12 =	simm.s32 $0x2900;
	[sflag:s28] =	ssyncadd.s32 $0xFFFFE000  }
0x5b: {  	[spmem:s3] =	stream.indirect.scatter.add.f32 [tilespmem:s19], [sflag:$0xB], $0x40, s12, s17, $0xb8;
	[tilespmem:$0x1EE00] =	vst v63  }
0x5c: {  	_ =	swait.ge [sflag:s29], $0x2000  }
0x5d: {  	[sflag:s29] =	ssyncset.done $0x0  }
0x5e: {  	s13 =	simm.s32 $0x2980;
	[sflag:s29] =	ssyncadd.s32 $0xFFFFE000  }
0x5f: {  	[spmem:s3] =	stream.indirect.scatter.add.f32 [tilespmem:s20], [sflag:$0xC], $0x40, s13, s17, $0xb8;
	[tilespmem:$0x1EE00] =	vst v63  }
0x60: {  	_ =	swait.ge [sflag:s30], $0x2000  }
0x61: {  	[sflag:s30] =	ssyncset.done $0x0  }
0x62: {  	s14 =	simm.s32 $0x2A00;
	[sflag:s30] =	ssyncadd.s32 $0xFFFFE000  }
0x63: {  	[spmem:s3] =	stream.indirect.scatter.add.f32 [tilespmem:s21], [sflag:$0xD], $0x40, s14, s17, $0xb8;
	[tilespmem:$0x1EE00] =	vst v63  }
0x64: {  	_ =	swait.ge [sflag:s31], $0x2000  }
0x65: {  	[sflag:s31] =	ssyncset.done $0x0  }
0x66: {  	s12 =	simm.s32 $0x2A80;
	[sflag:s31] =	ssyncadd.s32 $0xFFFFE000  }
0x67: {  	[spmem:s3] =	stream.indirect.scatter.add.f32 [tilespmem:s22], [sflag:$0xE], $0x40, s12, s17, $0xb8;
	[tilespmem:$0x1EE00] =	vst v63  }
0x68: {  	_ =	swait.ge [sflag:s0], $0x2000  }
0x69: {  	[sflag:s0] =	ssyncset.done $0x0  }
0x6a: {  	s13 =	simm.s32 $0x2B00;
	[sflag:s0] =	ssyncadd.s32 $0xFFFFE000  }
0x6b: {  	[spmem:s3] =	stream.indirect.scatter.add.f32 [tilespmem:s23], [sflag:$0xF], $0x40, s13, s17, $0xb8;
	[tilespmem:$0x1EE00] =	vst v63  }
0x6c: {  	_ =	swait.ge [sflag:s15], $0x2000  }
0x6d: {  	[sflag:s15] =	ssyncset.done $0x0  }
0x6e: {  	s14 =	simm.s32 $0x2B80;
	[sflag:s15] =	ssyncadd.s32 $0xFFFFE000  }
0x6f: {  	[spmem:s3] =	stream.indirect.scatter.add.f32 [tilespmem:s24], [sflag:$0x10], $0x40, s14, s17, $0xb8;
	[tilespmem:$0x1EE00] =	vst v63  }
0x70: {  	_ =	swait.ge [sflag:s1], $0x2000  }
0x71: {  	[sflag:s1] =	ssyncset.done $0x0  }
0x72: {  	[sflag:s1] =	ssyncadd.s32 $0xFFFFE000  }
0x73: {  	_ =	swait.ge [sflag:s4], $0x2000  }
0x74: {  	[sflag:s4] =	ssyncset.done $0x0  }
0x75: {  	[sflag:s4] =	ssyncadd.s32 $0xFFFFE000  }
0x76: {  	_ =	swait.ge [sflag:s5], $0x2000  }
0x77: {  	[sflag:s5] =	ssyncset.done $0x0  }
0x78: {  	[sflag:s5] =	ssyncadd.s32 $0xFFFFE000  }
0x79: {  	_ =	swait.ge [sflag:s6], $0x2000  }
0x7a: {  	[sflag:s6] =	ssyncset.done $0x0  }
0x7b: {  	[sflag:s6] =	ssyncadd.s32 $0xFFFFE000  }
0x7c: {  	_ =	swait.ge [sflag:s8], $0x2000  }
0x7d: {  	[sflag:s8] =	ssyncset.done $0x0  }
0x7e: {  	[sflag:s8] =	ssyncadd.s32 $0xFFFFE000  }
0x7f: {  	_ =	swait.ge [sflag:s9], $0x2000  }
0x80: {  	[sflag:s9] =	ssyncset.done $0x0  }
0x81: {  	[sflag:s9] =	ssyncadd.s32 $0xFFFFE000  }
0x82: {  	_ =	swait.ge [sflag:s10], $0x2000  }
0x83: {  	[sflag:s10] =	ssyncset.done $0x0  }
0x84: {  	[sflag:s10] =	ssyncadd.s32 $0xFFFFE000  }
0x85: {  	_ =	swait.ge [sflag:s11], $0x2000  }
0x86: {  	s7 =	simm.s32 $0x2000;
	s13 =	simm.s32 $0x1000;
	[sflag:s11] =	ssyncset.done $0x0  }
.LBB2_4:
0x87: {  	s12 =	sshra.s32 s13, $0x2  }
0x88: {  	[sflag:s11] =	ssyncadd.s32 $0xFFFFE000;
	s13 =	smov.u32 s7;
	s14 =	sadd.s32 $0x1000, s7  }
0x89: {  	[tilespmem:s16], [sflag:$0x1] =	stream.indirect.gather [hbm4b:s2+s17], $0x40, s12, s17, $0xb8;
	[tilespmem:$0x1EE00] =	vst v63  }
0x8a: {  	p0 =	sne.s32 s7, $0x9000;
	s7 =	sadd.s32 $0x80, s12  }
0x8b: {  	[tilespmem:s18], [sflag:$0x2] =	stream.indirect.gather [hbm4b:s2+s17], $0x40, s7, s17, $0xb8;
	[tilespmem:$0x1EE00] =	vst v63  }
0x8c: {  	s7 =	sadd.s32 $0x100, s12  }
0x8d: {  	[tilespmem:s19], [sflag:$0x3] =	stream.indirect.gather [hbm4b:s2+s17], $0x40, s7, s17, $0xb8;
	[tilespmem:$0x1EE00] =	vst v63  }
0x8e: {  	s7 =	sadd.s32 $0x180, s12  }
0x8f: {  	[tilespmem:s20], [sflag:$0x4] =	stream.indirect.gather [hbm4b:s2+s17], $0x40, s7, s17, $0xb8;
	[tilespmem:$0x1EE00] =	vst v63  }
0x90: {  	s7 =	sadd.s32 $0x200, s12  }
0x91: {  	[tilespmem:s21], [sflag:$0x5] =	stream.indirect.gather [hbm4b:s2+s17], $0x40, s7, s17, $0xb8;
	[tilespmem:$0x1EE00] =	vst v63  }
0x92: {  	s7 =	sadd.s32 $0x280, s12  }
0x93: {  	[tilespmem:s22], [sflag:$0x6] =	stream.indirect.gather [hbm4b:s2+s17], $0x40, s7, s17, $0xb8;
	[tilespmem:$0x1EE00] =	vst v63  }
0x94: {  	s7 =	sadd.s32 $0x300, s12  }
0x95: {  	[tilespmem:s23], [sflag:$0x7] =	stream.indirect.gather [hbm4b:s2+s17], $0x40, s7, s17, $0xb8;
	[tilespmem:$0x1EE00] =	vst v63  }
0x96: {  	s7 =	sadd.s32 $0x380, s12  }
0x97: {  	[tilespmem:s24], [sflag:$0x8] =	stream.indirect.gather [hbm4b:s2+s17], $0x40, s7, s17, $0xb8;
	[tilespmem:$0x1EE00] =	vst v63  }
0x98: {  	_ =	swait.ge [sflag:s25], $0x2000  }
0x99: {  	[sflag:s25] =	ssyncset.done $0x0  }
0x9a: {  	s7 =	sadd.s32 $0x2800, s12;
	[sflag:s25] =	ssyncadd.s32 $0xFFFFE000  }
0x9b: {  	[spmem:s3] =	stream.indirect.scatter.add.f32 [tilespmem:s16], [sflag:$0x9], $0x40, s7, s17, $0xb8;
	[tilespmem:$0x1EE00] =	vst v63  }
0x9c: {  	_ =	swait.ge [sflag:s26], $0x2000  }
0x9d: {  	[sflag:s26] =	ssyncset.done $0x0  }
0x9e: {  	s7 =	sadd.s32 $0x2880, s12;
	[sflag:s26] =	ssyncadd.s32 $0xFFFFE000  }
0x9f: {  	[spmem:s3] =	stream.indirect.scatter.add.f32 [tilespmem:s18], [sflag:$0xA], $0x40, s7, s17, $0xb8;
	[tilespmem:$0x1EE00] =	vst v63  }
0xa0: {  	_ =	swait.ge [sflag:s28], $0x2000  }
0xa1: {  	[sflag:s28] =	ssyncset.done $0x0  }
0xa2: {  	s7 =	sadd.s32 $0x2900, s12;
	[sflag:s28] =	ssyncadd.s32 $0xFFFFE000  }
0xa3: {  	[spmem:s3] =	stream.indirect.scatter.add.f32 [tilespmem:s19], [sflag:$0xB], $0x40, s7, s17, $0xb8;
	[tilespmem:$0x1EE00] =	vst v63  }
0xa4: {  	_ =	swait.ge [sflag:s29], $0x2000  }
0xa5: {  	[sflag:s29] =	ssyncset.done $0x0  }
0xa6: {  	s7 =	sadd.s32 $0x2980, s12;
	[sflag:s29] =	ssyncadd.s32 $0xFFFFE000  }
0xa7: {  	[spmem:s3] =	stream.indirect.scatter.add.f32 [tilespmem:s20], [sflag:$0xC], $0x40, s7, s17, $0xb8;
	[tilespmem:$0x1EE00] =	vst v63  }
0xa8: {  	_ =	swait.ge [sflag:s30], $0x2000  }
0xa9: {  	[sflag:s30] =	ssyncset.done $0x0  }
0xaa: {  	s7 =	sadd.s32 $0x2A00, s12;
	[sflag:s30] =	ssyncadd.s32 $0xFFFFE000  }
0xab: {  	[spmem:s3] =	stream.indirect.scatter.add.f32 [tilespmem:s21], [sflag:$0xD], $0x40, s7, s17, $0xb8;
	[tilespmem:$0x1EE00] =	vst v63  }
0xac: {  	_ =	swait.ge [sflag:s31], $0x2000  }
0xad: {  	[sflag:s31] =	ssyncset.done $0x0  }
0xae: {  	s7 =	sadd.s32 $0x2A80, s12;
	[sflag:s31] =	ssyncadd.s32 $0xFFFFE000  }
0xaf: {  	[spmem:s3] =	stream.indirect.scatter.add.f32 [tilespmem:s22], [sflag:$0xE], $0x40, s7, s17, $0xb8;
	[tilespmem:$0x1EE00] =	vst v63  }
0xb0: {  	_ =	swait.ge [sflag:s0], $0x2000  }
0xb1: {  	[sflag:s0] =	ssyncset.done $0x0  }
0xb2: {  	s7 =	sadd.s32 $0x2B00, s12;
	[sflag:s0] =	ssyncadd.s32 $0xFFFFE000  }
0xb3: {  	[spmem:s3] =	stream.indirect.scatter.add.f32 [tilespmem:s23], [sflag:$0xF], $0x40, s7, s17, $0xb8;
	[tilespmem:$0x1EE00] =	vst v63  }
0xb4: {  	_ =	swait.ge [sflag:s15], $0x2000  }
0xb5: {  	[sflag:s15] =	ssyncset.done $0x0  }
0xb6: {  	s7 =	sadd.s32 $0x2B80, s12;
	[sflag:s15] =	ssyncadd.s32 $0xFFFFE000  }
0xb7: {  	[spmem:s3] =	stream.indirect.scatter.add.f32 [tilespmem:s24], [sflag:$0x10], $0x40, s7, s17, $0xb8;
	[tilespmem:$0x1EE00] =	vst v63  }
0xb8: {  	_ =	swait.ge [sflag:s1], $0x2000  }
0xb9: {  	[sflag:s1] =	ssyncset.done $0x0  }
0xba: {  	[sflag:s1] =	ssyncadd.s32 $0xFFFFE000  }
0xbb: {  	_ =	swait.ge [sflag:s4], $0x2000  }
0xbc: {  	[sflag:s4] =	ssyncset.done $0x0  }
0xbd: {  	[sflag:s4] =	ssyncadd.s32 $0xFFFFE000  }
0xbe: {  	_ =	swait.ge [sflag:s5], $0x2000  }
0xbf: {  	[sflag:s5] =	ssyncset.done $0x0  }
0xc0: {  	[sflag:s5] =	ssyncadd.s32 $0xFFFFE000  }
0xc1: {  	_ =	swait.ge [sflag:s6], $0x2000  }
0xc2: {  	[sflag:s6] =	ssyncset.done $0x0  }
0xc3: {  	[sflag:s6] =	ssyncadd.s32 $0xFFFFE000  }
0xc4: {  	_ =	swait.ge [sflag:s8], $0x2000  }
0xc5: {  	[sflag:s8] =	ssyncset.done $0x0  }
0xc6: {  	[sflag:s8] =	ssyncadd.s32 $0xFFFFE000  }
0xc7: {  	_ =	swait.ge [sflag:s9], $0x2000  }
0xc8: {  	[sflag:s9] =	ssyncset.done $0x0  }
0xc9: {  	[sflag:s9] =	ssyncadd.s32 $0xFFFFE000  }
.Ltmp1:
0xca: {  	_ =	swait.ge [sflag:s10], $0x2000;
	(pc) =	sbr.rel @p0 .LBB2_4-.Ltmp1, $4  }
0xcb: {  	[sflag:s10] =	ssyncset.done $0x0  }
0xcc: {  	[sflag:s10] =	ssyncadd.s32 $0xFFFFE000  }
0xcd: {  	_ =	swait.ge [sflag:s11], $0x2000  }
0xce: {  	s7 =	smov.u32 s14;
	[sflag:s11] =	ssyncset.done $0x0  }
0xcf: {  	s7 =	sshra.s32 s13, $0x2;
	[sflag:s11] =	ssyncadd.s32 $0xFFFFE000  }
0xd0: {  	[tilespmem:s16], [sflag:$0x1] =	stream.indirect.gather [hbm4b:s2+s17], $0x40, s7, s17, $0xb8;
	[tilespmem:$0x1EE00] =	vst v63  }
0xd1: {  	s12 =	sadd.s32 $0x80, s7  }
0xd2: {  	[tilespmem:s18], [sflag:$0x2] =	stream.indirect.gather [hbm4b:s2+s17], $0x40, s12, s17, $0xb8;
	[tilespmem:$0x1EE00] =	vst v63  }
0xd3: {  	s14 =	sadd.s32 $0x100, s7  }
0xd4: {  	[tilespmem:s19], [sflag:$0x3] =	stream.indirect.gather [hbm4b:s2+s17], $0x40, s14, s17, $0xb8;
	[tilespmem:$0x1EE00] =	vst v63  }
0xd5: {  	s13 =	sadd.s32 $0x180, s7  }
0xd6: {  	[tilespmem:s20], [sflag:$0x4] =	stream.indirect.gather [hbm4b:s2+s17], $0x40, s13, s17, $0xb8;
	[tilespmem:$0x1EE00] =	vst v63  }
0xd7: {  	s14 =	sadd.s32 $0x200, s7  }
0xd8: {  	[tilespmem:s21], [sflag:$0x5] =	stream.indirect.gather [hbm4b:s2+s17], $0x40, s14, s17, $0xb8;
	[tilespmem:$0x1EE00] =	vst v63  }
0xd9: {  	s13 =	sadd.s32 $0x280, s7  }
0xda: {  	[tilespmem:s22], [sflag:$0x6] =	stream.indirect.gather [hbm4b:s2+s17], $0x40, s13, s17, $0xb8;
	[tilespmem:$0x1EE00] =	vst v63  }
0xdb: {  	s14 =	sadd.s32 $0x300, s7  }
0xdc: {  	[tilespmem:s23], [sflag:$0x7] =	stream.indirect.gather [hbm4b:s2+s17], $0x40, s14, s17, $0xb8;
	[tilespmem:$0x1EE00] =	vst v63  }
0xdd: {  	s13 =	sadd.s32 $0x380, s7  }
0xde: {  	[tilespmem:s24], [sflag:$0x8] =	stream.indirect.gather [hbm4b:s2+s17], $0x40, s13, s17, $0xb8;
	[tilespmem:$0x1EE00] =	vst v63  }
0xdf: {  	_ =	swait.ge [sflag:s25], $0x2000  }
0xe0: {  	[sflag:s25] =	ssyncset.done $0x0  }
0xe1: {  	s14 =	sadd.s32 $0x2800, s7;
	[sflag:s25] =	ssyncadd.s32 $0xFFFFE000  }
0xe2: {  	[spmem:s3] =	stream.indirect.scatter.add.f32 [tilespmem:s16], [sflag:$0x9], $0x40, s14, s17, $0xb8;
	[tilespmem:$0x1EE00] =	vst v63  }
0xe3: {  	_ =	swait.ge [sflag:s26], $0x2000  }
0xe4: {  	[sflag:s26] =	ssyncset.done $0x0  }
0xe5: {  	s13 =	sadd.s32 $0x2880, s7;
	[sflag:s26] =	ssyncadd.s32 $0xFFFFE000  }
0xe6: {  	[spmem:s3] =	stream.indirect.scatter.add.f32 [tilespmem:s18], [sflag:$0xA], $0x40, s13, s17, $0xb8;
	[tilespmem:$0x1EE00] =	vst v63  }
0xe7: {  	_ =	swait.ge [sflag:s28], $0x2000  }
0xe8: {  	[sflag:s28] =	ssyncset.done $0x0  }
0xe9: {  	s14 =	sadd.s32 $0x2900, s7;
	[sflag:s28] =	ssyncadd.s32 $0xFFFFE000  }
0xea: {  	[spmem:s3] =	stream.indirect.scatter.add.f32 [tilespmem:s19], [sflag:$0xB], $0x40, s14, s17, $0xb8;
	[tilespmem:$0x1EE00] =	vst v63  }
0xeb: {  	_ =	swait.ge [sflag:s29], $0x2000  }
0xec: {  	[sflag:s29] =	ssyncset.done $0x0  }
0xed: {  	s13 =	sadd.s32 $0x2980, s7;
	[sflag:s29] =	ssyncadd.s32 $0xFFFFE000  }
0xee: {  	[spmem:s3] =	stream.indirect.scatter.add.f32 [tilespmem:s20], [sflag:$0xC], $0x40, s13, s17, $0xb8;
	[tilespmem:$0x1EE00] =	vst v63  }
0xef: {  	_ =	swait.ge [sflag:s30], $0x2000  }
0xf0: {  	[sflag:s30] =	ssyncset.done $0x0  }
0xf1: {  	s14 =	sadd.s32 $0x2A00, s7;
	[sflag:s30] =	ssyncadd.s32 $0xFFFFE000  }
0xf2: {  	[spmem:s3] =	stream.indirect.scatter.add.f32 [tilespmem:s21], [sflag:$0xD], $0x40, s14, s17, $0xb8;
	[tilespmem:$0x1EE00] =	vst v63  }
0xf3: {  	_ =	swait.ge [sflag:s31], $0x2000  }
0xf4: {  	[sflag:s31] =	ssyncset.done $0x0  }
0xf5: {  	s13 =	sadd.s32 $0x2A80, s7;
	[sflag:s31] =	ssyncadd.s32 $0xFFFFE000  }
0xf6: {  	[spmem:s3] =	stream.indirect.scatter.add.f32 [tilespmem:s22], [sflag:$0xE], $0x40, s13, s17, $0xb8;
	[tilespmem:$0x1EE00] =	vst v63  }
0xf7: {  	_ =	swait.ge [sflag:s0], $0x2000  }
0xf8: {  	[sflag:s0] =	ssyncset.done $0x0  }
0xf9: {  	s14 =	sadd.s32 $0x2B00, s7;
	[sflag:s0] =	ssyncadd.s32 $0xFFFFE000  }
0xfa: {  	[spmem:s3] =	stream.indirect.scatter.add.f32 [tilespmem:s23], [sflag:$0xF], $0x40, s14, s17, $0xb8;
	[tilespmem:$0x1EE00] =	vst v63  }
0xfb: {  	_ =	swait.ge [sflag:s15], $0x2000  }
0xfc: {  	[sflag:s15] =	ssyncset.done $0x0  }
0xfd: {  	s7 =	sadd.s32 $0x2B80, s7;
	[sflag:s15] =	ssyncadd.s32 $0xFFFFE000  }
0xfe: {  	[spmem:s3] =	stream.indirect.scatter.add.f32 [tilespmem:s24], [sflag:$0x10], $0x40, s7, s17, $0xb8;
	[tilespmem:$0x1EE00] =	vst v63  }
0xff: {  	_ =	swait.ge [sflag:s1], $0x2000  }
0x100: {  	[sflag:s1] =	ssyncset.done $0x0  }
0x101: {  	[sflag:s1] =	ssyncadd.s32 $0xFFFFE000  }
0x102: {  	_ =	swait.ge [sflag:s4], $0x2000  }
0x103: {  	[sflag:s4] =	ssyncset.done $0x0  }
0x104: {  	[sflag:s4] =	ssyncadd.s32 $0xFFFFE000  }
0x105: {  	_ =	swait.ge [sflag:s5], $0x2000  }
0x106: {  	[sflag:s5] =	ssyncset.done $0x0  }
0x107: {  	[sflag:s5] =	ssyncadd.s32 $0xFFFFE000  }
0x108: {  	_ =	swait.ge [sflag:s6], $0x2000  }
0x109: {  	[sflag:s6] =	ssyncset.done $0x0  }
0x10a: {  	[sflag:s6] =	ssyncadd.s32 $0xFFFFE000  }
0x10b: {  	_ =	swait.ge [sflag:s8], $0x2000  }
0x10c: {  	[sflag:s8] =	ssyncset.done $0x0  }
0x10d: {  	[sflag:s8] =	ssyncadd.s32 $0xFFFFE000  }
0x10e: {  	_ =	swait.ge [sflag:s9], $0x2000  }
0x10f: {  	[sflag:s9] =	ssyncset.done $0x0  }
0x110: {  	[sflag:s9] =	ssyncadd.s32 $0xFFFFE000  }
0x111: {  	_ =	swait.ge [sflag:s10], $0x2000  }
0x112: {  	[sflag:s10] =	ssyncset.done $0x0  }
0x113: {  	[sflag:s10] =	ssyncadd.s32 $0xFFFFE000  }
0x114: {  	_ =	swait.ge [sflag:s11], $0x2000  }
0x115: {  	[sflag:s11] =	ssyncset.done $0x0  }
0x116: {  	[sflag:s11] =	ssyncadd.s32 $0xFFFFE000  }
0x117: {  	s12 =	stileid.u32;
	[bflag:$0x0] =	sbarrier.arrive $0xFFFF  }
0x118: {  	s7 =	sshll.u32 s12, $0x6;
	s14 =	rddreg [dreg:$0x6]  }
0x119: {  	s7 =	sor.u32 $0x1C11, s7;
	s13 =	sshrl.u32 s14, $0x3;
	s14 =	rddreg [dreg:$0xb]  }
0x11a: {  	[hbm:s14], [sflag:s7] =	dma.local [spmem:s13], $0x13C0  }
0x11b: {  	s13 =	simm.s32 $0x11  }
0x11c: {  	_ =	swait.ge [sflag:s13], $0x13C0  }
0x11d: {  	s7 =	rddreg [dreg:$0xd]  }
0x11e: {  	s14 =	rddreg [dreg:$0xc];
	s12 =	sadd.s32 $0x1, s7  }
0x11f: {  	p0 =	sne.s32 s12, s14  }
.Ltmp2:
0x120: {  	_ = 	snop;
	(pc) =	sbr.rel @p0 .LBB2_1-.Ltmp2, $3  }
0x121: {  	_ =	sdelay $0x1  }
0x122: {  	[sflag:s13] =	ssyncset.done $0x0  }
0x123: {  	[sflag:s13] =	ssyncadd.s32 $0xFFFFEC40  }
0x124: {  	_ =	sfence.sel $0x180000  }
0x125: {  	[bflag:$0x0] =	sbarrier.arrive $0xFFFF  }
0x126: {  	_ =	strace $0x9000004A  }
0x127: {  	s0 =	stileid.u32;
	[bflag:$0x2] =	sbarrier.arrive $0xFFFF  }
0x128: {  	p0 =	sne.s32 s0, $0x0;
	s0 =	rddreg [dreg:$0x3]  }
0x129: {  	s0 =	sadd.s32 @!p0 $0x100000, s0  }
0x12a: {  	[sflag:s0] =	ssyncadd.tile.s32 @!p0 $0x1;
	_ =	shalt  }
.Lfunc_end2:
_tile_overlayer_lowered:
.L_overlay_start_2:
0x12b: {  	(tag) =	ssettag $0x2  }
0x12c: {  	s0 =	rddreg [dreg:$0x0];
	s2 =	stileid.u32  }
0x12d: {  	s1 =	rddreg [dreg:$0x1];
	p0 =	sne.s32 s2, $0x0  }
0x12e: {  	s3 =	rddreg [dreg:$0x2];
	[bflag:$0x3] =	sbarrier.arrive $0xFFFF;
	s2 =	simm.s32 @!p0 $0x1C11  }
0x12f: {  	[timem:s3], [sflag:s2] =	dma.local @!p0 [hbm:s0], s1  }
0x130: {  	s0 =	simm.s32 @!p0 $0x11  }
0x131: {  	_ =	swait.ge @!p0 [sflag:s0], s1  }
0x132: {  	s1 =	ssub.s32 @!p0 $0x0, s1;
	[sflag:s0] =	ssyncset.done @!p0 $0x0  }
0x133: {  	[sflag:s0] =	ssyncadd.s32 @!p0 s1  }
0x134: {  	[bflag:$0x3] =	sbarrier.arrive $0xFFFF  }
0x135: {  	_ =	shalt  }

// kernel: kernel.15.cloned.1.call-start
scs
__scs_entry_jumppad:
0x0: {  	(pc) =	sbr.rel $0x88, $3  }
0x1: {  	(tag) =	ssettag $0x0;
	lr =	simm.s32 $0x1  }
0x2: {  	[smem:$0x3F9B] =	sst lr;
	_ =	strace $0xD0000000  }
0x3: {  	_ = 	snop  }
0x4: {  	_ = 	snop  }
0x5: {  	_ = 	snop  }
0x6: {  	_ = 	snop  }
0x7: {  	_ = 	snop  }
__scs_overlays_trampoline_lowered:
0x8: {  	[smem:$0x3FAA] =	sst s0  }
0x9: {  	[smem:$0x3FAB] =	sst s1  }
0xa: {  	[smem:$0x3FAC] =	sst s2  }
0xb: {  	[smem:$0x3FAD] =	sst s3  }
0xc: {  	[smem:$0x3FAE] =	sst s4  }
0xd: {  	[smem:$0x3FAF] =	sst s5  }
0xe: {  	[smem:$0x3FB0] =	sst s6  }
0xf: {  	[smem:$0x3FB1] =	sst s7  }
0x10: {  	[smem:$0x3FB2] =	sst s8  }
0x11: {  	[smem:$0x3FB3] =	sst s9;
	s0 =	simm.s32 @!p0 $0x0  }
0x12: {  	s1 =	sld [smem:$0x3F99];
	s0 =	simm.s32 @p0 $0x1  }
0x13: {  	[smem:$0x3FB4] =	sst s0;
	s0 =	simm.s32 @!p1 $0x0  }
0x14: {  	s2 =	sld [smem:$0x3F98];
	s0 =	simm.s32 @p1 $0x1  }
0x15: {  	[smem:$0x3FB5] =	sst s0;
	s0 =	simm.s32 @!p2 $0x0  }
0x16: {  	s3 =	sld [smem:$0x3FDB];
	s0 =	simm.s32 @p2 $0x1  }
0x17: {  	s4 =	simm.s32 $0x1BF5;
	[smem:$0x3FB7] =	sst s0  }
0x18: {  	s0 =	sld [smem:$0x3F9A];
	_ =	swait.ge [sflag:s4], $0x0  }
0x19: {  	s7 =	sld [smem:$0x3F9B]  }
0x1a: {  	s8 =	sadd.s32 $0xFFFFE003, lr  }
0x1b: {  	s9 =	sadd.s32 $0xFFFFFEF7, lr;
	s5 =	simm.s32 $0xFFFFFFFF;
	p2 =	slt.u32 s8, $0xFFFFF086  }
0x1c: {  	p1 =	slt.u32 s9, $0xF7A;
	s5 =	simm.s32 @!p2 $0x0  }
0x1d: {  	s5 =	simm.s32 @p1 $0x1;
	p0 =	seq.s32 s7, s2  }
0x1e: {  	s7 =	smul.u32 @!p0 $0xF7A, s2;
	p2 =	seq.s32 @!p0 s5, $0x0  }
0x1f: {  	s9 =	smul.u32 $0xF7A, s1;
	s8 =	simm.s32 @!p0 $0x1BF5;
	p2 =	por !p2, p0  }
0x20: {  	[sflag:s8] =	ssyncset.s32 @!p0 $0xFFFFF086;
	s6 =	sadd.s32 @!p0 s3, s7;
	s7 =	simm.s32 @!p0 $0x108  }
0x21: {  	s3 =	sadd.s32 s3, s9;
	s6 =	sadd.s32 @!p0 $0x88, s6;
	s7 =	simm.s32 @p2 $0x1082  }
0x22: {  	[simem:s7], [sflag:s8] =	dma.local @!p0 [hbm:s6], $0xF7A  }
0x23: {  	s9 =	sor.u32 $0xD0000000, s2;
	s6 =	simm.s32 $0x108;
	_ =	swait.ge @!p0 [sflag:s8], $0x0  }
0x24: {  	s3 =	sadd.s32 $0x88, s3;
	s6 =	simm.s32 @!p1 $0x1082;
	[sflag:s4] =	ssyncset.s32 $0xFFFFF086  }
0x25: {  	[simem:s6], [sflag:s4] =	dma.local [hbm:s3], $0xF7A  }
0x26: {  	[smem:$0x3F9B] =	sst s1;
	(tag) =	ssettag s2;
	_ =	strace s9  }
0x27: {  	s1 =	sld [smem:$0x3FAB]  }
0x28: {  	s2 =	sld [smem:$0x3FAC]  }
0x29: {  	s4 =	sld [smem:$0x3FAE]  }
0x2a: {  	p0 =	seq.s32 s5, $0x0;
	s5 =	sld [smem:$0x3FAF]  }
0x2b: {  	s6 =	sld [smem:$0x3FB0]  }
0x2c: {  	s7 =	sld [smem:$0x3FB1]  }
0x2d: {  	s3 =	simm.s32 $0x108;
	s8 =	sld [smem:$0x3FB2]  }
0x2e: {  	s3 =	simm.s32 @!p0 $0x1082;
	s9 =	sld [smem:$0x3FB3]  }
0x2f: {  	lr =	sadd.s32 s0, s3;
	s0 =	sld [smem:$0x3FAA]  }
0x30: {  	s3 =	sld [smem:$0x3FAD]  }
0x31: {  	[smem:$0x3FB6] =	sst s10  }
0x32: {  	s10 =	sld [smem:$0x3FB4];
	_ =	sdelay $0x3  }
0x33: {  	p0 =	seq.s32 s10, $0x1;
	s10 =	sld [smem:$0x3FB6];
	_ =	sdelay $0x3  }
0x34: {  	[smem:$0x3FB6] =	sst s10  }
0x35: {  	s10 =	sld [smem:$0x3FB5];
	_ =	sdelay $0x3  }
0x36: {  	p1 =	seq.s32 s10, $0x1;
	s10 =	sld [smem:$0x3FB6];
	_ =	sdelay $0x3  }
0x37: {  	[smem:$0x3FB6] =	sst s10  }
0x38: {  	s10 =	sld [smem:$0x3FB7]  }
0x39: {  	_ = 	snop;
	(pc) =	sbr.ind lr, $3  }
0x3a: {  	_ = 	snop  }
0x3b: {  	_ = 	snop  }
0x3c: {  	p2 =	seq.s32 s10, $0x1;
	s10 =	sld [smem:$0x3FB6]  }
0x3d: {  	_ =	shalt  }
0x3e: {  	_ =	shalt  }
0x3f: {  	_ =	shalt  }
0x40: {  	_ =	shalt  }
0x41: {  	_ =	shalt  }
0x42: {  	_ =	shalt  }
0x43: {  	_ =	shalt  }
0x44: {  	_ =	shalt  }
0x45: {  	_ =	shalt  }
0x46: {  	_ =	shalt  }
0x47: {  	_ =	shalt  }
0x48: {  	_ =	shalt  }
0x49: {  	_ =	shalt  }
0x4a: {  	_ =	shalt  }
0x4b: {  	_ =	shalt  }
0x4c: {  	_ =	shalt  }
0x4d: {  	_ =	shalt  }
0x4e: {  	_ =	shalt  }
0x4f: {  	_ =	shalt  }
0x50: {  	_ =	shalt  }
0x51: {  	_ =	shalt  }
0x52: {  	_ =	shalt  }
0x53: {  	_ =	shalt  }
0x54: {  	_ =	shalt  }
0x55: {  	_ =	shalt  }
0x56: {  	_ =	shalt  }
0x57: {  	_ =	shalt  }
0x58: {  	_ =	shalt  }
0x59: {  	_ =	shalt  }
0x5a: {  	_ =	shalt  }
0x5b: {  	_ =	shalt  }
0x5c: {  	_ =	shalt  }
0x5d: {  	_ =	shalt  }
0x5e: {  	_ =	shalt  }
0x5f: {  	_ =	shalt  }
0x60: {  	_ =	shalt  }
0x61: {  	_ =	shalt  }
0x62: {  	_ =	shalt  }
0x63: {  	_ =	shalt  }
0x64: {  	_ =	shalt  }
0x65: {  	_ =	shalt  }
0x66: {  	_ =	shalt  }
0x67: {  	_ =	shalt  }
0x68: {  	_ =	shalt  }
0x69: {  	_ =	shalt  }
0x6a: {  	_ =	shalt  }
0x6b: {  	_ =	shalt  }
0x6c: {  	_ =	shalt  }
0x6d: {  	_ =	shalt  }
0x6e: {  	_ =	shalt  }
0x6f: {  	_ =	shalt  }
0x70: {  	_ =	shalt  }
0x71: {  	_ =	shalt  }
0x72: {  	_ =	shalt  }
0x73: {  	_ =	shalt  }
0x74: {  	_ =	shalt  }
0x75: {  	_ =	shalt  }
0x76: {  	_ =	shalt  }
0x77: {  	_ =	shalt  }
0x78: {  	_ =	shalt  }
0x79: {  	_ =	shalt  }
0x7a: {  	_ =	shalt  }
0x7b: {  	_ =	shalt  }
0x7c: {  	_ =	shalt  }
0x7d: {  	_ =	shalt  }
0x7e: {  	_ =	shalt  }
0x7f: {  	_ =	shalt  }
0x80: {  	_ =	shalt  }
0x81: {  	_ =	shalt  }
0x82: {  	_ =	shalt  }
0x83: {  	_ =	shalt  }
0x84: {  	_ =	shalt  }
0x85: {  	_ =	shalt  }
0x86: {  	_ =	shalt  }
0x87: {  	_ =	shalt  }
.Lfunc_end0:
.L_simem_size_0:
called_computation.2_lowered:
.L_overlay_start_0:
0x88: {  	s2 =	sld [smem:$0x3FD9]  }
0x89: {  	s3 =	sld [smem:$0x3FFE];
	_ =	sdelay $0x1  }
0x8a: {  	s1 =	srdreg.scid  }
0x8b: {  	s0 =	sand.u32 $0x1, s1  }
0x8c: {  	s17 =	sshll.u32 s0, $0xA;
	s2 =	sadd.s32 s3, s2  }
0x8d: {  	s2 =	sadd.s32 s2, s17  }
0x8e: {  	[smem:$0x3FC2] =	sst s2  }
0x8f: {  	_ = 	snop  }
0x90: {  	s2 =	sld [smem:$0x3FD0];
	(tm) =	ssettm $0x1  }
0x91: {  	s18 =	sld [smem:$0x3FFB];
	_ =	sdelay $0x3  }
0x92: {  	_ =	strace s18  }
0x93: {  	s3 =	sld [smem:$0x3FFC];
	_ =	sdelay $0x3  }
0x94: {  	_ =	strace s3  }
0x95: {  	s3 =	sld [smem:$0x3FFD];
	_ =	sdelay $0x3  }
0x96: {  	_ =	strace s3  }
0x97: {  	_ =	strace $0x8FFFFFFF  }
0x98: {  	s19 =	sld [smem:$0x3FDB];
	_ =	sdelay $0x1  }
0x99: {  	s4 =	simm.s32 $_scs_section_size  }
0x9a: {  	s5 =	simm.s32 $_size__tile_overlayer_lowered;
	s6 =	simm.s32 $_tile_overlayer_lowered  }
0x9b: {  	s22 =	simm.s32 $0x1BFF;
	s21 =	sshll.u32 s6, $0x1;
	s3 =	sadd.s32 s4, s19  }
0x9c: {  	s7 =	simm.s32 $0x0;
	s20 =	sshll.u32 s5, $0x1;
	s5 =	sadd.s32 s21, s3  }
0x9d: {  	[timem:s7], [sflag:s22] =	dma.local [hbm:s5], s20  }
0x9e: {  	_ =	swait.ge [sflag:s22], s20  }
0x9f: {  	s4 =	ssub.s32 $0x0, s20;
	[sflag:s22] =	ssyncset.done $0x0  }
0xa0: {  	[sflag:s22] =	ssyncadd.s32 s4;
	_ =	sdelay $0x1  }
0xa1: {  	s23 =	simm.s32 $0x1B8B  }
0xa2: {  	_ =	swait.ge [sflag:s23], $0x1  }
0xa3: {  	[sflag:s23] =	ssyncset.done $0x0  }
0xa4: {  	s25 =	simm.s32 $0x1B8E;
	s24 =	sld [smem:$0x3FFE];
	[sflag:s23] =	ssyncadd.s32 $0xFFFFFFFF  }
0xa5: {  	s26 =	simm.s32 $execute0_lowered;
	[smem:$0x3FD2] =	sst s25  }
0xa6: {  	s5 =	sshll.u32 s26, $0x1;
	_ =	strace $0x8000004C;
	[dreg:$0x1] =	wrdreg $0xFFFFFFFF  }
0xa7: {  	s28 =	simm.s32 $_size_execute0_lowered;
	s3 =	sadd.s32 s3, s5;
	[dreg:$0x0] =	wrdreg $0x0  }
0xa8: {  	s5 =	sshll.u32 s28, $0x1;
	[dreg:$0x2] =	wrdreg s3  }
0xa9: {  	[dreg:$0x3] =	wrdreg s5  }
0xaa: {  	[dreg:$0x4] =	wrdreg $0xC0  }
0xab: {  	_ =	task [dreg:s7], $0x5FFFF  }
0xac: {  	[dreg:$0x1] =	wrdreg $0xFFFFFFFF  }
0xad: {  	[dreg:$0x0] =	wrdreg $0x60  }
0xae: {  	[dreg:$0x2] =	wrdreg s2  }
0xaf: {  	[dreg:$0x3] =	wrdreg s24  }
0xb0: {  	[dreg:$0x4] =	wrdreg $0x150000  }
0xb1: {  	[dreg:$0x5] =	wrdreg $0x9  }
0xb2: {  	_ =	task.clear_ibuf [dreg:s7], $0x6FFFF;
	_ =	strace $0x9000004C  }
0xb3: {  	s29 =	simm.s32 $0x9;
	_ =	strace $0x8000004E  }
0xb4: {  	_ =	swait.ge [sflag:s29], $0x1  }
0xb5: {  	[sflag:s29] =	ssyncadd.s32 $0xFFFFFFFF  }
0xb6: {  	_ =	strace $0x9000004E  }
0xb7: {  	_ =	sfence  }
0xb8: {  	s30 =	sld [smem:$0x0];
	_ =	sdelay $0x2  }
0xb9: {  	s31 =	sshll.u32 s1, $0xD;
	s1 =	sshrl.u32 s1, $0x2  }
0xba: {  	s3 =	sand.u32 $0x4000, s31;
	s1 =	sadd.s32 s1, s30  }
0xbb: {  	s0 =	sor.u32 s3, s0;
	s1 =	sshll.u32 s1, $0x11  }
0xbc: {  	s0 =	sor.u32 s1, s0  }
0xbd: {  	s0 =	sadd.s32 $0x8F2B, s0  }
0xbe: {  	[sflag:s0] =	ssyncadd.remote.s32 $0x1  }
0xbf: {  	_ =	sfence.sel $0xFFFF  }
0xc0: {  	[dreg:$0x0] =	wrdreg $0xFFFFFFFF;
	(pc) =	sbr.abs _section_cstart, $3  }
0xc1: {  	[dreg:$0x1] =	wrdreg $0xFFFFFFFF  }
0xc2: {  	_ =	task.clear_ibuf [dreg:s7], $0x2FFFF;
	_ =	strace $0x9FFFFFFF  }
0xc3: {  	(tm) =	ssettm $0x7FFFFFFF  }
tec
execute0_lowered:
.L_overlay_start_1:
0x0: {  	(tag) =	ssettag $0x1  }
0x1: {  	s2 =	rddreg [dreg:$0x0]  }
0x2: {  	s0 =	rddreg [dreg:$0x1];
	s1 =	srdreg.scid  }
0x3: {  	s3 =	rddreg [dreg:$0x2];
	s7 =	stileid.u32;
	s8 =	simm.s32 $0x0  }
0x4: {  	s13 =	simm.s32 $0x11;
	s16 =	simm.s32 $0x5000;
	s17 =	simm.s32 $0x80  }
0x5: {  	s18 =	simm.s32 $0x7000;
	s28 =	simm.s32 $0x3;
	s29 =	simm.s32 $0x4  }
0x6: {  	s30 =	simm.s32 $0x5;
	s31 =	simm.s32 $0x6;
	s15 =	simm.s32 $0x8  }
0x7: {  	s9 =	simm.s32 $0xE;
	s10 =	simm.s32 $0xF;
	s11 =	simm.s32 $0x10  }
0x8: {  	s12 =	simm.s32 $0x0;
	s1 =	sand.u32 $0x1, s1;
	s5 =	smul.u32 $0x9E00, s7  }
0x9: {  	[smem:$0x7FF] =	sst s8;
	s8 =	simm.s32 $0xD;
	s4 =	sshll.u32 s1, $0x4  }
0xa: {  	s6 =	smul.u32 $0x9E000, s1;
	_ =	strace $0x8000004D;
	s1 =	ssub.s32 $0x2, s1  }
0xb: {  	s4 =	sor.u32 s7, s4;
	s7 =	smul.u32 $0x27800, s7;
	s19 =	sshrl.u32 s1, $0x1  }
0xc: {  	s14 =	sadd.s32 s5, s3;
	s4 =	smul.u32 $0x500, s4;
	s6 =	sadd.s32 s5, s6  }
0xd: {  	s1 =	ssub.s32 s1, s19;
	s19 =	simm.s32 $0x9000;
	s5 =	simm.s32 $0xB  }
0xe: {  	[dreg:$0x6] =	wrdreg s14;
	s26 =	smax.u32 s1, $0x1;
	s4 =	sadd.s32 s4, s0  }
0xf: {  	s7 =	sshrl.u32 s7, $0x2;
	[dreg:$0xc] =	wrdreg s26;
	s20 =	sadd.s32 $0x5CA00, s4  }
0x10: {  	s21 =	sadd.s32 s7, s3;
	s4 =	sadd.s32 $0x2A00, s4;
	[dreg:$0x4] =	wrdreg s20  }
0x11: {  	s6 =	sshrl.u32 s6, $0x3;
	s22 =	sadd.s32 $0x2000, s21;
	[dreg:$0x5] =	wrdreg s4  }
0x12: {  	s1 =	simm.s32 $0x9;
	s23 =	sadd.s32 $0x4000, s21;
	[dreg:$0x7] =	wrdreg s22  }
0x13: {  	s0 =	sadd.s32 s6, s0;
	s24 =	sadd.s32 $0x6000, s21;
	[dreg:$0x8] =	wrdreg s23  }
0x14: {  	s26 =	simm.s32 $0x2;
	s25 =	sadd.s32 $0x8000, s21;
	[dreg:$0x9] =	wrdreg s24  }
0x15: {  	s6 =	simm.s32 $0xC;
	s0 =	sadd.s32 $0xCA00, s0;
	[dreg:$0xa] =	wrdreg s25  }
0x16: {  	s21 =	simm.s32 $0xD000;
	[dreg:$0xb] =	wrdreg s0;
	s20 =	simm.s32 $0xB000  }
0x17: {  	s22 =	simm.s32 $0xF000;
	s23 =	simm.s32 $0x11000;
	s24 =	simm.s32 $0x13000  }
0x18: {  	v0 =	vimm.f32 $0.0e+00;
	s25 =	simm.s32 $0x1;
	s0 =	simm.s32 $0x7;
	s4 =	simm.s32 $0xA  }
.LBB2_1:
0x19: {  	[dreg:$0xd] =	wrdreg s12  }
0x1a: {  	s7 =	simm.s32 $0x0;
	s14 =	rddreg [dreg:$0x4]  }
0x1b: {  	[tilespmem:s7], [sflag:$0x11] =	stream.linear.gather [hbm4b:s14+s7], $0x2800, $0x38;
	[tilespmem:$0x1EE00] =	vst v63  }
0x1c: {  	_ =	swait.ge [sflag:s13], $0x2800  }
0x1d: {  	s7 =	simm.s32 $0x2800;
	[sflag:s13] =	ssyncset.done $0x0  }
0x1e: {  	s14 =	simm.s32 $0x0;
	s12 =	rddreg [dreg:$0x5];
	[sflag:s13] =	ssyncadd.s32 $0xFFFFD800  }
0x1f: {  	[tilespmem:s7], [sflag:$0x11] =	stream.linear.gather [hbm4b:s12+s14], $0x2800, $0x38;
	[tilespmem:$0x1EE00] =	vst v63  }
0x20: {  	_ =	swait.ge [sflag:s13], $0x2800  }
0x21: {  	[sflag:s13] =	ssyncset.done $0x0  }
0x22: {  	s12 =	simm.s32 $0x100;
	s7 =	simm.s32 $0x0;
	[sflag:s13] =	ssyncadd.s32 $0xFFFFD800  }
.LBB2_2:
0x23: {  	p0 =	sne.s32 s12, $0x7F00;
	[tilespmem:s7+$0x5030] =	vst v0;
	s13 =	smov.u32 s12;
	s12 =	sadd.s32 $0x100, s12  }
.Ltmp0:
0x24: {  	[tilespmem:s7+$0x5020] =	vst v0;
	(pc) =	sbr.rel @p0 .LBB2_2-.Ltmp0, $3  }
0x25: {  	[tilespmem:s7+$0x5000] =	vst v0  }
0x26: {  	[tilespmem:s7+$0x5010] =	vst v0;
	_ =	sdelay $0x1  }
0x27: {  	s7 =	sshra.s32 s13, $0x2  }
0x28: {  	[tilespmem:s7+$0x5030] =	vst v0  }
0x29: {  	[tilespmem:s7+$0x5020] =	vst v0  }
0x2a: {  	[tilespmem:s7+$0x5000] =	vst v0  }
0x2b: {  	[tilespmem:s7+$0x5010] =	vst v0;
	s13 =	rddreg [dreg:$0x6];
	s12 =	simm.s32 $0x11  }
0x2c: {  	[spmem:s13] =	stream.linear.scatter [tilespmem:s16], [sflag:$0x11], $0x2000, $0x38;
	[tilespmem:$0x1EE00] =	vst v63  }
0x2d: {  	_ =	swait.ge [sflag:s12], $0x2000  }
0x2e: {  	[sflag:s12] =	ssyncset.done $0x0  }
0x2f: {  	s14 =	rddreg [dreg:$0x7];
	[sflag:s12] =	ssyncadd.s32 $0xFFFFE000  }
0x30: {  	[spmem:s14] =	stream.linear.scatter [tilespmem:s16], [sflag:$0x11], $0x2000, $0x38;
	[tilespmem:$0x1EE00] =	vst v63  }
0x31: {  	_ =	swait.ge [sflag:s12], $0x2000  }
0x32: {  	[sflag:s12] =	ssyncset.done $0x0  }
0x33: {  	s13 =	rddreg [dreg:$0x8];
	[sflag:s12] =	ssyncadd.s32 $0xFFFFE000  }
0x34: {  	[spmem:s13] =	stream.linear.scatter [tilespmem:s16], [sflag:$0x11], $0x2000, $0x38;
	[tilespmem:$0x1EE00] =	vst v63  }
0x35: {  	_ =	swait.ge [sflag:s12], $0x2000  }
0x36: {  	[sflag:s12] =	ssyncset.done $0x0  }
0x37: {  	s14 =	rddreg [dreg:$0x9];
	[sflag:s12] =	ssyncadd.s32 $0xFFFFE000  }
0x38: {  	[spmem:s14] =	stream.linear.scatter [tilespmem:s16], [sflag:$0x11], $0x2000, $0x38;
	[tilespmem:$0x1EE00] =	vst v63  }
0x39: {  	_ =	swait.ge [sflag:s12], $0x2000  }
0x3a: {  	[sflag:s12] =	ssyncset.done $0x0  }
0x3b: {  	s13 =	rddreg [dreg:$0xa];
	[sflag:s12] =	ssyncadd.s32 $0xFFFFE000  }
0x3c: {  	[spmem:s13] =	stream.linear.scatter [tilespmem:s16], [sflag:$0x11], $0x1E00, $0x38;
	[tilespmem:$0x1EE00] =	vst v63  }
0x3d: {  	_ =	swait.ge [sflag:s12], $0x1E00  }
0x3e: {  	[sflag:s12] =	ssyncset.done $0x0  }
0x3f: {  	[sflag:s12] =	ssyncadd.s32 $0xFFFFE200  }
0x40: {  	s14 =	simm.s32 $0x0;
	[bflag:$0x0] =	sbarrier.arrive $0xFFFF  }
0x41: {  	[tilespmem:s16], [sflag:$0x1] =	stream.indirect.gather [hbm4b:s2+s17], $0x40, s14, s17, $0xb8;
	[tilespmem:$0x1EE00] =	vst v63  }
0x42: {  	s12 =	simm.s32 $0x80  }
0x43: {  	[tilespmem:s18], [sflag:$0x2] =	stream.indirect.gather [hbm4b:s2+s17], $0x40, s12, s17, $0xb8;
	[tilespmem:$0x1EE00] =	vst v63  }
0x44: {  	s13 =	simm.s32 $0x100  }
0x45: {  	[tilespmem:s19], [sflag:$0x3] =	stream.indirect.gather [hbm4b:s2+s17], $0x40, s13, s17, $0xb8;
	[tilespmem:$0x1EE00] =	vst v63  }
0x46: {  	s14 =	simm.s32 $0x180  }
0x47: {  	[tilespmem:s20], [sflag:$0x4] =	stream.indirect.gather [hbm4b:s2+s17], $0x40, s14, s17, $0xb8;
	[tilespmem:$0x1EE00] =	vst v63  }
0x48: {  	s12 =	simm.s32 $0x200  }
0x49: {  	[tilespmem:s21], [sflag:$0x5] =	stream.indirect.gather [hbm4b:s2+s17], $0x40, s12, s17, $0xb8;
	[tilespmem:$0x1EE00] =	vst v63  }
0x4a: {  	s13 =	simm.s32 $0x280  }
0x4b: {  	[tilespmem:s22], [sflag:$0x6] =	stream.indirect.gather [hbm4b:s2+s17], $0x40, s13, s17, $0xb8;
	[tilespmem:$0x1EE00] =	vst v63  }
0x4c: {  	s14 =	simm.s32 $0x300  }
0x4d: {  	[tilespmem:s23], [sflag:$0x7] =	stream.indirect.gather [hbm4b:s2+s17], $0x40, s14, s17, $0xb8;
	[tilespmem:$0x1EE00] =	vst v63  }
0x4e: {  	s12 =	simm.s32 $0x380  }
0x4f: {  	[tilespmem:s24], [sflag:$0x8] =	stream.indirect.gather [hbm4b:s2+s17], $0x40, s12, s17, $0xb8;
	[tilespmem:$0x1EE00] =	vst v63  }
0x50: {  	_ =	swait.ge [sflag:s25], $0x2000  }
0x51: {  	[sflag:s25] =	ssyncset.done $0x0  }
0x52: {  	s13 =	simm.s32 $0x2800;
	[sflag:s25] =	ssyncadd.s32 $0xFFFFE000  }
0x53: {  	[spmem:s3] =	stream.indirect.scatter.add.f32 [tilespmem:s16], [sflag:$0x9], $0x40, s13, s17, $0xb8;
	[tilespmem:$0x1EE00] =	vst v63  }
0x54: {  	_ =	swait.ge [sflag:s26], $0x2000  }
0x55: {  	[sflag:s26] =	ssyncset.done $0x0  }
0x56: {  	s14 =	simm.s32 $0x2880;
	[sflag:s26] =	ssyncadd.s32 $0xFFFFE000  }
0x57: {  	[spmem:s3] =	stream.indirect.scatter.add.f32 [tilespmem:s18], [sflag:$0xA], $0x40, s14, s17, $0xb8;
	[tilespmem:$0x1EE00] =	vst v63  }
0x58: {  	_ =	swait.ge [sflag:s28], $0x2000  }
0x59: {  	[sflag:s28] =	ssyncset.done $0x0  }
0x5a: {  	s12 =	simm.s32 $0x2900;
	[sflag:s28] =	ssyncadd.s32 $0xFFFFE000  }
0x5b: {  	[spmem:s3] =	stream.indirect.scatter.add.f32 [tilespmem:s19], [sflag:$0xB], $0x40, s12, s17, $0xb8;
	[tilespmem:$0x1EE00] =	vst v63  }
0x5c: {  	_ =	swait.ge [sflag:s29], $0x2000  }
0x5d: {  	[sflag:s29] =	ssyncset.done $0x0  }
0x5e: {  	s13 =	simm.s32 $0x2980;
	[sflag:s29] =	ssyncadd.s32 $0xFFFFE000  }
0x5f: {  	[spmem:s3] =	stream.indirect.scatter.add.f32 [tilespmem:s20], [sflag:$0xC], $0x40, s13, s17, $0xb8;
	[tilespmem:$0x1EE00] =	vst v63  }
0x60: {  	_ =	swait.ge [sflag:s30], $0x2000  }
0x61: {  	[sflag:s30] =	ssyncset.done $0x0  }
0x62: {  	s14 =	simm.s32 $0x2A00;
	[sflag:s30] =	ssyncadd.s32 $0xFFFFE000  }
0x63: {  	[spmem:s3] =	stream.indirect.scatter.add.f32 [tilespmem:s21], [sflag:$0xD], $0x40, s14, s17, $0xb8;
	[tilespmem:$0x1EE00] =	vst v63  }
0x64: {  	_ =	swait.ge [sflag:s31], $0x2000  }
0x65: {  	[sflag:s31] =	ssyncset.done $0x0  }
0x66: {  	s12 =	simm.s32 $0x2A80;
	[sflag:s31] =	ssyncadd.s32 $0xFFFFE000  }
0x67: {  	[spmem:s3] =	stream.indirect.scatter.add.f32 [tilespmem:s22], [sflag:$0xE], $0x40, s12, s17, $0xb8;
	[tilespmem:$0x1EE00] =	vst v63  }
0x68: {  	_ =	swait.ge [sflag:s0], $0x2000  }
0x69: {  	[sflag:s0] =	ssyncset.done $0x0  }
0x6a: {  	s13 =	simm.s32 $0x2B00;
	[sflag:s0] =	ssyncadd.s32 $0xFFFFE000  }
0x6b: {  	[spmem:s3] =	stream.indirect.scatter.add.f32 [tilespmem:s23], [sflag:$0xF], $0x40, s13, s17, $0xb8;
	[tilespmem:$0x1EE00] =	vst v63  }
0x6c: {  	_ =	swait.ge [sflag:s15], $0x2000  }
0x6d: {  	[sflag:s15] =	ssyncset.done $0x0  }
0x6e: {  	s14 =	simm.s32 $0x2B80;
	[sflag:s15] =	ssyncadd.s32 $0xFFFFE000  }
0x6f: {  	[spmem:s3] =	stream.indirect.scatter.add.f32 [tilespmem:s24], [sflag:$0x10], $0x40, s14, s17, $0xb8;
	[tilespmem:$0x1EE00] =	vst v63  }
0x70: {  	_ =	swait.ge [sflag:s1], $0x2000  }
0x71: {  	[sflag:s1] =	ssyncset.done $0x0  }
0x72: {  	[sflag:s1] =	ssyncadd.s32 $0xFFFFE000  }
0x73: {  	_ =	swait.ge [sflag:s4], $0x2000  }
0x74: {  	[sflag:s4] =	ssyncset.done $0x0  }
0x75: {  	[sflag:s4] =	ssyncadd.s32 $0xFFFFE000  }
0x76: {  	_ =	swait.ge [sflag:s5], $0x2000  }
0x77: {  	[sflag:s5] =	ssyncset.done $0x0  }
0x78: {  	[sflag:s5] =	ssyncadd.s32 $0xFFFFE000  }
0x79: {  	_ =	swait.ge [sflag:s6], $0x2000  }
0x7a: {  	[sflag:s6] =	ssyncset.done $0x0  }
0x7b: {  	[sflag:s6] =	ssyncadd.s32 $0xFFFFE000  }
0x7c: {  	_ =	swait.ge [sflag:s8], $0x2000  }
0x7d: {  	[sflag:s8] =	ssyncset.done $0x0  }
0x7e: {  	[sflag:s8] =	ssyncadd.s32 $0xFFFFE000  }
0x7f: {  	_ =	swait.ge [sflag:s9], $0x2000  }
0x80: {  	[sflag:s9] =	ssyncset.done $0x0  }
0x81: {  	[sflag:s9] =	ssyncadd.s32 $0xFFFFE000  }
0x82: {  	_ =	swait.ge [sflag:s10], $0x2000  }
0x83: {  	[sflag:s10] =	ssyncset.done $0x0  }
0x84: {  	[sflag:s10] =	ssyncadd.s32 $0xFFFFE000  }
0x85: {  	_ =	swait.ge [sflag:s11], $0x2000  }
0x86: {  	s7 =	simm.s32 $0x2000;
	s13 =	simm.s32 $0x1000;
	[sflag:s11] =	ssyncset.done $0x0  }
.LBB2_4:
0x87: {  	s12 =	sshra.s32 s13, $0x2  }
0x88: {  	[sflag:s11] =	ssyncadd.s32 $0xFFFFE000;
	s13 =	smov.u32 s7;
	s14 =	sadd.s32 $0x1000, s7  }
0x89: {  	[tilespmem:s16], [sflag:$0x1] =	stream.indirect.gather [hbm4b:s2+s17], $0x40, s12, s17, $0xb8;
	[tilespmem:$0x1EE00] =	vst v63  }
0x8a: {  	p0 =	sne.s32 s7, $0x9000;
	s7 =	sadd.s32 $0x80, s12  }
0x8b: {  	[tilespmem:s18], [sflag:$0x2] =	stream.indirect.gather [hbm4b:s2+s17], $0x40, s7, s17, $0xb8;
	[tilespmem:$0x1EE00] =	vst v63  }
0x8c: {  	s7 =	sadd.s32 $0x100, s12  }
0x8d: {  	[tilespmem:s19], [sflag:$0x3] =	stream.indirect.gather [hbm4b:s2+s17], $0x40, s7, s17, $0xb8;
	[tilespmem:$0x1EE00] =	vst v63  }
0x8e: {  	s7 =	sadd.s32 $0x180, s12  }
0x8f: {  	[tilespmem:s20], [sflag:$0x4] =	stream.indirect.gather [hbm4b:s2+s17], $0x40, s7, s17, $0xb8;
	[tilespmem:$0x1EE00] =	vst v63  }
0x90: {  	s7 =	sadd.s32 $0x200, s12  }
0x91: {  	[tilespmem:s21], [sflag:$0x5] =	stream.indirect.gather [hbm4b:s2+s17], $0x40, s7, s17, $0xb8;
	[tilespmem:$0x1EE00] =	vst v63  }
0x92: {  	s7 =	sadd.s32 $0x280, s12  }
0x93: {  	[tilespmem:s22], [sflag:$0x6] =	stream.indirect.gather [hbm4b:s2+s17], $0x40, s7, s17, $0xb8;
	[tilespmem:$0x1EE00] =	vst v63  }
0x94: {  	s7 =	sadd.s32 $0x300, s12  }
0x95: {  	[tilespmem:s23], [sflag:$0x7] =	stream.indirect.gather [hbm4b:s2+s17], $0x40, s7, s17, $0xb8;
	[tilespmem:$0x1EE00] =	vst v63  }
0x96: {  	s7 =	sadd.s32 $0x380, s12  }
0x97: {  	[tilespmem:s24], [sflag:$0x8] =	stream.indirect.gather [hbm4b:s2+s17], $0x40, s7, s17, $0xb8;
	[tilespmem:$0x1EE00] =	vst v63  }
0x98: {  	_ =	swait.ge [sflag:s25], $0x2000  }
0x99: {  	[sflag:s25] =	ssyncset.done $0x0  }
0x9a: {  	s7 =	sadd.s32 $0x2800, s12;
	[sflag:s25] =	ssyncadd.s32 $0xFFFFE000  }
0x9b: {  	[spmem:s3] =	stream.indirect.scatter.add.f32 [tilespmem:s16], [sflag:$0x9], $0x40, s7, s17, $0xb8;
	[tilespmem:$0x1EE00] =	vst v63  }
0x9c: {  	_ =	swait.ge [sflag:s26], $0x2000  }
0x9d: {  	[sflag:s26] =	ssyncset.done $0x0  }
0x9e: {  	s7 =	sadd.s32 $0x2880, s12;
	[sflag:s26] =	ssyncadd.s32 $0xFFFFE000  }
0x9f: {  	[spmem:s3] =	stream.indirect.scatter.add.f32 [tilespmem:s18], [sflag:$0xA], $0x40, s7, s17, $0xb8;
	[tilespmem:$0x1EE00] =	vst v63  }
0xa0: {  	_ =	swait.ge [sflag:s28], $0x2000  }
0xa1: {  	[sflag:s28] =	ssyncset.done $0x0  }
0xa2: {  	s7 =	sadd.s32 $0x2900, s12;
	[sflag:s28] =	ssyncadd.s32 $0xFFFFE000  }
0xa3: {  	[spmem:s3] =	stream.indirect.scatter.add.f32 [tilespmem:s19], [sflag:$0xB], $0x40, s7, s17, $0xb8;
	[tilespmem:$0x1EE00] =	vst v63  }
0xa4: {  	_ =	swait.ge [sflag:s29], $0x2000  }
0xa5: {  	[sflag:s29] =	ssyncset.done $0x0  }
0xa6: {  	s7 =	sadd.s32 $0x2980, s12;
	[sflag:s29] =	ssyncadd.s32 $0xFFFFE000  }
0xa7: {  	[spmem:s3] =	stream.indirect.scatter.add.f32 [tilespmem:s20], [sflag:$0xC], $0x40, s7, s17, $0xb8;
	[tilespmem:$0x1EE00] =	vst v63  }
0xa8: {  	_ =	swait.ge [sflag:s30], $0x2000  }
0xa9: {  	[sflag:s30] =	ssyncset.done $0x0  }
0xaa: {  	s7 =	sadd.s32 $0x2A00, s12;
	[sflag:s30] =	ssyncadd.s32 $0xFFFFE000  }
0xab: {  	[spmem:s3] =	stream.indirect.scatter.add.f32 [tilespmem:s21], [sflag:$0xD], $0x40, s7, s17, $0xb8;
	[tilespmem:$0x1EE00] =	vst v63  }
0xac: {  	_ =	swait.ge [sflag:s31], $0x2000  }
0xad: {  	[sflag:s31] =	ssyncset.done $0x0  }
0xae: {  	s7 =	sadd.s32 $0x2A80, s12;
	[sflag:s31] =	ssyncadd.s32 $0xFFFFE000  }
0xaf: {  	[spmem:s3] =	stream.indirect.scatter.add.f32 [tilespmem:s22], [sflag:$0xE], $0x40, s7, s17, $0xb8;
	[tilespmem:$0x1EE00] =	vst v63  }
0xb0: {  	_ =	swait.ge [sflag:s0], $0x2000  }
0xb1: {  	[sflag:s0] =	ssyncset.done $0x0  }
0xb2: {  	s7 =	sadd.s32 $0x2B00, s12;
	[sflag:s0] =	ssyncadd.s32 $0xFFFFE000  }
0xb3: {  	[spmem:s3] =	stream.indirect.scatter.add.f32 [tilespmem:s23], [sflag:$0xF], $0x40, s7, s17, $0xb8;
	[tilespmem:$0x1EE00] =	vst v63  }
0xb4: {  	_ =	swait.ge [sflag:s15], $0x2000  }
0xb5: {  	[sflag:s15] =	ssyncset.done $0x0  }
0xb6: {  	s7 =	sadd.s32 $0x2B80, s12;
	[sflag:s15] =	ssyncadd.s32 $0xFFFFE000  }
0xb7: {  	[spmem:s3] =	stream.indirect.scatter.add.f32 [tilespmem:s24], [sflag:$0x10], $0x40, s7, s17, $0xb8;
	[tilespmem:$0x1EE00] =	vst v63  }
0xb8: {  	_ =	swait.ge [sflag:s1], $0x2000  }
0xb9: {  	[sflag:s1] =	ssyncset.done $0x0  }
0xba: {  	[sflag:s1] =	ssyncadd.s32 $0xFFFFE000  }
0xbb: {  	_ =	swait.ge [sflag:s4], $0x2000  }
0xbc: {  	[sflag:s4] =	ssyncset.done $0x0  }
0xbd: {  	[sflag:s4] =	ssyncadd.s32 $0xFFFFE000  }
0xbe: {  	_ =	swait.ge [sflag:s5], $0x2000  }
0xbf: {  	[sflag:s5] =	ssyncset.done $0x0  }
0xc0: {  	[sflag:s5] =	ssyncadd.s32 $0xFFFFE000  }
0xc1: {  	_ =	swait.ge [sflag:s6], $0x2000  }
0xc2: {  	[sflag:s6] =	ssyncset.done $0x0  }
0xc3: {  	[sflag:s6] =	ssyncadd.s32 $0xFFFFE000  }
0xc4: {  	_ =	swait.ge [sflag:s8], $0x2000  }
0xc5: {  	[sflag:s8] =	ssyncset.done $0x0  }
0xc6: {  	[sflag:s8] =	ssyncadd.s32 $0xFFFFE000  }
0xc7: {  	_ =	swait.ge [sflag:s9], $0x2000  }
0xc8: {  	[sflag:s9] =	ssyncset.done $0x0  }
0xc9: {  	[sflag:s9] =	ssyncadd.s32 $0xFFFFE000  }
.Ltmp1:
0xca: {  	_ =	swait.ge [sflag:s10], $0x2000;
	(pc) =	sbr.rel @p0 .LBB2_4-.Ltmp1, $4  }
0xcb: {  	[sflag:s10] =	ssyncset.done $0x0  }
0xcc: {  	[sflag:s10] =	ssyncadd.s32 $0xFFFFE000  }
0xcd: {  	_ =	swait.ge [sflag:s11], $0x2000  }
0xce: {  	s7 =	smov.u32 s14;
	[sflag:s11] =	ssyncset.done $0x0  }
0xcf: {  	s7 =	sshra.s32 s13, $0x2;
	[sflag:s11] =	ssyncadd.s32 $0xFFFFE000  }
0xd0: {  	[tilespmem:s16], [sflag:$0x1] =	stream.indirect.gather [hbm4b:s2+s17], $0x40, s7, s17, $0xb8;
	[tilespmem:$0x1EE00] =	vst v63  }
0xd1: {  	s12 =	sadd.s32 $0x80, s7  }
0xd2: {  	[tilespmem:s18], [sflag:$0x2] =	stream.indirect.gather [hbm4b:s2+s17], $0x40, s12, s17, $0xb8;
	[tilespmem:$0x1EE00] =	vst v63  }
0xd3: {  	s14 =	sadd.s32 $0x100, s7  }
0xd4: {  	[tilespmem:s19], [sflag:$0x3] =	stream.indirect.gather [hbm4b:s2+s17], $0x40, s14, s17, $0xb8;
	[tilespmem:$0x1EE00] =	vst v63  }
0xd5: {  	s13 =	sadd.s32 $0x180, s7  }
0xd6: {  	[tilespmem:s20], [sflag:$0x4] =	stream.indirect.gather [hbm4b:s2+s17], $0x40, s13, s17, $0xb8;
	[tilespmem:$0x1EE00] =	vst v63  }
0xd7: {  	s14 =	sadd.s32 $0x200, s7  }
0xd8: {  	[tilespmem:s21], [sflag:$0x5] =	stream.indirect.gather [hbm4b:s2+s17], $0x40, s14, s17, $0xb8;
	[tilespmem:$0x1EE00] =	vst v63  }
0xd9: {  	s13 =	sadd.s32 $0x280, s7  }
0xda: {  	[tilespmem:s22], [sflag:$0x6] =	stream.indirect.gather [hbm4b:s2+s17], $0x40, s13, s17, $0xb8;
	[tilespmem:$0x1EE00] =	vst v63  }
0xdb: {  	s14 =	sadd.s32 $0x300, s7  }
0xdc: {  	[tilespmem:s23], [sflag:$0x7] =	stream.indirect.gather [hbm4b:s2+s17], $0x40, s14, s17, $0xb8;
	[tilespmem:$0x1EE00] =	vst v63  }
0xdd: {  	s13 =	sadd.s32 $0x380, s7  }
0xde: {  	[tilespmem:s24], [sflag:$0x8] =	stream.indirect.gather [hbm4b:s2+s17], $0x40, s13, s17, $0xb8;
	[tilespmem:$0x1EE00] =	vst v63  }
0xdf: {  	_ =	swait.ge [sflag:s25], $0x2000  }
0xe0: {  	[sflag:s25] =	ssyncset.done $0x0  }
0xe1: {  	s14 =	sadd.s32 $0x2800, s7;
	[sflag:s25] =	ssyncadd.s32 $0xFFFFE000  }
0xe2: {  	[spmem:s3] =	stream.indirect.scatter.add.f32 [tilespmem:s16], [sflag:$0x9], $0x40, s14, s17, $0xb8;
	[tilespmem:$0x1EE00] =	vst v63  }
0xe3: {  	_ =	swait.ge [sflag:s26], $0x2000  }
0xe4: {  	[sflag:s26] =	ssyncset.done $0x0  }
0xe5: {  	s13 =	sadd.s32 $0x2880, s7;
	[sflag:s26] =	ssyncadd.s32 $0xFFFFE000  }
0xe6: {  	[spmem:s3] =	stream.indirect.scatter.add.f32 [tilespmem:s18], [sflag:$0xA], $0x40, s13, s17, $0xb8;
	[tilespmem:$0x1EE00] =	vst v63  }
0xe7: {  	_ =	swait.ge [sflag:s28], $0x2000  }
0xe8: {  	[sflag:s28] =	ssyncset.done $0x0  }
0xe9: {  	s14 =	sadd.s32 $0x2900, s7;
	[sflag:s28] =	ssyncadd.s32 $0xFFFFE000  }
0xea: {  	[spmem:s3] =	stream.indirect.scatter.add.f32 [tilespmem:s19], [sflag:$0xB], $0x40, s14, s17, $0xb8;
	[tilespmem:$0x1EE00] =	vst v63  }
0xeb: {  	_ =	swait.ge [sflag:s29], $0x2000  }
0xec: {  	[sflag:s29] =	ssyncset.done $0x0  }
0xed: {  	s13 =	sadd.s32 $0x2980, s7;
	[sflag:s29] =	ssyncadd.s32 $0xFFFFE000  }
0xee: {  	[spmem:s3] =	stream.indirect.scatter.add.f32 [tilespmem:s20], [sflag:$0xC], $0x40, s13, s17, $0xb8;
	[tilespmem:$0x1EE00] =	vst v63  }
0xef: {  	_ =	swait.ge [sflag:s30], $0x2000  }
0xf0: {  	[sflag:s30] =	ssyncset.done $0x0  }
0xf1: {  	s14 =	sadd.s32 $0x2A00, s7;
	[sflag:s30] =	ssyncadd.s32 $0xFFFFE000  }
0xf2: {  	[spmem:s3] =	stream.indirect.scatter.add.f32 [tilespmem:s21], [sflag:$0xD], $0x40, s14, s17, $0xb8;
	[tilespmem:$0x1EE00] =	vst v63  }
0xf3: {  	_ =	swait.ge [sflag:s31], $0x2000  }
0xf4: {  	[sflag:s31] =	ssyncset.done $0x0  }
0xf5: {  	s13 =	sadd.s32 $0x2A80, s7;
	[sflag:s31] =	ssyncadd.s32 $0xFFFFE000  }
0xf6: {  	[spmem:s3] =	stream.indirect.scatter.add.f32 [tilespmem:s22], [sflag:$0xE], $0x40, s13, s17, $0xb8;
	[tilespmem:$0x1EE00] =	vst v63  }
0xf7: {  	_ =	swait.ge [sflag:s0], $0x2000  }
0xf8: {  	[sflag:s0] =	ssyncset.done $0x0  }
0xf9: {  	s14 =	sadd.s32 $0x2B00, s7;
	[sflag:s0] =	ssyncadd.s32 $0xFFFFE000  }
0xfa: {  	[spmem:s3] =	stream.indirect.scatter.add.f32 [tilespmem:s23], [sflag:$0xF], $0x40, s14, s17, $0xb8;
	[tilespmem:$0x1EE00] =	vst v63  }
0xfb: {  	_ =	swait.ge [sflag:s15], $0x2000  }
0xfc: {  	[sflag:s15] =	ssyncset.done $0x0  }
0xfd: {  	s7 =	sadd.s32 $0x2B80, s7;
	[sflag:s15] =	ssyncadd.s32 $0xFFFFE000  }
0xfe: {  	[spmem:s3] =	stream.indirect.scatter.add.f32 [tilespmem:s24], [sflag:$0x10], $0x40, s7, s17, $0xb8;
	[tilespmem:$0x1EE00] =	vst v63  }
0xff: {  	_ =	swait.ge [sflag:s1], $0x2000  }
0x100: {  	[sflag:s1] =	ssyncset.done $0x0  }
0x101: {  	[sflag:s1] =	ssyncadd.s32 $0xFFFFE000  }
0x102: {  	_ =	swait.ge [sflag:s4], $0x2000  }
0x103: {  	[sflag:s4] =	ssyncset.done $0x0  }
0x104: {  	[sflag:s4] =	ssyncadd.s32 $0xFFFFE000  }
0x105: {  	_ =	swait.ge [sflag:s5], $0x2000  }
0x106: {  	[sflag:s5] =	ssyncset.done $0x0  }
0x107: {  	[sflag:s5] =	ssyncadd.s32 $0xFFFFE000  }
0x108: {  	_ =	swait.ge [sflag:s6], $0x2000  }
0x109: {  	[sflag:s6] =	ssyncset.done $0x0  }
0x10a: {  	[sflag:s6] =	ssyncadd.s32 $0xFFFFE000  }
0x10b: {  	_ =	swait.ge [sflag:s8], $0x2000  }
0x10c: {  	[sflag:s8] =	ssyncset.done $0x0  }
0x10d: {  	[sflag:s8] =	ssyncadd.s32 $0xFFFFE000  }
0x10e: {  	_ =	swait.ge [sflag:s9], $0x2000  }
0x10f: {  	[sflag:s9] =	ssyncset.done $0x0  }
0x110: {  	[sflag:s9] =	ssyncadd.s32 $0xFFFFE000  }
0x111: {  	_ =	swait.ge [sflag:s10], $0x2000  }
0x112: {  	[sflag:s10] =	ssyncset.done $0x0  }
0x113: {  	[sflag:s10] =	ssyncadd.s32 $0xFFFFE000  }
0x114: {  	_ =	swait.ge [sflag:s11], $0x2000  }
0x115: {  	[sflag:s11] =	ssyncset.done $0x0  }
0x116: {  	[sflag:s11] =	ssyncadd.s32 $0xFFFFE000  }
0x117: {  	s12 =	stileid.u32;
	[bflag:$0x0] =	sbarrier.arrive $0xFFFF  }
0x118: {  	s7 =	sshll.u32 s12, $0x6;
	s14 =	rddreg [dreg:$0x6]  }
0x119: {  	s7 =	sor.u32 $0x1C11, s7;
	s13 =	sshrl.u32 s14, $0x3;
	s14 =	rddreg [dreg:$0xb]  }
0x11a: {  	[hbm:s14], [sflag:s7] =	dma.local [spmem:s13], $0x13C0  }
0x11b: {  	s13 =	simm.s32 $0x11  }
0x11c: {  	_ =	swait.ge [sflag:s13], $0x13C0  }
0x11d: {  	s7 =	rddreg [dreg:$0xd]  }
0x11e: {  	s14 =	rddreg [dreg:$0xc];
	s12 =	sadd.s32 $0x1, s7  }
0x11f: {  	p0 =	sne.s32 s12, s14  }
.Ltmp2:
0x120: {  	_ = 	snop;
	(pc) =	sbr.rel @p0 .LBB2_1-.Ltmp2, $3  }
0x121: {  	_ =	sdelay $0x1  }
0x122: {  	[sflag:s13] =	ssyncset.done $0x0  }
0x123: {  	[sflag:s13] =	ssyncadd.s32 $0xFFFFEC40  }
0x124: {  	_ =	sfence.sel $0x180000  }
0x125: {  	[bflag:$0x0] =	sbarrier.arrive $0xFFFF  }
0x126: {  	_ =	strace $0x9000004D  }
0x127: {  	s0 =	stileid.u32;
	[bflag:$0x2] =	sbarrier.arrive $0xFFFF  }
0x128: {  	p0 =	sne.s32 s0, $0x0;
	s0 =	rddreg [dreg:$0x3]  }
0x129: {  	s0 =	sadd.s32 @!p0 $0x100000, s0  }
0x12a: {  	[sflag:s0] =	ssyncadd.tile.s32 @!p0 $0x1;
	_ =	shalt  }
.Lfunc_end2:
_tile_overlayer_lowered:
.L_overlay_start_2:
0x12b: {  	(tag) =	ssettag $0x2  }
0x12c: {  	s0 =	rddreg [dreg:$0x0];
	s2 =	stileid.u32  }
0x12d: {  	s1 =	rddreg [dreg:$0x1];
	p0 =	sne.s32 s2, $0x0  }
0x12e: {  	s3 =	rddreg [dreg:$0x2];
	[bflag:$0x3] =	sbarrier.arrive $0xFFFF;
	s2 =	simm.s32 @!p0 $0x1C11  }
0x12f: {  	[timem:s3], [sflag:s2] =	dma.local @!p0 [hbm:s0], s1  }
0x130: {  	s0 =	simm.s32 @!p0 $0x11  }
0x131: {  	_ =	swait.ge @!p0 [sflag:s0], s1  }
0x132: {  	s1 =	ssub.s32 @!p0 $0x0, s1;
	[sflag:s0] =	ssyncset.done @!p0 $0x0  }
0x133: {  	[sflag:s0] =	ssyncadd.s32 @!p0 s1  }
0x134: {  	[bflag:$0x3] =	sbarrier.arrive $0xFFFF  }
0x135: {  	_ =	shalt  }

// kernel: kernel.9.cloned.1.call-start
scs
__scs_entry_jumppad:
0x0: {  	(pc) =	sbr.rel $0x88, $3  }
0x1: {  	(tag) =	ssettag $0x0;
	lr =	simm.s32 $0x1  }
0x2: {  	[smem:$0x3F9B] =	sst lr;
	_ =	strace $0xD0000000  }
0x3: {  	_ = 	snop  }
0x4: {  	_ = 	snop  }
0x5: {  	_ = 	snop  }
0x6: {  	_ = 	snop  }
0x7: {  	_ = 	snop  }
__scs_overlays_trampoline_lowered:
0x8: {  	[smem:$0x3FAA] =	sst s0  }
0x9: {  	[smem:$0x3FAB] =	sst s1  }
0xa: {  	[smem:$0x3FAC] =	sst s2  }
0xb: {  	[smem:$0x3FAD] =	sst s3  }
0xc: {  	[smem:$0x3FAE] =	sst s4  }
0xd: {  	[smem:$0x3FAF] =	sst s5  }
0xe: {  	[smem:$0x3FB0] =	sst s6  }
0xf: {  	[smem:$0x3FB1] =	sst s7  }
0x10: {  	[smem:$0x3FB2] =	sst s8  }
0x11: {  	[smem:$0x3FB3] =	sst s9;
	s0 =	simm.s32 @!p0 $0x0  }
0x12: {  	s1 =	sld [smem:$0x3F99];
	s0 =	simm.s32 @p0 $0x1  }
0x13: {  	[smem:$0x3FB4] =	sst s0;
	s0 =	simm.s32 @!p1 $0x0  }
0x14: {  	s2 =	sld [smem:$0x3F98];
	s0 =	simm.s32 @p1 $0x1  }
0x15: {  	[smem:$0x3FB5] =	sst s0;
	s0 =	simm.s32 @!p2 $0x0  }
0x16: {  	s3 =	sld [smem:$0x3FDB];
	s0 =	simm.s32 @p2 $0x1  }
0x17: {  	s4 =	simm.s32 $0x1BF5;
	[smem:$0x3FB7] =	sst s0  }
0x18: {  	s0 =	sld [smem:$0x3F9A];
	_ =	swait.ge [sflag:s4], $0x0  }
0x19: {  	s7 =	sld [smem:$0x3F9B]  }
0x1a: {  	s8 =	sadd.s32 $0xFFFFE003, lr  }
0x1b: {  	s9 =	sadd.s32 $0xFFFFFEF7, lr;
	s5 =	simm.s32 $0xFFFFFFFF;
	p2 =	slt.u32 s8, $0xFFFFF086  }
0x1c: {  	p1 =	slt.u32 s9, $0xF7A;
	s5 =	simm.s32 @!p2 $0x0  }
0x1d: {  	s5 =	simm.s32 @p1 $0x1;
	p0 =	seq.s32 s7, s2  }
0x1e: {  	s7 =	smul.u32 @!p0 $0xF7A, s2;
	p2 =	seq.s32 @!p0 s5, $0x0  }
0x1f: {  	s9 =	smul.u32 $0xF7A, s1;
	s8 =	simm.s32 @!p0 $0x1BF5;
	p2 =	por !p2, p0  }
0x20: {  	[sflag:s8] =	ssyncset.s32 @!p0 $0xFFFFF086;
	s6 =	sadd.s32 @!p0 s3, s7;
	s7 =	simm.s32 @!p0 $0x108  }
0x21: {  	s3 =	sadd.s32 s3, s9;
	s6 =	sadd.s32 @!p0 $0x88, s6;
	s7 =	simm.s32 @p2 $0x1082  }
0x22: {  	[simem:s7], [sflag:s8] =	dma.local @!p0 [hbm:s6], $0xF7A  }
0x23: {  	s9 =	sor.u32 $0xD0000000, s2;
	s6 =	simm.s32 $0x108;
	_ =	swait.ge @!p0 [sflag:s8], $0x0  }
0x24: {  	s3 =	sadd.s32 $0x88, s3;
	s6 =	simm.s32 @!p1 $0x1082;
	[sflag:s4] =	ssyncset.s32 $0xFFFFF086  }
0x25: {  	[simem:s6], [sflag:s4] =	dma.local [hbm:s3], $0xF7A  }
0x26: {  	[smem:$0x3F9B] =	sst s1;
	(tag) =	ssettag s2;
	_ =	strace s9  }
0x27: {  	s1 =	sld [smem:$0x3FAB]  }
0x28: {  	s2 =	sld [smem:$0x3FAC]  }
0x29: {  	s4 =	sld [smem:$0x3FAE]  }
0x2a: {  	p0 =	seq.s32 s5, $0x0;
	s5 =	sld [smem:$0x3FAF]  }
0x2b: {  	s6 =	sld [smem:$0x3FB0]  }
0x2c: {  	s7 =	sld [smem:$0x3FB1]  }
0x2d: {  	s3 =	simm.s32 $0x108;
	s8 =	sld [smem:$0x3FB2]  }
0x2e: {  	s3 =	simm.s32 @!p0 $0x1082;
	s9 =	sld [smem:$0x3FB3]  }
0x2f: {  	lr =	sadd.s32 s0, s3;
	s0 =	sld [smem:$0x3FAA]  }
0x30: {  	s3 =	sld [smem:$0x3FAD]  }
0x31: {  	[smem:$0x3FB6] =	sst s10  }
0x32: {  	s10 =	sld [smem:$0x3FB4];
	_ =	sdelay $0x3  }
0x33: {  	p0 =	seq.s32 s10, $0x1;
	s10 =	sld [smem:$0x3FB6];
	_ =	sdelay $0x3  }
0x34: {  	[smem:$0x3FB6] =	sst s10  }
0x35: {  	s10 =	sld [smem:$0x3FB5];
	_ =	sdelay $0x3  }
0x36: {  	p1 =	seq.s32 s10, $0x1;
	s10 =	sld [smem:$0x3FB6];
	_ =	sdelay $0x3  }
0x37: {  	[smem:$0x3FB6] =	sst s10  }
0x38: {  	s10 =	sld [smem:$0x3FB7]  }
0x39: {  	_ = 	snop;
	(pc) =	sbr.ind lr, $3  }
0x3a: {  	_ = 	snop  }
0x3b: {  	_ = 	snop  }
0x3c: {  	p2 =	seq.s32 s10, $0x1;
	s10 =	sld [smem:$0x3FB6]  }
0x3d: {  	_ =	shalt  }
0x3e: {  	_ =	shalt  }
0x3f: {  	_ =	shalt  }
0x40: {  	_ =	shalt  }
0x41: {  	_ =	shalt  }
0x42: {  	_ =	shalt  }
0x43: {  	_ =	shalt  }
0x44: {  	_ =	shalt  }
0x45: {  	_ =	shalt  }
0x46: {  	_ =	shalt  }
0x47: {  	_ =	shalt  }
0x48: {  	_ =	shalt  }
0x49: {  	_ =	shalt  }
0x4a: {  	_ =	shalt  }
0x4b: {  	_ =	shalt  }
0x4c: {  	_ =	shalt  }
0x4d: {  	_ =	shalt  }
0x4e: {  	_ =	shalt  }
0x4f: {  	_ =	shalt  }
0x50: {  	_ =	shalt  }
0x51: {  	_ =	shalt  }
0x52: {  	_ =	shalt  }
0x53: {  	_ =	shalt  }
0x54: {  	_ =	shalt  }
0x55: {  	_ =	shalt  }
0x56: {  	_ =	shalt  }
0x57: {  	_ =	shalt  }
0x58: {  	_ =	shalt  }
0x59: {  	_ =	shalt  }
0x5a: {  	_ =	shalt  }
0x5b: {  	_ =	shalt  }
0x5c: {  	_ =	shalt  }
0x5d: {  	_ =	shalt  }
0x5e: {  	_ =	shalt  }
0x5f: {  	_ =	shalt  }
0x60: {  	_ =	shalt  }
0x61: {  	_ =	shalt  }
0x62: {  	_ =	shalt  }
0x63: {  	_ =	shalt  }
0x64: {  	_ =	shalt  }
0x65: {  	_ =	shalt  }
0x66: {  	_ =	shalt  }
0x67: {  	_ =	shalt  }
0x68: {  	_ =	shalt  }
0x69: {  	_ =	shalt  }
0x6a: {  	_ =	shalt  }
0x6b: {  	_ =	shalt  }
0x6c: {  	_ =	shalt  }
0x6d: {  	_ =	shalt  }
0x6e: {  	_ =	shalt  }
0x6f: {  	_ =	shalt  }
0x70: {  	_ =	shalt  }
0x71: {  	_ =	shalt  }
0x72: {  	_ =	shalt  }
0x73: {  	_ =	shalt  }
0x74: {  	_ =	shalt  }
0x75: {  	_ =	shalt  }
0x76: {  	_ =	shalt  }
0x77: {  	_ =	shalt  }
0x78: {  	_ =	shalt  }
0x79: {  	_ =	shalt  }
0x7a: {  	_ =	shalt  }
0x7b: {  	_ =	shalt  }
0x7c: {  	_ =	shalt  }
0x7d: {  	_ =	shalt  }
0x7e: {  	_ =	shalt  }
0x7f: {  	_ =	shalt  }
0x80: {  	_ =	shalt  }
0x81: {  	_ =	shalt  }
0x82: {  	_ =	shalt  }
0x83: {  	_ =	shalt  }
0x84: {  	_ =	shalt  }
0x85: {  	_ =	shalt  }
0x86: {  	_ =	shalt  }
0x87: {  	_ =	shalt  }
.Lfunc_end0:
.L_simem_size_0:
called_computation_lowered:
.L_overlay_start_0:
0x88: {  	s2 =	sld [smem:$0x3FD9]  }
0x89: {  	s3 =	sld [smem:$0x3FFE];
	_ =	sdelay $0x1  }
0x8a: {  	s1 =	srdreg.scid  }
0x8b: {  	s0 =	sand.u32 $0x1, s1  }
0x8c: {  	s17 =	sshll.u32 s0, $0xA;
	s2 =	sadd.s32 s3, s2  }
0x8d: {  	s2 =	sadd.s32 s2, s17  }
0x8e: {  	[smem:$0x3FC2] =	sst s2  }
0x8f: {  	_ = 	snop  }
0x90: {  	s2 =	sld [smem:$0x3FD0];
	(tm) =	ssettm $0x1  }
0x91: {  	s18 =	sld [smem:$0x3FFB];
	_ =	sdelay $0x3  }
0x92: {  	_ =	strace s18  }
0x93: {  	s3 =	sld [smem:$0x3FFC];
	_ =	sdelay $0x3  }
0x94: {  	_ =	strace s3  }
0x95: {  	s3 =	sld [smem:$0x3FFD];
	_ =	sdelay $0x3  }
0x96: {  	_ =	strace s3  }
0x97: {  	_ =	strace $0x8FFFFFFF  }
0x98: {  	s19 =	sld [smem:$0x3FDB];
	_ =	sdelay $0x1  }
0x99: {  	s4 =	simm.s32 $_scs_section_size  }
0x9a: {  	s5 =	simm.s32 $_size__tile_overlayer_lowered;
	s6 =	simm.s32 $_tile_overlayer_lowered  }
0x9b: {  	s22 =	simm.s32 $0x1BFF;
	s21 =	sshll.u32 s6, $0x1;
	s3 =	sadd.s32 s4, s19  }
0x9c: {  	s7 =	simm.s32 $0x0;
	s20 =	sshll.u32 s5, $0x1;
	s5 =	sadd.s32 s21, s3  }
0x9d: {  	[timem:s7], [sflag:s22] =	dma.local [hbm:s5], s20  }
0x9e: {  	_ =	swait.ge [sflag:s22], s20  }
0x9f: {  	s4 =	ssub.s32 $0x0, s20;
	[sflag:s22] =	ssyncset.done $0x0  }
0xa0: {  	[sflag:s22] =	ssyncadd.s32 s4;
	_ =	sdelay $0x1  }
0xa1: {  	s23 =	simm.s32 $0x1B8B  }
0xa2: {  	_ =	swait.ge [sflag:s23], $0x1  }
0xa3: {  	[sflag:s23] =	ssyncset.done $0x0  }
0xa4: {  	s25 =	simm.s32 $0x1B8E;
	s24 =	sld [smem:$0x3FFE];
	[sflag:s23] =	ssyncadd.s32 $0xFFFFFFFF  }
0xa5: {  	s26 =	simm.s32 $execute0_lowered;
	[smem:$0x3FD2] =	sst s25  }
0xa6: {  	s5 =	sshll.u32 s26, $0x1;
	_ =	strace $0x80000046;
	[dreg:$0x1] =	wrdreg $0xFFFFFFFF  }
0xa7: {  	s28 =	simm.s32 $_size_execute0_lowered;
	s3 =	sadd.s32 s3, s5;
	[dreg:$0x0] =	wrdreg $0x0  }
0xa8: {  	s5 =	sshll.u32 s28, $0x1;
	[dreg:$0x2] =	wrdreg s3  }
0xa9: {  	[dreg:$0x3] =	wrdreg s5  }
0xaa: {  	[dreg:$0x4] =	wrdreg $0xC0  }
0xab: {  	_ =	task [dreg:s7], $0x5FFFF  }
0xac: {  	[dreg:$0x1] =	wrdreg $0xFFFFFFFF  }
0xad: {  	[dreg:$0x0] =	wrdreg $0x60  }
0xae: {  	[dreg:$0x2] =	wrdreg s24  }
0xaf: {  	[dreg:$0x3] =	wrdreg s2  }
0xb0: {  	[dreg:$0x4] =	wrdreg $0x9  }
0xb1: {  	_ =	task.clear_ibuf [dreg:s7], $0x5FFFF;
	_ =	strace $0x90000046  }
0xb2: {  	s29 =	simm.s32 $0x9;
	_ =	strace $0x80000048  }
0xb3: {  	_ =	swait.ge [sflag:s29], $0x1  }
0xb4: {  	[sflag:s29] =	ssyncadd.s32 $0xFFFFFFFF  }
0xb5: {  	_ =	strace $0x90000048  }
0xb6: {  	_ =	sfence  }
0xb7: {  	s30 =	sld [smem:$0x0];
	_ =	sdelay $0x2  }
0xb8: {  	s31 =	sshll.u32 s1, $0xD;
	s1 =	sshrl.u32 s1, $0x2  }
0xb9: {  	s3 =	sand.u32 $0x4000, s31;
	s1 =	sadd.s32 s1, s30  }
0xba: {  	s0 =	sor.u32 s3, s0;
	s1 =	sshll.u32 s1, $0x11  }
0xbb: {  	s0 =	sor.u32 s1, s0  }
0xbc: {  	s0 =	sadd.s32 $0x8F2B, s0  }
0xbd: {  	[sflag:s0] =	ssyncadd.remote.s32 $0x1  }
0xbe: {  	_ =	sfence.sel $0xFFFF  }
0xbf: {  	[dreg:$0x0] =	wrdreg $0xFFFFFFFF;
	(pc) =	sbr.abs _section_cstart, $3  }
0xc0: {  	[dreg:$0x1] =	wrdreg $0xFFFFFFFF  }
0xc1: {  	_ =	task.clear_ibuf [dreg:s7], $0x2FFFF;
	_ =	strace $0x9FFFFFFF  }
0xc2: {  	(tm) =	ssettm $0x7FFFFFFF  }
0xc3: {  	_ =	shalt  }
tec
execute0_lowered:
.L_overlay_start_1:
0x0: {  	(tag) =	ssettag $0x1  }
0x1: {  	s0 =	srdreg.scid  }
0x2: {  	s4 =	rddreg [dreg:$0x0];
	s3 =	sand.u32 $0x1, s0  }
0x3: {  	s5 =	rddreg [dreg:$0x1];
	s0 =	stileid.u32;
	s1 =	sshll.u32 s3, $0x4  }
0x4: {  	s2 =	simm.s32 $0x0;
	s9 =	simm.s32 $0x400;
	s6 =	sor.u32 s0, s1  }
0x5: {  	s10 =	simm.s32 $0x0;
	[smem:$0x7FF] =	sst s2;
	s7 =	sshrl.u32 s6, $0x3  }
0x6: {  	s8 =	sshll.u32 s0, $0x7;
	s3 =	ssub.s32 $0x2, s3;
	s7 =	smul.u32 $0x13C00, s7  }
0x7: {  	s1 =	rddreg [dreg:$0x2];
	s8 =	sand.u32 $0x380, s8;
	s6 =	smul.u32 $0x2800, s6  }
0x8: {  	_ =	strace $0x80000047;
	s31 =	sshrl.u32 s3, $0x1;
	s7 =	sor.u32 s8, s7  }
0x9: {  	s4 =	sadd.s32 s6, s4;
	s6 =	ssub.s32 s3, s31;
	s7 =	sshrl.u32 s7, $0x3  }
0xa: {  	s3 =	sadd.s32 $0xCA00, s4;
	s8 =	simm.s32 $0x80;
	s4 =	sadd.s32 s5, s7  }
0xb: {  	v0 =	vimm.f32 $0.0e+00;
	v1 =	vimm.f32 $1.000000000e+00;
	s5 =	smax.u32 s6, $0x1;
	s6 =	simm.s32 $0x1;
	s7 =	simm.s32 $0x14000  }
.LBB2_1:
0xc: {  	[tilespmem:s2], [sflag:$0x1] =	stream.linear.gather [hbm4b:s3+s2], $0x14000, $0x38;
	[tilespmem:$0x16780] =	vst v63  }
0xd: {  	_ =	swait.ge [sflag:s6], $0x14000  }
0xe: {  	[sflag:s6] =	ssyncset.done $0x0  }
0xf: {  	s11 =	simm.s32 $0x0;
	[sflag:s6] =	ssyncadd.s32 $0xFFFEC000  }
.LBB2_2:
0x10: {  	p0 =	sne.s32 s11, $0x9DC0  }
.Ltmp0:
0x11: {  	_ = 	snop;
	(pc) =	sbr.rel @p0 .LBB2_2-.Ltmp0, $3  }
0x12: {  	_ =	sdelay $0x1  }
0x13: {  	s12 =	sshra.s32 s11, $0x2  }
0x14: {  	s11 =	sadd.s32 $0x40, s11;
	[tilespmem:s12+$0x14000] =	vst v0  }
0x15: {  	s12 =	simm.s32 $0x0;
	s11 =	simm.s32 $0x200  }
.LBB2_4:
0x16: {  	p0 =	sne.s32 s11, $0x4FE00;
	v2 =	vld [tilespmem:s12+$0x0];
	_ =	sdelay $0x3  }
.Ltmp1:
0x17: {  	(pc) =	sbr.rel @p0 .LBB2_4-.Ltmp1, $2  }
0x18: {  	_ =	sdelay $0x2  }
0x19: {  	s12 =	sshra.s32 s11, $0x2;
	s11 =	sadd.s32 $0x200, s11;
	[tilespmem:v2+s7+$0x0] =	vst.idx.add.f32.msk $0xffff, v1  }
0x1a: {  	v2 =	vld [tilespmem:s12+$0x0];
	_ =	sdelay $0x5  }
0x1b: {  	s10 =	sadd.s32 $0x1, s10  }
0x1c: {  	p0 =	sne.s32 s10, s5  }
.Ltmp2:
0x1d: {  	[tilespmem:v2+s7+$0x0] =	vst.idx.add.f32.msk $0xffff, v1;
	(pc) =	sbr.rel @p0 .LBB2_1-.Ltmp2, $4  }
0x1e: {  	[hbm4b:s4+s8] =	stream.strided.scatter [tilespmem:s7], [sflag:$0x1], $0x2780, s9, s8, $0x38;
	[tilespmem:$0x16780] =	vst v63  }
0x1f: {  	_ =	swait.ge [sflag:s6], $0x2780  }
0x20: {  	[sflag:s6] =	ssyncset.done $0x0  }
0x21: {  	[sflag:s6] =	ssyncadd.s32 $0xFFFFD880  }
0x22: {  	_ =	sfence.sel $0x180000  }
0x23: {  	[bflag:$0x0] =	sbarrier.arrive $0xFFFF  }
0x24: {  	p0 =	sne.s32 s0, $0x0;
	_ =	strace $0x90000047  }
0x25: {  	s0 =	sadd.s32 @!p0 $0x100000, s1;
	[bflag:$0x2] =	sbarrier.arrive $0xFFFF  }
0x26: {  	[sflag:s0] =	ssyncadd.tile.s32 @!p0 $0x1;
	_ =	shalt  }
.Lfunc_end2:
_tile_overlayer_lowered:
.L_overlay_start_2:
0x27: {  	(tag) =	ssettag $0x2  }
0x28: {  	s0 =	rddreg [dreg:$0x0];
	s2 =	stileid.u32  }
0x29: {  	s1 =	rddreg [dreg:$0x1];
	p0 =	sne.s32 s2, $0x0  }
0x2a: {  	s3 =	rddreg [dreg:$0x2];
	[bflag:$0x3] =	sbarrier.arrive $0xFFFF;
	s2 =	simm.s32 @!p0 $0x1C01  }
0x2b: {  	[timem:s3], [sflag:s2] =	dma.local @!p0 [hbm:s0], s1  }
0x2c: {  	s0 =	simm.s32 @!p0 $0x1  }
0x2d: {  	_ =	swait.ge @!p0 [sflag:s0], s1  }
0x2e: {  	s1 =	ssub.s32 @!p0 $0x0, s1;
	[sflag:s0] =	ssyncset.done @!p0 $0x0  }
0x2f: {  	[sflag:s0] =	ssyncadd.s32 @!p0 s1  }
0x30: {  	[bflag:$0x3] =	sbarrier.arrive $0xFFFF  }
0x31: {  	_ =	shalt  }

</sc_bundles>
